<compile_context>
chip_gen: v7x
topology: tpu7x:2x2x1
jax: 0.10.2.dev20260603
libtpu: 0.0.44.dev20260713+nightly
codegen_flags: <defaults>
</compile_context>

<pallas_src>
import functools
import math

import jax
import jax.numpy as jnp
from jax import lax
from jax.experimental import pallas as pl
from jax.experimental.pallas import tpu as pltpu
from jax.experimental.pallas import tpu_sc as plsc

N = 10000
E = 320000
D = 128
H = 8
DH = 16

NC = 2
NS = 16
L = 16
NW = NC * NS
EPW = E // NW
CH = 40
NCHUNK = EPW // CH
ACC_R = ((N + NS * L - 1) // (NS * L)) * NS * L
RPS = ACC_R // NS
ZB = 4
ROW = 136



def _qkv_body(x_ref, wq_ref, wk_ref, wv_ref, q_ref, kv_ref):
    xb = x_ref[...]
    q_ref[...] = jnp.dot(xb, wq_ref[...],
                         preferred_element_type=jnp.float32) * (1.0 / 4.0)
    kv_ref[:, :D] = jnp.dot(xb, wk_ref[...], preferred_element_type=jnp.float32)
    kv_ref[:, D:] = jnp.dot(xb, wv_ref[...], preferred_element_type=jnp.float32)


def _qkv(x, Wq, Wk, Wv):
    blk = 1000
    grid = (N // blk,)
    return pl.pallas_call(
        _qkv_body,
        grid=grid,
        in_specs=[
            pl.BlockSpec((blk, D), lambda i: (i, 0)),
            pl.BlockSpec((D, D), lambda i: (0, 0)),
            pl.BlockSpec((D, D), lambda i: (0, 0)),
            pl.BlockSpec((D, D), lambda i: (0, 0)),
        ],
        out_specs=[
            pl.BlockSpec((blk, D), lambda i: (i, 0)),
            pl.BlockSpec((blk, 2 * D), lambda i: (i, 0)),
        ],
        out_shape=[
            jax.ShapeDtypeStruct((N, D), jnp.float32),
            jax.ShapeDtypeStruct((N, 2 * D), jnp.float32),
        ],
    )(x, Wq, Wk, Wv)



def _eproj_body(ef_ref, we_ref, out_ref):
    out_ref[...] = jnp.dot(ef_ref[...], we_ref[...],
                           preferred_element_type=jnp.float32)


def _eproj(edge_feat, We):
    ef8 = edge_feat.reshape(E // 8, 8 * 16)
    we_bd = jnp.zeros((8 * 16, 8 * H), jnp.float32)
    for j in range(8):
        we_bd = we_bd.at[j * 16:(j + 1) * 16, j * H:(j + 1) * H].set(We)
    blk = 4000
    grid = (E // 8 // blk,)
    out = pl.pallas_call(
        _eproj_body,
        grid=grid,
        in_specs=[
            pl.BlockSpec((blk, 128), lambda i: (i, 0)),
            pl.BlockSpec((128, 64), lambda i: (0, 0)),
        ],
        out_specs=pl.BlockSpec((blk, 64), lambda i: (i, 0)),
        out_shape=jax.ShapeDtypeStruct((E // 8, 64), jnp.float32),
    )(ef8, we_bd)
    return out.reshape(E, H)



def _sc_edge_body(q_hbm, kv_hbm, ep_hbm, src_hbm, dst_hbm, out_hbm,
                  s0, s1, d0, d1, dc0, dc1, q0, q1, kv0, kv1, e0v, e1v,
                  m0, m1, zb_v, acc, sq0, sq1, sk0, sk1, ss0, ss1,
                  si0, si1):
    c = lax.axis_index("c")
    s = lax.axis_index("s")
    wid = s * NC + c
    ebase = wid * EPW

    srcs = (s0, s1)
    dsts = (d0, d1)
    dscat = (dc0, dc1)
    qs = (q0, q1)
    kvs = (kv0, kv1)
    eps = (e0v, e1v)
    msgs = (m0, m1)
    semq = (sq0, sq1)
    semk = (sk0, sk1)
    semsc = (ss0, ss1)
    semi = (si0, si1)

    zero = jnp.zeros((L,), jnp.float32)
    for i in range(ZB):
        for j in range(ROW // L):
            zb_v[i, pl.ds(j * L, L)] = zero
        zb_v[i, pl.ds(ROW - L, L)] = zero

    def _zero_acc(t, carry):
        pltpu.sync_copy(zb_v, acc.at[pl.ds(s * RPS + t * ZB, ZB)])
        return carry
    lax.fori_loop(0, RPS // ZB, _zero_acc, 0)
    plsc.subcore_barrier()

    lanes = lax.iota(jnp.int32, L)

    def _fetch_idx(t, b):
        base = ebase + t * CH
        pltpu.async_copy(src_hbm.at[pl.ds(base, CH)], srcs[b], semi[b])
        pltpu.async_copy(dst_hbm.at[pl.ds(base, CH)], dsts[b], semi[b])
        pltpu.async_copy(
            ep_hbm.at[pl.ds(wid * (EPW // 2) + t * (CH // 2), CH // 2)],
            eps[b], semi[b])

    def _wait_idx(b):
        pltpu.make_async_copy(src_hbm.at[pl.ds(0, CH)], srcs[b],
                              semi[b]).wait()
        pltpu.make_async_copy(dst_hbm.at[pl.ds(0, CH)], dsts[b],
                              semi[b]).wait()
        pltpu.make_async_copy(ep_hbm.at[pl.ds(0, CH // 2)], eps[b],
                              semi[b]).wait()

    def _start_gather(b):
        pltpu.async_copy(q_hbm.at[dsts[b]], qs[b], semq[b])
        pltpu.async_copy(kv_hbm.at[srcs[b]], kvs[b], semk[b])

    def _compute(b):
        q_v, kv_v, ep_v, msg_v = qs[b], kvs[b], eps[b], msgs[b]

        @plsc.parallel_loop(0, CH // 2, 1, unroll=4)
        def _pair(j):
            e0 = 2 * j
            score = jnp.zeros((L,), jnp.float32)
            for off, e in ((0, e0), (8, e0 + 1)):
                for h in range(H):
                    qh = q_v[e, pl.ds(h * DH, DH)]
                    kh = kv_v[e, pl.ds(h * DH, DH)]
                    score = jnp.where(lanes == off + h, jnp.sum(qh * kh),
                                      score)
            alpha16 = jnp.exp(score + ep_v[j, :])
            drows = e0 + lax.shift_right_logical(lanes, 2 + 1)
            dcols = D + (lanes & 7)
            plsc.store_scatter(msg_v, [drows, dcols], alpha16)
            for off, e in ((0, e0), (8, e0 + 1)):
                for h in range(H):
                    a = alpha16[off + h]
                    vh = kv_v[e, pl.ds(D + h * DH, DH)]
                    msg_v[e, pl.ds(h * DH, DH)] = a * vh

    _fetch_idx(0, 0)
    _wait_idx(0)
    _start_gather(0)
    _fetch_idx(1, 1)

    def _step(u, carry):
        for b in range(2):
            t = 2 * u + b
            pltpu.make_async_copy(q_hbm.at[dsts[b]], qs[b], semq[b]).wait()
            pltpu.make_async_copy(kv_hbm.at[srcs[b]], kvs[b], semk[b]).wait()

            @pl.when(t + 1 < NCHUNK)
            def _():
                _wait_idx(1 - b)
                _start_gather(1 - b)

            @pl.when(t >= 2)
            def _():
                pltpu.make_async_copy(
                    msgs[b], acc.at[dscat[b]], semsc[b]).wait()

            _compute(b)
            for o in (0, 16, CH - L):
                dscat[b][pl.ds(o, L)] = dsts[b][pl.ds(o, L)]
            pltpu.async_copy(msgs[b], acc.at[dscat[b]], semsc[b], add=True)

            @pl.when(t + 2 < NCHUNK)
            def _():
                _fetch_idx(t + 2, b)
        return carry
    lax.fori_loop(0, NCHUNK // 2, _step, 0)

    for b in range(2):
        pltpu.make_async_copy(msgs[b], acc.at[dscat[b]], semsc[b]).wait()
    plsc.subcore_barrier()
    pltpu.sync_copy(acc.at[pl.ds(s * RPS, RPS)],
                    out_hbm.at[c, pl.ds(s * RPS, RPS)])


def _edge_phase(q, kv, eproj, src, dst):
    mesh = plsc.VectorSubcoreMesh(core_axis_name="c", subcore_axis_name="s")
    run = pl.kernel(
        _sc_edge_body, mesh=mesh,
        compiler_params=pltpu.CompilerParams(
            needs_layout_passes=False, use_tc_tiling_on_sc=False),
        out_type=jax.ShapeDtypeStruct((NC, ACC_R, ROW), jnp.float32),
        scratch_types=(
            [pltpu.VMEM((CH,), jnp.int32)] * 6
            + [pltpu.VMEM((CH, D), jnp.float32)] * 2
            + [pltpu.VMEM((CH, 2 * D), jnp.float32)] * 2
            + [pltpu.VMEM((CH // 2, 2 * H), jnp.float32)] * 2
            + [pltpu.VMEM((CH, ROW), jnp.float32)] * 2
            + [pltpu.VMEM((ZB, ROW), jnp.float32)]
            + [pltpu.VMEM_SHARED((ACC_R, ROW), jnp.float32)]
            + [pltpu.SemaphoreType.DMA] * 8
        ),
    )
    return run(q, kv, eproj.reshape(E // 2, 2 * H), src, dst)



def _epi_body(acc_ref, x_ref, wout_ref, bout_ref, wg1_ref, wg2_ref,
              bg_ref, g1_ref, b1n_ref, w1_ref, bb1_ref, w2_ref, bb2_ref,
              g2_ref, b2n_ref, out_ref):
    a = acc_ref[0] + acc_ref[1]
    xb = x_ref[...]
    num = a[:, :D]
    rep = (jnp.arange(ROW)[:, None] == (D + jnp.arange(D)[None, :] // DH)
           ).astype(jnp.float32)
    den_rep = jnp.dot(a, rep, preferred_element_type=jnp.float32)
    agg = num / (den_rep + 1e-20)
    out_lin = jnp.dot(agg, wout_ref[...],
                      preferred_element_type=jnp.float32) + bout_ref[...]
    gz = (jnp.dot(out_lin, wg1_ref[...], preferred_element_type=jnp.float32)
          + jnp.dot(xb, wg2_ref[...], preferred_element_type=jnp.float32)
          + bg_ref[...])
    g = jax.nn.sigmoid(gz)
    h = g * out_lin + (1.0 - g) * xb
    mu = jnp.mean(h, axis=-1, keepdims=True)
    var = jnp.mean((h - mu) ** 2, axis=-1, keepdims=True)
    y = (h - mu) * jax.lax.rsqrt(var + 1e-5) * g1_ref[...] + b1n_ref[...]
    z = jnp.dot(y, w1_ref[...], preferred_element_type=jnp.float32) + bb1_ref[...]
    z = z * jax.nn.sigmoid(z)
    y2 = jnp.dot(z, w2_ref[...], preferred_element_type=jnp.float32) + bb2_ref[...]
    s = y + y2
    mu2 = jnp.mean(s, axis=-1, keepdims=True)
    var2 = jnp.mean((s - mu2) ** 2, axis=-1, keepdims=True)
    out_ref[...] = ((s - mu2) * jax.lax.rsqrt(var2 + 1e-5) * g2_ref[...]
                    + b2n_ref[...])


def _epilogue(acc, x, Wout, bout, Wg, bg, gamma1, beta1, W1, b1, W2, b2,
              gamma2, beta2):
    blk = 1000
    grid = (N // blk,)
    Wg1 = Wg[:D]
    Wg2 = Wg[D:]
    row = lambda i: (i, 0)
    full = lambda r, c: pl.BlockSpec((r, c), lambda i: (0, 0))
    vec = lambda c: pl.BlockSpec((1, c), lambda i: (0, 0))
    DFF = W1.shape[1]
    return pl.pallas_call(
        _epi_body,
        grid=grid,
        in_specs=[
            pl.BlockSpec((NC, blk, ROW), lambda i: (0, i, 0)),
            pl.BlockSpec((blk, D), row),
            full(D, D), vec(D), full(D, D), full(D, D), vec(D),
            vec(D), vec(D), full(D, DFF), vec(DFF), full(DFF, D), vec(D),
            vec(D), vec(D),
        ],
        out_specs=pl.BlockSpec((blk, D), row),
        out_shape=jax.ShapeDtypeStruct((N, D), jnp.float32),
    )(acc, x, Wout, bout.reshape(1, D), Wg1, Wg2, bg.reshape(1, D),
      gamma1.reshape(1, D), beta1.reshape(1, D), W1, b1.reshape(1, DFF),
      W2, b2.reshape(1, D), gamma2.reshape(1, D), beta2.reshape(1, D))


def kernel(x, edge_feat, edge_index, Wq, Wk, Wv, We, Wout, bout, Wg, bg,
           gamma1, beta1, W1, b1, W2, b2, gamma2, beta2):
    src = edge_index[0]
    dst = edge_index[1]
    q, kv = _qkv(x, Wq, Wk, Wv)
    eproj = _eproj(edge_feat, We)
    acc = _edge_phase(q, kv, eproj, src, dst)
    return _epilogue(acc, x, Wout, bout, Wg, bg, gamma1, beta1,
                     W1, b1, W2, b2, gamma2, beta2)

# --- scband reference (transcript-rebuilt; emitter-appended) ---
"""Pipeline reference for scband-gatlayer-32710470927091 (READ-ONLY COPY).

The authoritative reference and input builder live on the scoring server;
editing this copy changes nothing except your own understanding.
"""

import jax, jax.numpy as jnp
import numpy as np
import math

N = 10000
E = 320000
D = 128
H = 8
DH = 16
DE = 16
DFF = 256

def _layer_norm(x, g, b, eps=1e-5):
    mu = jnp.mean(x, axis=-1, keepdims=True)
    var = jnp.var(x, axis=-1, keepdims=True)
    return (x - mu) / jnp.sqrt(var + eps) * g + b

def _silu(x):
    return x * jax.nn.sigmoid(x)

def setup_inputs(seed: int = 0):
    key = jax.random.key(seed)
    ks = jax.random.split(key, 12)
    x = jax.random.normal(ks[0], (N, D), jnp.float32)
    edge_feat = jax.random.normal(ks[1], (E, DE), jnp.float32)
    edge_index = jax.random.randint(ks[2], (2, E), 0, N, jnp.int32)
    Wq = jax.random.normal(ks[3], (D, D), jnp.float32) * D ** -0.5
    Wk = jax.random.normal(ks[4], (D, D), jnp.float32) * D ** -0.5
    Wv = jax.random.normal(ks[5], (D, D), jnp.float32) * D ** -0.5
    We = jax.random.normal(ks[6], (DE, H), jnp.float32) * DE ** -0.5
    Wout = jax.random.normal(ks[7], (D, D), jnp.float32) * D ** -0.5
    bout = jnp.zeros((D,), jnp.float32)
    Wg = jax.random.normal(ks[8], (2 * D, D), jnp.float32) * (2 * D) ** -0.5
    bg = jnp.zeros((D,), jnp.float32)
    gamma1 = jnp.ones((D,), jnp.float32)
    beta1 = jnp.zeros((D,), jnp.float32)
    W1 = jax.random.normal(ks[9], (D, DFF), jnp.float32) * D ** -0.5
    b1 = jnp.zeros((DFF,), jnp.float32)
    W2 = jax.random.normal(ks[10], (DFF, D), jnp.float32) * DFF ** -0.5
    b2 = jnp.zeros((D,), jnp.float32)
    gamma2 = jnp.ones((D,), jnp.float32)
    beta2 = jnp.zeros((D,), jnp.float32)
    return {"x": x, "edge_feat": edge_feat, "edge_index": edge_index, "Wq": Wq, "Wk": Wk, "Wv": Wv, "We": We, "Wout": Wout, "bout": bout, "Wg": Wg, "bg": bg, "gamma1": gamma1, "beta1": beta1, "W1": W1, "b1": b1, "W2": W2, "b2": b2, "gamma2": gamma2, "beta2": beta2}

def reference(x, edge_feat, edge_index, Wq, Wk, Wv, We, Wout, bout, Wg, bg, gamma1, beta1, W1, b1, W2, b2, gamma2, beta2):
    src = edge_index[0]
    dst = edge_index[1]
    n = x.shape[0]
    q = (x[dst] @ Wq).reshape(-1, H, DH)
    k = (x[src] @ Wk).reshape(-1, H, DH)
    v = (x[src] @ Wv).reshape(-1, H, DH)
    score = jnp.sum(q * k, axis=-1) / math.sqrt(DH) + edge_feat @ We
    max_per_dst = jax.ops.segment_max(score, dst, num_segments=n)
    alpha = jnp.exp(score - max_per_dst[dst])
    den = jax.ops.segment_sum(alpha, dst, num_segments=n)
    msg = (alpha[..., None] * v).reshape(-1, H * DH)
    num = jax.ops.segment_sum(msg, dst, num_segments=n)
    agg = (num.reshape(n, H, DH) / (den[:, :, None] + 1e-08)).reshape(n, -1)
    out_lin = agg @ Wout + bout
    g = jax.nn.sigmoid(jnp.concatenate([out_lin, x], axis=-1) @ Wg + bg)
    h = g * out_lin + (1.0 - g) * x
    y = _layer_norm(h, gamma1, beta1)
    y2 = _silu(y @ W1 + b1) @ W2 + b2
    return _layer_norm(y + y2, gamma2, beta2)

if __name__ == "__main__":
    import jax
    _d = setup_inputs()
    print(jax.jit(kernel)(*tuple(_d.values())))

</pallas_src>

<mosaic_0001>
#map = affine_map<(d0, d1) -> (0, 0)>
#map1 = affine_map<(d0, d1) -> (0)>
#map2 = affine_map<(d0, d1) -> (0, 0, 0)>
module attributes {stable_mosaic.version = 14 : i64} {
  func.func @_sc_edge_body(%arg0: i32, %arg1: i32, %arg2: memref<10000x128xf32, #tpu.memory_space<hbm>>, %arg3: memref<10000x256xf32, #tpu.memory_space<hbm>>, %arg4: memref<160000x16xf32, #tpu.memory_space<hbm>>, %arg5: memref<320000xi32, #tpu.memory_space<hbm>>, %arg6: memref<320000xi32, #tpu.memory_space<hbm>>, %arg7: memref<2x10240x136xf32, #tpu.memory_space<hbm>>, %arg8: memref<40xi32, #tpu.memory_space<vmem>>, %arg9: memref<40xi32, #tpu.memory_space<vmem>>, %arg10: memref<40xi32, #tpu.memory_space<vmem>>, %arg11: memref<40xi32, #tpu.memory_space<vmem>>, %arg12: memref<40xi32, #tpu.memory_space<vmem>>, %arg13: memref<40xi32, #tpu.memory_space<vmem>>, %arg14: memref<40x128xf32, #tpu.memory_space<vmem>>, %arg15: memref<40x128xf32, #tpu.memory_space<vmem>>, %arg16: memref<40x256xf32, #tpu.memory_space<vmem>>, %arg17: memref<40x256xf32, #tpu.memory_space<vmem>>, %arg18: memref<20x16xf32, #tpu.memory_space<vmem>>, %arg19: memref<20x16xf32, #tpu.memory_space<vmem>>, %arg20: memref<40x136xf32, #tpu.memory_space<vmem>>, %arg21: memref<40x136xf32, #tpu.memory_space<vmem>>, %arg22: memref<4x136xf32, #tpu.memory_space<vmem>>, %arg23: memref<10240x136xf32, #tpu.memory_space<vmem_shared>>, %arg24: memref<!tpu.dma_semaphore, #tpu.memory_space<semaphore_mem>>, %arg25: memref<!tpu.dma_semaphore, #tpu.memory_space<semaphore_mem>>, %arg26: memref<!tpu.dma_semaphore, #tpu.memory_space<semaphore_mem>>, %arg27: memref<!tpu.dma_semaphore, #tpu.memory_space<semaphore_mem>>, %arg28: memref<!tpu.dma_semaphore, #tpu.memory_space<semaphore_mem>>, %arg29: memref<!tpu.dma_semaphore, #tpu.memory_space<semaphore_mem>>, %arg30: memref<!tpu.dma_semaphore, #tpu.memory_space<semaphore_mem>>, %arg31: memref<!tpu.dma_semaphore, #tpu.memory_space<semaphore_mem>>) attributes {dimension_semantics = [#tpu.dimension_semantics<core_parallel>, #tpu.dimension_semantics<subcore_parallel>], iteration_bounds = array<i64: 2, 16>, scalar_prefetch = 0 : i64, scratch_operands = 24 : i64, tpu.core_type = #tpu.core_type<sc_vector_subcore>, window_params = [{transform_indices = #map}, {transform_indices = #map}, {transform_indices = #map}, {transform_indices = #map1}, {transform_indices = #map1}, {transform_indices = #map2}]} {
    %mul3A = arith.constant 2 : i32
    %mul3A_0 = arith.muli %arg1, %mul3A : i32
    %add3A = arith.addi %mul3A_0, %arg0 : i32
    %mul3A_1 = arith.constant 10000 : i32
    %mul3A_2 = arith.muli %add3A, %mul3A_1 : i32
    %broadcast_in_dim3A = arith.constant 0.000000e+00 : f32
    %broadcast_in_dim3A_3 = vector.broadcast %broadcast_in_dim3A : f32 to vector<16xf32>
    %swap3A = arith.constant 0 : i32
    %swap3A_4 = arith.index_cast %swap3A : i32 to index
    %swap3A_5 = arith.constant 0 : index
    %swap3A_6 = tpu.vector_load %arg22[%swap3A_4, %swap3A_5] {strides = array<i32>} : memref<4x136xf32, #tpu.memory_space<vmem>>, vector<16xf32>,
    tpu.vector_store %arg22[%swap3A_4, %swap3A_5], %broadcast_in_dim3A_3 {strides = array<i32>} : memref<4x136xf32, #tpu.memory_space<vmem>>, vector<16xf32>,
    %swap3A_7 = arith.constant 0 : i32
    %swap3A_8 = arith.index_cast %swap3A_7 : i32 to index
    %swap3A_9 = arith.constant 16 : index
    %swap3A_10 = tpu.vector_load %arg22[%swap3A_8, %swap3A_9] {strides = array<i32>} : memref<4x136xf32, #tpu.memory_space<vmem>>, vector<16xf32>,
    tpu.vector_store %arg22[%swap3A_8, %swap3A_9], %broadcast_in_dim3A_3 {strides = array<i32>} : memref<4x136xf32, #tpu.memory_space<vmem>>, vector<16xf32>,
    %swap3A_11 = arith.constant 0 : i32
    %swap3A_12 = arith.index_cast %swap3A_11 : i32 to index
    %swap3A_13 = arith.constant 32 : index
    %swap3A_14 = tpu.vector_load %arg22[%swap3A_12, %swap3A_13] {strides = array<i32>} : memref<4x136xf32, #tpu.memory_space<vmem>>, vector<16xf32>,
    tpu.vector_store %arg22[%swap3A_12, %swap3A_13], %broadcast_in_dim3A_3 {strides = array<i32>} : memref<4x136xf32, #tpu.memory_space<vmem>>, vector<16xf32>,
    %swap3A_15 = arith.constant 0 : i32
    %swap3A_16 = arith.index_cast %swap3A_15 : i32 to index
    %swap3A_17 = arith.constant 48 : index
    %swap3A_18 = tpu.vector_load %arg22[%swap3A_16, %swap3A_17] {strides = array<i32>} : memref<4x136xf32, #tpu.memory_space<vmem>>, vector<16xf32>,
    tpu.vector_store %arg22[%swap3A_16, %swap3A_17], %broadcast_in_dim3A_3 {strides = array<i32>} : memref<4x136xf32, #tpu.memory_space<vmem>>, vector<16xf32>,
    %swap3A_19 = arith.constant 0 : i32
    %swap3A_20 = arith.index_cast %swap3A_19 : i32 to index
    %swap3A_21 = arith.constant 64 : index
    %swap3A_22 = tpu.vector_load %arg22[%swap3A_20, %swap3A_21] {strides = array<i32>} : memref<4x136xf32, #tpu.memory_space<vmem>>, vector<16xf32>,
    tpu.vector_store %arg22[%swap3A_20, %swap3A_21], %broadcast_in_dim3A_3 {strides = array<i32>} : memref<4x136xf32, #tpu.memory_space<vmem>>, vector<16xf32>,
    %swap3A_23 = arith.constant 0 : i32
    %swap3A_24 = arith.index_cast %swap3A_23 : i32 to index
    %swap3A_25 = arith.constant 80 : index
    %swap3A_26 = tpu.vector_load %arg22[%swap3A_24, %swap3A_25] {strides = array<i32>} : memref<4x136xf32, #tpu.memory_space<vmem>>, vector<16xf32>,
    tpu.vector_store %arg22[%swap3A_24, %swap3A_25], %broadcast_in_dim3A_3 {strides = array<i32>} : memref<4x136xf32, #tpu.memory_space<vmem>>, vector<16xf32>,
    %swap3A_27 = arith.constant 0 : i32
    %swap3A_28 = arith.index_cast %swap3A_27 : i32 to index
    %swap3A_29 = arith.constant 96 : index
    %swap3A_30 = tpu.vector_load %arg22[%swap3A_28, %swap3A_29] {strides = array<i32>} : memref<4x136xf32, #tpu.memory_space<vmem>>, vector<16xf32>,
    tpu.vector_store %arg22[%swap3A_28, %swap3A_29], %broadcast_in_dim3A_3 {strides = array<i32>} : memref<4x136xf32, #tpu.memory_space<vmem>>, vector<16xf32>,
    %swap3A_31 = arith.constant 0 : i32
    %swap3A_32 = arith.index_cast %swap3A_31 : i32 to index
    %swap3A_33 = arith.constant 112 : index
    %swap3A_34 = tpu.vector_load %arg22[%swap3A_32, %swap3A_33] {strides = array<i32>} : memref<4x136xf32, #tpu.memory_space<vmem>>, vector<16xf32>,
    tpu.vector_store %arg22[%swap3A_32, %swap3A_33], %broadcast_in_dim3A_3 {strides = array<i32>} : memref<4x136xf32, #tpu.memory_space<vmem>>, vector<16xf32>,
    %swap3A_35 = arith.constant 0 : i32
    %swap3A_36 = arith.index_cast %swap3A_35 : i32 to index
    %swap3A_37 = arith.constant 120 : index
    %swap3A_38 = tpu.vector_load %arg22[%swap3A_36, %swap3A_37] {strides = array<i32>} : memref<4x136xf32, #tpu.memory_space<vmem>>, vector<16xf32>,
    tpu.vector_store %arg22[%swap3A_36, %swap3A_37], %broadcast_in_dim3A_3 {strides = array<i32>} : memref<4x136xf32, #tpu.memory_space<vmem>>, vector<16xf32>,
    %swap3A_39 = arith.constant 1 : i32
    %swap3A_40 = arith.index_cast %swap3A_39 : i32 to index
    %swap3A_41 = arith.constant 0 : index
    %swap3A_42 = tpu.vector_load %arg22[%swap3A_40, %swap3A_41] {strides = array<i32>} : memref<4x136xf32, #tpu.memory_space<vmem>>, vector<16xf32>,
    tpu.vector_store %arg22[%swap3A_40, %swap3A_41], %broadcast_in_dim3A_3 {strides = array<i32>} : memref<4x136xf32, #tpu.memory_space<vmem>>, vector<16xf32>,
    %swap3A_43 = arith.constant 1 : i32
    %swap3A_44 = arith.index_cast %swap3A_43 : i32 to index
    %swap3A_45 = arith.constant 16 : index
    %swap3A_46 = tpu.vector_load %arg22[%swap3A_44, %swap3A_45] {strides = array<i32>} : memref<4x136xf32, #tpu.memory_space<vmem>>, vector<16xf32>,
    tpu.vector_store %arg22[%swap3A_44, %swap3A_45], %broadcast_in_dim3A_3 {strides = array<i32>} : memref<4x136xf32, #tpu.memory_space<vmem>>, vector<16xf32>,
    %swap3A_47 = arith.constant 1 : i32
    %swap3A_48 = arith.index_cast %swap3A_47 : i32 to index
    %swap3A_49 = arith.constant 32 : index
    %swap3A_50 = tpu.vector_load %arg22[%swap3A_48, %swap3A_49] {strides = array<i32>} : memref<4x136xf32, #tpu.memory_space<vmem>>, vector<16xf32>,
    tpu.vector_store %arg22[%swap3A_48, %swap3A_49], %broadcast_in_dim3A_3 {strides = array<i32>} : memref<4x136xf32, #tpu.memory_space<vmem>>, vector<16xf32>,
    %swap3A_51 = arith.constant 1 : i32
    %swap3A_52 = arith.index_cast %swap3A_51 : i32 to index
    %swap3A_53 = arith.constant 48 : index
    %swap3A_54 = tpu.vector_load %arg22[%swap3A_52, %swap3A_53] {strides = array<i32>} : memref<4x136xf32, #tpu.memory_space<vmem>>, vector<16xf32>,
    tpu.vector_store %arg22[%swap3A_52, %swap3A_53], %broadcast_in_dim3A_3 {strides = array<i32>} : memref<4x136xf32, #tpu.memory_space<vmem>>, vector<16xf32>,
    %swap3A_55 = arith.constant 1 : i32
    %swap3A_56 = arith.index_cast %swap3A_55 : i32 to index
    %swap3A_57 = arith.constant 64 : index
    %swap3A_58 = tpu.vector_load %arg22[%swap3A_56, %swap3A_57] {strides = array<i32>} : memref<4x136xf32, #tpu.memory_space<vmem>>, vector<16xf32>,
    tpu.vector_store %arg22[%swap3A_56, %swap3A_57], %broadcast_in_dim3A_3 {strides = array<i32>} : memref<4x136xf32, #tpu.memory_space<vmem>>, vector<16xf32>,
    %swap3A_59 = arith.constant 1 : i32
    %swap3A_60 = arith.index_cast %swap3A_59 : i32 to index
    %swap3A_61 = arith.constant 80 : index
    %swap3A_62 = tpu.vector_load %arg22[%swap3A_60, %swap3A_61] {strides = array<i32>} : memref<4x136xf32, #tpu.memory_space<vmem>>, vector<16xf32>,
    tpu.vector_store %arg22[%swap3A_60, %swap3A_61], %broadcast_in_dim3A_3 {strides = array<i32>} : memref<4x136xf32, #tpu.memory_space<vmem>>, vector<16xf32>,
    %swap3A_63 = arith.constant 1 : i32
    %swap3A_64 = arith.index_cast %swap3A_63 : i32 to index
    %swap3A_65 = arith.constant 96 : index
    %swap3A_66 = tpu.vector_load %arg22[%swap3A_64, %swap3A_65] {strides = array<i32>} : memref<4x136xf32, #tpu.memory_space<vmem>>, vector<16xf32>,
    tpu.vector_store %arg22[%swap3A_64, %swap3A_65], %broadcast_in_dim3A_3 {strides = array<i32>} : memref<4x136xf32, #tpu.memory_space<vmem>>, vector<16xf32>,
    %swap3A_67 = arith.constant 1 : i32
    %swap3A_68 = arith.index_cast %swap3A_67 : i32 to index
    %swap3A_69 = arith.constant 112 : index
    %swap3A_70 = tpu.vector_load %arg22[%swap3A_68, %swap3A_69] {strides = array<i32>} : memref<4x136xf32, #tpu.memory_space<vmem>>, vector<16xf32>,
    tpu.vector_store %arg22[%swap3A_68, %swap3A_69], %broadcast_in_dim3A_3 {strides = array<i32>} : memref<4x136xf32, #tpu.memory_space<vmem>>, vector<16xf32>,
    %swap3A_71 = arith.constant 1 : i32
    %swap3A_72 = arith.index_cast %swap3A_71 : i32 to index
    %swap3A_73 = arith.constant 120 : index
    %swap3A_74 = tpu.vector_load %arg22[%swap3A_72, %swap3A_73] {strides = array<i32>} : memref<4x136xf32, #tpu.memory_space<vmem>>, vector<16xf32>,
    tpu.vector_store %arg22[%swap3A_72, %swap3A_73], %broadcast_in_dim3A_3 {strides = array<i32>} : memref<4x136xf32, #tpu.memory_space<vmem>>, vector<16xf32>,
    %swap3A_75 = arith.constant 2 : i32
    %swap3A_76 = arith.index_cast %swap3A_75 : i32 to index
    %swap3A_77 = arith.constant 0 : index
    %swap3A_78 = tpu.vector_load %arg22[%swap3A_76, %swap3A_77] {strides = array<i32>} : memref<4x136xf32, #tpu.memory_space<vmem>>, vector<16xf32>,
    tpu.vector_store %arg22[%swap3A_76, %swap3A_77], %broadcast_in_dim3A_3 {strides = array<i32>} : memref<4x136xf32, #tpu.memory_space<vmem>>, vector<16xf32>,
    %swap3A_79 = arith.constant 2 : i32
    %swap3A_80 = arith.index_cast %swap3A_79 : i32 to index
    %swap3A_81 = arith.constant 16 : index
    %swap3A_82 = tpu.vector_load %arg22[%swap3A_80, %swap3A_81] {strides = array<i32>} : memref<4x136xf32, #tpu.memory_space<vmem>>, vector<16xf32>,
    tpu.vector_store %arg22[%swap3A_80, %swap3A_81], %broadcast_in_dim3A_3 {strides = array<i32>} : memref<4x136xf32, #tpu.memory_space<vmem>>, vector<16xf32>,
    %swap3A_83 = arith.constant 2 : i32
    %swap3A_84 = arith.index_cast %swap3A_83 : i32 to index
    %swap3A_85 = arith.constant 32 : index
    %swap3A_86 = tpu.vector_load %arg22[%swap3A_84, %swap3A_85] {strides = array<i32>} : memref<4x136xf32, #tpu.memory_space<vmem>>, vector<16xf32>,
    tpu.vector_store %arg22[%swap3A_84, %swap3A_85], %broadcast_in_dim3A_3 {strides = array<i32>} : memref<4x136xf32, #tpu.memory_space<vmem>>, vector<16xf32>,
    %swap3A_87 = arith.constant 2 : i32
    %swap3A_88 = arith.index_cast %swap3A_87 : i32 to index
    %swap3A_89 = arith.constant 48 : index
    %swap3A_90 = tpu.vector_load %arg22[%swap3A_88, %swap3A_89] {strides = array<i32>} : memref<4x136xf32, #tpu.memory_space<vmem>>, vector<16xf32>,
    tpu.vector_store %arg22[%swap3A_88, %swap3A_89], %broadcast_in_dim3A_3 {strides = array<i32>} : memref<4x136xf32, #tpu.memory_space<vmem>>, vector<16xf32>,
    %swap3A_91 = arith.constant 2 : i32
    %swap3A_92 = arith.index_cast %swap3A_91 : i32 to index
    %swap3A_93 = arith.constant 64 : index
    %swap3A_94 = tpu.vector_load %arg22[%swap3A_92, %swap3A_93] {strides = array<i32>} : memref<4x136xf32, #tpu.memory_space<vmem>>, vector<16xf32>,
    tpu.vector_store %arg22[%swap3A_92, %swap3A_93], %broadcast_in_dim3A_3 {strides = array<i32>} : memref<4x136xf32, #tpu.memory_space<vmem>>, vector<16xf32>,
    %swap3A_95 = arith.constant 2 : i32
    %swap3A_96 = arith.index_cast %swap3A_95 : i32 to index
    %swap3A_97 = arith.constant 80 : index
    %swap3A_98 = tpu.vector_load %arg22[%swap3A_96, %swap3A_97] {strides = array<i32>} : memref<4x136xf32, #tpu.memory_space<vmem>>, vector<16xf32>,
    tpu.vector_store %arg22[%swap3A_96, %swap3A_97], %broadcast_in_dim3A_3 {strides = array<i32>} : memref<4x136xf32, #tpu.memory_space<vmem>>, vector<16xf32>,
    %swap3A_99 = arith.constant 2 : i32
    %swap3A_100 = arith.index_cast %swap3A_99 : i32 to index
    %swap3A_101 = arith.constant 96 : index
    %swap3A_102 = tpu.vector_load %arg22[%swap3A_100, %swap3A_101] {strides = array<i32>} : memref<4x136xf32, #tpu.memory_space<vmem>>, vector<16xf32>,
    tpu.vector_store %arg22[%swap3A_100, %swap3A_101], %broadcast_in_dim3A_3 {strides = array<i32>} : memref<4x136xf32, #tpu.memory_space<vmem>>, vector<16xf32>,
    %swap3A_103 = arith.constant 2 : i32
    %swap3A_104 = arith.index_cast %swap3A_103 : i32 to index
    %swap3A_105 = arith.constant 112 : index
    %swap3A_106 = tpu.vector_load %arg22[%swap3A_104, %swap3A_105] {strides = array<i32>} : memref<4x136xf32, #tpu.memory_space<vmem>>, vector<16xf32>,
    tpu.vector_store %arg22[%swap3A_104, %swap3A_105], %broadcast_in_dim3A_3 {strides = array<i32>} : memref<4x136xf32, #tpu.memory_space<vmem>>, vector<16xf32>,
    %swap3A_107 = arith.constant 2 : i32
    %swap3A_108 = arith.index_cast %swap3A_107 : i32 to index
    %swap3A_109 = arith.constant 120 : index
    %swap3A_110 = tpu.vector_load %arg22[%swap3A_108, %swap3A_109] {strides = array<i32>} : memref<4x136xf32, #tpu.memory_space<vmem>>, vector<16xf32>,
    tpu.vector_store %arg22[%swap3A_108, %swap3A_109], %broadcast_in_dim3A_3 {strides = array<i32>} : memref<4x136xf32, #tpu.memory_space<vmem>>, vector<16xf32>,
    %swap3A_111 = arith.constant 3 : i32
    %swap3A_112 = arith.index_cast %swap3A_111 : i32 to index
    %swap3A_113 = arith.constant 0 : index
    %swap3A_114 = tpu.vector_load %arg22[%swap3A_112, %swap3A_113] {strides = array<i32>} : memref<4x136xf32, #tpu.memory_space<vmem>>, vector<16xf32>,
    tpu.vector_store %arg22[%swap3A_112, %swap3A_113], %broadcast_in_dim3A_3 {strides = array<i32>} : memref<4x136xf32, #tpu.memory_space<vmem>>, vector<16xf32>,
    %swap3A_115 = arith.constant 3 : i32
    %swap3A_116 = arith.index_cast %swap3A_115 : i32 to index
    %swap3A_117 = arith.constant 16 : index
    %swap3A_118 = tpu.vector_load %arg22[%swap3A_116, %swap3A_117] {strides = array<i32>} : memref<4x136xf32, #tpu.memory_space<vmem>>, vector<16xf32>,
    tpu.vector_store %arg22[%swap3A_116, %swap3A_117], %broadcast_in_dim3A_3 {strides = array<i32>} : memref<4x136xf32, #tpu.memory_space<vmem>>, vector<16xf32>,
    %swap3A_119 = arith.constant 3 : i32
    %swap3A_120 = arith.index_cast %swap3A_119 : i32 to index
    %swap3A_121 = arith.constant 32 : index
    %swap3A_122 = tpu.vector_load %arg22[%swap3A_120, %swap3A_121] {strides = array<i32>} : memref<4x136xf32, #tpu.memory_space<vmem>>, vector<16xf32>,
    tpu.vector_store %arg22[%swap3A_120, %swap3A_121], %broadcast_in_dim3A_3 {strides = array<i32>} : memref<4x136xf32, #tpu.memory_space<vmem>>, vector<16xf32>,
    %swap3A_123 = arith.constant 3 : i32
    %swap3A_124 = arith.index_cast %swap3A_123 : i32 to index
    %swap3A_125 = arith.constant 48 : index
    %swap3A_126 = tpu.vector_load %arg22[%swap3A_124, %swap3A_125] {strides = array<i32>} : memref<4x136xf32, #tpu.memory_space<vmem>>, vector<16xf32>,
    tpu.vector_store %arg22[%swap3A_124, %swap3A_125], %broadcast_in_dim3A_3 {strides = array<i32>} : memref<4x136xf32, #tpu.memory_space<vmem>>, vector<16xf32>,
    %swap3A_127 = arith.constant 3 : i32
    %swap3A_128 = arith.index_cast %swap3A_127 : i32 to index
    %swap3A_129 = arith.constant 64 : index
    %swap3A_130 = tpu.vector_load %arg22[%swap3A_128, %swap3A_129] {strides = array<i32>} : memref<4x136xf32, #tpu.memory_space<vmem>>, vector<16xf32>,
    tpu.vector_store %arg22[%swap3A_128, %swap3A_129], %broadcast_in_dim3A_3 {strides = array<i32>} : memref<4x136xf32, #tpu.memory_space<vmem>>, vector<16xf32>,
    %swap3A_131 = arith.constant 3 : i32
    %swap3A_132 = arith.index_cast %swap3A_131 : i32 to index
    %swap3A_133 = arith.constant 80 : index
    %swap3A_134 = tpu.vector_load %arg22[%swap3A_132, %swap3A_133] {strides = array<i32>} : memref<4x136xf32, #tpu.memory_space<vmem>>, vector<16xf32>,
    tpu.vector_store %arg22[%swap3A_132, %swap3A_133], %broadcast_in_dim3A_3 {strides = array<i32>} : memref<4x136xf32, #tpu.memory_space<vmem>>, vector<16xf32>,
    %swap3A_135 = arith.constant 3 : i32
    %swap3A_136 = arith.index_cast %swap3A_135 : i32 to index
    %swap3A_137 = arith.constant 96 : index
    %swap3A_138 = tpu.vector_load %arg22[%swap3A_136, %swap3A_137] {strides = array<i32>} : memref<4x136xf32, #tpu.memory_space<vmem>>, vector<16xf32>,
    tpu.vector_store %arg22[%swap3A_136, %swap3A_137], %broadcast_in_dim3A_3 {strides = array<i32>} : memref<4x136xf32, #tpu.memory_space<vmem>>, vector<16xf32>,
    %swap3A_139 = arith.constant 3 : i32
    %swap3A_140 = arith.index_cast %swap3A_139 : i32 to index
    %swap3A_141 = arith.constant 112 : index
    %swap3A_142 = tpu.vector_load %arg22[%swap3A_140, %swap3A_141] {strides = array<i32>} : memref<4x136xf32, #tpu.memory_space<vmem>>, vector<16xf32>,
    tpu.vector_store %arg22[%swap3A_140, %swap3A_141], %broadcast_in_dim3A_3 {strides = array<i32>} : memref<4x136xf32, #tpu.memory_space<vmem>>, vector<16xf32>,
    %swap3A_143 = arith.constant 3 : i32
    %swap3A_144 = arith.index_cast %swap3A_143 : i32 to index
    %swap3A_145 = arith.constant 120 : index
    %swap3A_146 = tpu.vector_load %arg22[%swap3A_144, %swap3A_145] {strides = array<i32>} : memref<4x136xf32, #tpu.memory_space<vmem>>, vector<16xf32>,
    tpu.vector_store %arg22[%swap3A_144, %swap3A_145], %broadcast_in_dim3A_3 {strides = array<i32>} : memref<4x136xf32, #tpu.memory_space<vmem>>, vector<16xf32>,
    %scan3A = arith.constant 0 : i32
    %scan3A_147 = arith.constant 0 : i32
    %scan3A_148 = arith.constant 160 : i32
    %scan3A_149 = arith.addi %scan3A_147, %scan3A_148 : i32
    %scan3A_150 = arith.constant 1 : i32
    scf.for %scan3A_215 = %scan3A_147 to %scan3A_149 step %scan3A_150  : i32 {
      %mul3A_216 = arith.constant 640 : i32
      %mul3A_217 = arith.muli %arg1, %mul3A_216 : i32
      %mul3A_218 = arith.constant 4 : i32
      %mul3A_219 = arith.muli %scan3A_215, %mul3A_218 : i32
      %add3A_220 = arith.addi %mul3A_217, %mul3A_219 : i32
      "tpu.region"() ({
        %run_scoped3A = tpu.sem_alloc : memref<!tpu.dma_semaphore, #tpu.memory_space<semaphore_mem>>
        %dma_start3A_221 = arith.constant 0 : i32
        %dma_start3A_222 = tpu.memref_slice %arg23[%add3A_220, %dma_start3A_221] : memref<10240x136xf32, #tpu.memory_space<vmem_shared>> -> memref<4x136xf32, #tpu.memory_space<vmem_shared>>
        %dma_start3A_223 = arith.constant 0 : i32
        %dma_start3A_224 = tpu.memref_slice %arg23[%add3A_220, %dma_start3A_223] : memref<10240x136xf32, #tpu.memory_space<vmem_shared>> -> memref<4x136xf32, #tpu.memory_space<vmem_shared>>
        tpu.enqueue_dma source(%arg22 : memref<4x136xf32, #tpu.memory_space<vmem>>) target(%dma_start3A_224 : memref<4x136xf32, #tpu.memory_space<vmem_shared>>) target_semaphore(%run_scoped3A : memref<!tpu.dma_semaphore, #tpu.memory_space<semaphore_mem>>)
        %dma_wait3A_225 = arith.constant 0 : i32
        %dma_wait3A_226 = tpu.memref_slice %arg23[%add3A_220, %dma_wait3A_225] : memref<10240x136xf32, #tpu.memory_space<vmem_shared>> -> memref<4x136xf32, #tpu.memory_space<vmem_shared>>
        %dma_wait3A_227 = arith.constant 0 : i32
        %dma_wait3A_228 = tpu.memref_slice %arg23[%add3A_220, %dma_wait3A_227] : memref<10240x136xf32, #tpu.memory_space<vmem_shared>> -> memref<4x136xf32, #tpu.memory_space<vmem_shared>>
        tpu.wait_dma2 semaphore(%run_scoped3A : memref<!tpu.dma_semaphore, #tpu.memory_space<semaphore_mem>>) src(%arg22 : memref<4x136xf32, #tpu.memory_space<vmem>>) dst(%dma_wait3A_228 : memref<4x136xf32, #tpu.memory_space<vmem_shared>>)
        tpu.yield
      }) : () -> ()
    }
    %scan3A_151 = arith.constant 160 : i32
    %barrier3A = arith.constant 0 : index
    tpu.barrier barrier_id(%barrier3A)
    %iota3A = tpu.iota {dimensions = array<i32: 0>} : vector<16xi32>
    %add3A_152 = arith.constant 0 : i32
    %add3A_153 = arith.addi %mul3A_2, %add3A_152 : i32
    %dma_start3A = tpu.memref_slice %arg5[%add3A_153] : memref<320000xi32, #tpu.memory_space<hbm>> -> memref<40xi32, #tpu.memory_space<hbm>>
    %dma_start3A_154 = tpu.memref_slice %arg5[%add3A_153] : memref<320000xi32, #tpu.memory_space<hbm>> -> memref<40xi32, #tpu.memory_space<hbm>>
    tpu.enqueue_dma source(%dma_start3A_154 : memref<40xi32, #tpu.memory_space<hbm>>) target(%arg8 : memref<40xi32, #tpu.memory_space<vmem>>) target_semaphore(%arg30 : memref<!tpu.dma_semaphore, #tpu.memory_space<semaphore_mem>>)
    %dma_start3A_155 = tpu.memref_slice %arg6[%add3A_153] : memref<320000xi32, #tpu.memory_space<hbm>> -> memref<40xi32, #tpu.memory_space<hbm>>
    %dma_start3A_156 = tpu.memref_slice %arg6[%add3A_153] : memref<320000xi32, #tpu.memory_space<hbm>> -> memref<40xi32, #tpu.memory_space<hbm>>
    tpu.enqueue_dma source(%dma_start3A_156 : memref<40xi32, #tpu.memory_space<hbm>>) target(%arg10 : memref<40xi32, #tpu.memory_space<vmem>>) target_semaphore(%arg30 : memref<!tpu.dma_semaphore, #tpu.memory_space<semaphore_mem>>)
    %mul3A_157 = arith.constant 5000 : i32
    %mul3A_158 = arith.muli %add3A, %mul3A_157 : i32
    %add3A_159 = arith.constant 0 : i32
    %add3A_160 = arith.addi %mul3A_158, %add3A_159 : i32
    %dma_start3A_161 = arith.constant 0 : i32
    %dma_start3A_162 = tpu.memref_slice %arg4[%add3A_160, %dma_start3A_161] : memref<160000x16xf32, #tpu.memory_space<hbm>> -> memref<20x16xf32, #tpu.memory_space<hbm>>
    %dma_start3A_163 = arith.constant 0 : i32
    %dma_start3A_164 = tpu.memref_slice %arg4[%add3A_160, %dma_start3A_163] : memref<160000x16xf32, #tpu.memory_space<hbm>> -> memref<20x16xf32, #tpu.memory_space<hbm>>
    tpu.enqueue_dma source(%dma_start3A_164 : memref<20x16xf32, #tpu.memory_space<hbm>>) target(%arg18 : memref<20x16xf32, #tpu.memory_space<vmem>>) target_semaphore(%arg30 : memref<!tpu.dma_semaphore, #tpu.memory_space<semaphore_mem>>)
    %dma_wait3A = arith.constant 0 : i32
    %dma_wait3A_165 = tpu.memref_slice %arg5[%dma_wait3A] : memref<320000xi32, #tpu.memory_space<hbm>> -> memref<40xi32, #tpu.memory_space<hbm>>
    %dma_wait3A_166 = arith.constant 0 : i32
    %dma_wait3A_167 = tpu.memref_slice %arg5[%dma_wait3A_166] : memref<320000xi32, #tpu.memory_space<hbm>> -> memref<40xi32, #tpu.memory_space<hbm>>
    tpu.wait_dma2 semaphore(%arg30 : memref<!tpu.dma_semaphore, #tpu.memory_space<semaphore_mem>>) src(%dma_wait3A_167 : memref<40xi32, #tpu.memory_space<hbm>>) dst(%arg8 : memref<40xi32, #tpu.memory_space<vmem>>)
    %dma_wait3A_168 = arith.constant 0 : i32
    %dma_wait3A_169 = tpu.memref_slice %arg6[%dma_wait3A_168] : memref<320000xi32, #tpu.memory_space<hbm>> -> memref<40xi32, #tpu.memory_space<hbm>>
    %dma_wait3A_170 = arith.constant 0 : i32
    %dma_wait3A_171 = tpu.memref_slice %arg6[%dma_wait3A_170] : memref<320000xi32, #tpu.memory_space<hbm>> -> memref<40xi32, #tpu.memory_space<hbm>>
    tpu.wait_dma2 semaphore(%arg30 : memref<!tpu.dma_semaphore, #tpu.memory_space<semaphore_mem>>) src(%dma_wait3A_171 : memref<40xi32, #tpu.memory_space<hbm>>) dst(%arg10 : memref<40xi32, #tpu.memory_space<vmem>>)
    %dma_wait3A_172 = arith.constant 0 : i32
    %dma_wait3A_173 = arith.constant 0 : i32
    %dma_wait3A_174 = tpu.memref_slice %arg4[%dma_wait3A_172, %dma_wait3A_173] : memref<160000x16xf32, #tpu.memory_space<hbm>> -> memref<20x16xf32, #tpu.memory_space<hbm>>
    %dma_wait3A_175 = arith.constant 0 : i32
    %dma_wait3A_176 = arith.constant 0 : i32
    %dma_wait3A_177 = tpu.memref_slice %arg4[%dma_wait3A_175, %dma_wait3A_176] : memref<160000x16xf32, #tpu.memory_space<hbm>> -> memref<20x16xf32, #tpu.memory_space<hbm>>
    tpu.wait_dma2 semaphore(%arg30 : memref<!tpu.dma_semaphore, #tpu.memory_space<semaphore_mem>>) src(%dma_wait3A_177 : memref<20x16xf32, #tpu.memory_space<hbm>>) dst(%arg18 : memref<20x16xf32, #tpu.memory_space<vmem>>)
    %dma_start3A_178 = arith.constant 0 : i32
    %dma_start3A_179 = arith.constant 0 : i32
    %dma_start3A_180 = tpu.memref_slice %arg2[%dma_start3A_178, %dma_start3A_179] : memref<10000x128xf32, #tpu.memory_space<hbm>> -> memref<10000x128xf32, #tpu.memory_space<hbm>>
    tpu.enqueue_indirect_dma source(%dma_start3A_180 : memref<10000x128xf32, #tpu.memory_space<hbm>>) target(%arg14 : memref<40x128xf32, #tpu.memory_space<vmem>>) offsets(%arg10 : memref<40xi32, #tpu.memory_space<vmem>>) semaphore(%arg24 : memref<!tpu.dma_semaphore, #tpu.memory_space<semaphore_mem>>)
    %dma_start3A_181 = arith.constant 0 : i32
    %dma_start3A_182 = arith.constant 0 : i32
    %dma_start3A_183 = tpu.memref_slice %arg3[%dma_start3A_181, %dma_start3A_182] : memref<10000x256xf32, #tpu.memory_space<hbm>> -> memref<10000x256xf32, #tpu.memory_space<hbm>>
    tpu.enqueue_indirect_dma source(%dma_start3A_183 : memref<10000x256xf32, #tpu.memory_space<hbm>>) target(%arg16 : memref<40x256xf32, #tpu.memory_space<vmem>>) offsets(%arg8 : memref<40xi32, #tpu.memory_space<vmem>>) semaphore(%arg26 : memref<!tpu.dma_semaphore, #tpu.memory_space<semaphore_mem>>)
    %add3A_184 = arith.constant 40 : i32
    %add3A_185 = arith.addi %mul3A_2, %add3A_184 : i32
    %dma_start3A_186 = tpu.memref_slice %arg5[%add3A_185] : memref<320000xi32, #tpu.memory_space<hbm>> -> memref<40xi32, #tpu.memory_space<hbm>>
    %dma_start3A_187 = tpu.memref_slice %arg5[%add3A_185] : memref<320000xi32, #tpu.memory_space<hbm>> -> memref<40xi32, #tpu.memory_space<hbm>>
    tpu.enqueue_dma source(%dma_start3A_187 : memref<40xi32, #tpu.memory_space<hbm>>) target(%arg9 : memref<40xi32, #tpu.memory_space<vmem>>) target_semaphore(%arg31 : memref<!tpu.dma_semaphore, #tpu.memory_space<semaphore_mem>>)
    %dma_start3A_188 = tpu.memref_slice %arg6[%add3A_185] : memref<320000xi32, #tpu.memory_space<hbm>> -> memref<40xi32, #tpu.memory_space<hbm>>
    %dma_start3A_189 = tpu.memref_slice %arg6[%add3A_185] : memref<320000xi32, #tpu.memory_space<hbm>> -> memref<40xi32, #tpu.memory_space<hbm>>
    tpu.enqueue_dma source(%dma_start3A_189 : memref<40xi32, #tpu.memory_space<hbm>>) target(%arg11 : memref<40xi32, #tpu.memory_space<vmem>>) target_semaphore(%arg31 : memref<!tpu.dma_semaphore, #tpu.memory_space<semaphore_mem>>)
    %mul3A_190 = arith.constant 5000 : i32
    %mul3A_191 = arith.muli %add3A, %mul3A_190 : i32
    %add3A_192 = arith.constant 20 : i32
    %add3A_193 = arith.addi %mul3A_191, %add3A_192 : i32
    %dma_start3A_194 = arith.constant 0 : i32
    %dma_start3A_195 = tpu.memref_slice %arg4[%add3A_193, %dma_start3A_194] : memref<160000x16xf32, #tpu.memory_space<hbm>> -> memref<20x16xf32, #tpu.memory_space<hbm>>
    %dma_start3A_196 = arith.constant 0 : i32
    %dma_start3A_197 = tpu.memref_slice %arg4[%add3A_193, %dma_start3A_196] : memref<160000x16xf32, #tpu.memory_space<hbm>> -> memref<20x16xf32, #tpu.memory_space<hbm>>
    tpu.enqueue_dma source(%dma_start3A_197 : memref<20x16xf32, #tpu.memory_space<hbm>>) target(%arg19 : memref<20x16xf32, #tpu.memory_space<vmem>>) target_semaphore(%arg31 : memref<!tpu.dma_semaphore, #tpu.memory_space<semaphore_mem>>)
    %scan3A_198 = arith.constant 0 : i32
    %scan3A_199 = arith.constant 0 : i32
    %scan3A_200 = arith.constant 125 : i32
    %scan3A_201 = arith.addi %scan3A_199, %scan3A_200 : i32
    %scan3A_202 = arith.constant 1 : i32
    scf.for %scan3A_215 = %scan3A_199 to %scan3A_201 step %scan3A_202  : i32 {
      %mul3A_216 = arith.constant 2 : i32
      %mul3A_217 = arith.muli %mul3A_216, %scan3A_215 : i32
      %add3A_218 = arith.constant 0 : i32
      %add3A_219 = arith.addi %mul3A_217, %add3A_218 : i32
      %dma_wait3A_220 = arith.constant 0 : i32
      %dma_wait3A_221 = arith.constant 0 : i32
      %dma_wait3A_222 = tpu.memref_slice %arg2[%dma_wait3A_220, %dma_wait3A_221] : memref<10000x128xf32, #tpu.memory_space<hbm>> -> memref<10000x128xf32, #tpu.memory_space<hbm>>
      tpu.wait_indirect_dma semaphore(%arg24 : memref<!tpu.dma_semaphore, #tpu.memory_space<semaphore_mem>>) src(%dma_wait3A_222 : memref<10000x128xf32, #tpu.memory_space<hbm>>) dst(%arg14 : memref<40x128xf32, #tpu.memory_space<vmem>>)
      %dma_wait3A_223 = arith.constant 0 : i32
      %dma_wait3A_224 = arith.constant 0 : i32
      %dma_wait3A_225 = tpu.memref_slice %arg3[%dma_wait3A_223, %dma_wait3A_224] : memref<10000x256xf32, #tpu.memory_space<hbm>> -> memref<10000x256xf32, #tpu.memory_space<hbm>>
      tpu.wait_indirect_dma semaphore(%arg26 : memref<!tpu.dma_semaphore, #tpu.memory_space<semaphore_mem>>) src(%dma_wait3A_225 : memref<10000x256xf32, #tpu.memory_space<hbm>>) dst(%arg16 : memref<40x256xf32, #tpu.memory_space<vmem>>)
      %add3A_226 = arith.constant 1 : i32
      %add3A_227 = arith.addi %add3A_219, %add3A_226 : i32
      %lt3A = arith.constant 250 : i32
      %lt3A_228 = arith.cmpi slt, %add3A_227, %lt3A : i32
      %convert_element_type3A = arith.extui %lt3A_228 : i1 to i32
      %cond3A = arith.constant 0 : i32
      %cond3A_229 = arith.cmpi ne, %convert_element_type3A, %cond3A : i32
      scf.if %cond3A_229 {
        %dma_wait3A_304 = arith.constant 0 : i32
        %dma_wait3A_305 = tpu.memref_slice %arg5[%dma_wait3A_304] : memref<320000xi32, #tpu.memory_space<hbm>> -> memref<40xi32, #tpu.memory_space<hbm>>
        %dma_wait3A_306 = arith.constant 0 : i32
        %dma_wait3A_307 = tpu.memref_slice %arg5[%dma_wait3A_306] : memref<320000xi32, #tpu.memory_space<hbm>> -> memref<40xi32, #tpu.memory_space<hbm>>
        tpu.wait_dma2 semaphore(%arg31 : memref<!tpu.dma_semaphore, #tpu.memory_space<semaphore_mem>>) src(%dma_wait3A_307 : memref<40xi32, #tpu.memory_space<hbm>>) dst(%arg9 : memref<40xi32, #tpu.memory_space<vmem>>)
        %dma_wait3A_308 = arith.constant 0 : i32
        %dma_wait3A_309 = tpu.memref_slice %arg6[%dma_wait3A_308] : memref<320000xi32, #tpu.memory_space<hbm>> -> memref<40xi32, #tpu.memory_space<hbm>>
        %dma_wait3A_310 = arith.constant 0 : i32
        %dma_wait3A_311 = tpu.memref_slice %arg6[%dma_wait3A_310] : memref<320000xi32, #tpu.memory_space<hbm>> -> memref<40xi32, #tpu.memory_space<hbm>>
        tpu.wait_dma2 semaphore(%arg31 : memref<!tpu.dma_semaphore, #tpu.memory_space<semaphore_mem>>) src(%dma_wait3A_311 : memref<40xi32, #tpu.memory_space<hbm>>) dst(%arg11 : memref<40xi32, #tpu.memory_space<vmem>>)
        %dma_wait3A_312 = arith.constant 0 : i32
        %dma_wait3A_313 = arith.constant 0 : i32
        %dma_wait3A_314 = tpu.memref_slice %arg4[%dma_wait3A_312, %dma_wait3A_313] : memref<160000x16xf32, #tpu.memory_space<hbm>> -> memref<20x16xf32, #tpu.memory_space<hbm>>
        %dma_wait3A_315 = arith.constant 0 : i32
        %dma_wait3A_316 = arith.constant 0 : i32
        %dma_wait3A_317 = tpu.memref_slice %arg4[%dma_wait3A_315, %dma_wait3A_316] : memref<160000x16xf32, #tpu.memory_space<hbm>> -> memref<20x16xf32, #tpu.memory_space<hbm>>
        tpu.wait_dma2 semaphore(%arg31 : memref<!tpu.dma_semaphore, #tpu.memory_space<semaphore_mem>>) src(%dma_wait3A_317 : memref<20x16xf32, #tpu.memory_space<hbm>>) dst(%arg19 : memref<20x16xf32, #tpu.memory_space<vmem>>)
        %dma_start3A_318 = arith.constant 0 : i32
        %dma_start3A_319 = arith.constant 0 : i32
        %dma_start3A_320 = tpu.memref_slice %arg2[%dma_start3A_318, %dma_start3A_319] : memref<10000x128xf32, #tpu.memory_space<hbm>> -> memref<10000x128xf32, #tpu.memory_space<hbm>>
        tpu.enqueue_indirect_dma source(%dma_start3A_320 : memref<10000x128xf32, #tpu.memory_space<hbm>>) target(%arg15 : memref<40x128xf32, #tpu.memory_space<vmem>>) offsets(%arg11 : memref<40xi32, #tpu.memory_space<vmem>>) semaphore(%arg25 : memref<!tpu.dma_semaphore, #tpu.memory_space<semaphore_mem>>)
        %dma_start3A_321 = arith.constant 0 : i32
        %dma_start3A_322 = arith.constant 0 : i32
        %dma_start3A_323 = tpu.memref_slice %arg3[%dma_start3A_321, %dma_start3A_322] : memref<10000x256xf32, #tpu.memory_space<hbm>> -> memref<10000x256xf32, #tpu.memory_space<hbm>>
        tpu.enqueue_indirect_dma source(%dma_start3A_323 : memref<10000x256xf32, #tpu.memory_space<hbm>>) target(%arg17 : memref<40x256xf32, #tpu.memory_space<vmem>>) offsets(%arg9 : memref<40xi32, #tpu.memory_space<vmem>>) semaphore(%arg27 : memref<!tpu.dma_semaphore, #tpu.memory_space<semaphore_mem>>)
      } else {
      }
      %ge3A = arith.constant 2 : i32
      %ge3A_230 = arith.cmpi sge, %add3A_219, %ge3A : i32
      %convert_element_type3A_231 = arith.extui %ge3A_230 : i1 to i32
      %cond3A_232 = arith.constant 0 : i32
      %cond3A_233 = arith.cmpi ne, %convert_element_type3A_231, %cond3A_232 : i32
      scf.if %cond3A_233 {
        %dma_wait3A_304 = arith.constant 0 : i32
        %dma_wait3A_305 = arith.constant 0 : i32
        %dma_wait3A_306 = tpu.memref_slice %arg23[%dma_wait3A_304, %dma_wait3A_305] : memref<10240x136xf32, #tpu.memory_space<vmem_shared>> -> memref<10240x136xf32, #tpu.memory_space<vmem_shared>>
        tpu.wait_indirect_dma semaphore(%arg28 : memref<!tpu.dma_semaphore, #tpu.memory_space<semaphore_mem>>) src(%arg20 : memref<40x136xf32, #tpu.memory_space<vmem>>) dst(%dma_wait3A_306 : memref<10240x136xf32, #tpu.memory_space<vmem_shared>>)
      } else {
      }
      %parallel_loop3A = arith.constant 0 : i32
      %parallel_loop3A_234 = arith.constant 20 : i32
      %parallel_loop3A_235 = arith.constant 1 : i32
      scf.for %parallel_loop3A_304 = %parallel_loop3A to %parallel_loop3A_234 step %parallel_loop3A_235  : i32 {
        %parallel_loop3A_305 = arith.constant 2 : i32
        %parallel_loop3A_306 = arith.muli %parallel_loop3A_305, %parallel_loop3A_304 : i32
        %parallel_loop3A_307 = arith.constant 0.000000e+00 : f32
        %parallel_loop3A_308 = vector.broadcast %parallel_loop3A_307 : f32 to vector<16xf32>
        %parallel_loop3A_309 = arith.constant 1 : i32
        %parallel_loop3A_310 = arith.addi %parallel_loop3A_306, %parallel_loop3A_309 : i32
        %parallel_loop3A_311 = arith.index_cast %parallel_loop3A_306 : i32 to index
        %parallel_loop3A_312 = arith.constant 0 : index
        %parallel_loop3A_313 = tpu.vector_load %arg14[%parallel_loop3A_311, %parallel_loop3A_312] {strides = array<i32>} : memref<40x128xf32, #tpu.memory_space<vmem>>, vector<16xf32>,
        %parallel_loop3A_314 = arith.index_cast %parallel_loop3A_306 : i32 to index
        %parallel_loop3A_315 = arith.constant 0 : index
        %parallel_loop3A_316 = tpu.vector_load %arg16[%parallel_loop3A_314, %parallel_loop3A_315] {strides = array<i32>} : memref<40x256xf32, #tpu.memory_space<vmem>>, vector<16xf32>,
        %parallel_loop3A_317 = arith.constant 0 : i32
        %parallel_loop3A_318 = vector.broadcast %parallel_loop3A_317 : i32 to vector<16xi32>
        %parallel_loop3A_319 = arith.cmpi eq, %iota3A, %parallel_loop3A_318 : vector<16xi32>
        %parallel_loop3A_320 = arith.mulf %parallel_loop3A_313, %parallel_loop3A_316 : vector<16xf32>
        %parallel_loop3A_321 = arith.constant true
        %parallel_loop3A_322 = vector.broadcast %parallel_loop3A_321 : i1 to vector<16xi1>
        %parallel_loop3A_323 = tpu.scan <sum>, %parallel_loop3A_320 masked %parallel_loop3A_322 : vector<16xf32>, vector<16xi1> -> vector<16xf32>
        %parallel_loop3A_324 = vector.extract %parallel_loop3A_323[15] : f32 from vector<16xf32>
        %parallel_loop3A_325 = vector.broadcast %parallel_loop3A_324 : f32 to vector<16xf32>
        %parallel_loop3A_326 = arith.select %parallel_loop3A_319, %parallel_loop3A_325, %parallel_loop3A_308 : vector<16xi1>, vector<16xf32>
        %parallel_loop3A_327 = arith.index_cast %parallel_loop3A_306 : i32 to index
        %parallel_loop3A_328 = arith.constant 16 : index
        %parallel_loop3A_329 = tpu.vector_load %arg14[%parallel_loop3A_327, %parallel_loop3A_328] {strides = array<i32>} : memref<40x128xf32, #tpu.memory_space<vmem>>, vector<16xf32>,
        %parallel_loop3A_330 = arith.index_cast %parallel_loop3A_306 : i32 to index
        %parallel_loop3A_331 = arith.constant 16 : index
        %parallel_loop3A_332 = tpu.vector_load %arg16[%parallel_loop3A_330, %parallel_loop3A_331] {strides = array<i32>} : memref<40x256xf32, #tpu.memory_space<vmem>>, vector<16xf32>,
        %parallel_loop3A_333 = arith.constant 1 : i32
        %parallel_loop3A_334 = vector.broadcast %parallel_loop3A_333 : i32 to vector<16xi32>
        %parallel_loop3A_335 = arith.cmpi eq, %iota3A, %parallel_loop3A_334 : vector<16xi32>
        %parallel_loop3A_336 = arith.mulf %parallel_loop3A_329, %parallel_loop3A_332 : vector<16xf32>
        %parallel_loop3A_337 = arith.constant true
        %parallel_loop3A_338 = vector.broadcast %parallel_loop3A_337 : i1 to vector<16xi1>
        %parallel_loop3A_339 = tpu.scan <sum>, %parallel_loop3A_336 masked %parallel_loop3A_338 : vector<16xf32>, vector<16xi1> -> vector<16xf32>
        %parallel_loop3A_340 = vector.extract %parallel_loop3A_339[15] : f32 from vector<16xf32>
        %parallel_loop3A_341 = vector.broadcast %parallel_loop3A_340 : f32 to vector<16xf32>
        %parallel_loop3A_342 = arith.select %parallel_loop3A_335, %parallel_loop3A_341, %parallel_loop3A_326 : vector<16xi1>, vector<16xf32>
        %parallel_loop3A_343 = arith.index_cast %parallel_loop3A_306 : i32 to index
        %parallel_loop3A_344 = arith.constant 32 : index
        %parallel_loop3A_345 = tpu.vector_load %arg14[%parallel_loop3A_343, %parallel_loop3A_344] {strides = array<i32>} : memref<40x128xf32, #tpu.memory_space<vmem>>, vector<16xf32>,
        %parallel_loop3A_346 = arith.index_cast %parallel_loop3A_306 : i32 to index
        %parallel_loop3A_347 = arith.constant 32 : index
        %parallel_loop3A_348 = tpu.vector_load %arg16[%parallel_loop3A_346, %parallel_loop3A_347] {strides = array<i32>} : memref<40x256xf32, #tpu.memory_space<vmem>>, vector<16xf32>,
        %parallel_loop3A_349 = arith.constant 2 : i32
        %parallel_loop3A_350 = vector.broadcast %parallel_loop3A_349 : i32 to vector<16xi32>
        %parallel_loop3A_351 = arith.cmpi eq, %iota3A, %parallel_loop3A_350 : vector<16xi32>
        %parallel_loop3A_352 = arith.mulf %parallel_loop3A_345, %parallel_loop3A_348 : vector<16xf32>
        %parallel_loop3A_353 = arith.constant true
        %parallel_loop3A_354 = vector.broadcast %parallel_loop3A_353 : i1 to vector<16xi1>
        %parallel_loop3A_355 = tpu.scan <sum>, %parallel_loop3A_352 masked %parallel_loop3A_354 : vector<16xf32>, vector<16xi1> -> vector<16xf32>
        %parallel_loop3A_356 = vector.extract %parallel_loop3A_355[15] : f32 from vector<16xf32>
        %parallel_loop3A_357 = vector.broadcast %parallel_loop3A_356 : f32 to vector<16xf32>
        %parallel_loop3A_358 = arith.select %parallel_loop3A_351, %parallel_loop3A_357, %parallel_loop3A_342 : vector<16xi1>, vector<16xf32>
        %parallel_loop3A_359 = arith.index_cast %parallel_loop3A_306 : i32 to index
        %parallel_loop3A_360 = arith.constant 48 : index
        %parallel_loop3A_361 = tpu.vector_load %arg14[%parallel_loop3A_359, %parallel_loop3A_360] {strides = array<i32>} : memref<40x128xf32, #tpu.memory_space<vmem>>, vector<16xf32>,
        %parallel_loop3A_362 = arith.index_cast %parallel_loop3A_306 : i32 to index
        %parallel_loop3A_363 = arith.constant 48 : index
        %parallel_loop3A_364 = tpu.vector_load %arg16[%parallel_loop3A_362, %parallel_loop3A_363] {strides = array<i32>} : memref<40x256xf32, #tpu.memory_space<vmem>>, vector<16xf32>,
        %parallel_loop3A_365 = arith.constant 3 : i32
        %parallel_loop3A_366 = vector.broadcast %parallel_loop3A_365 : i32 to vector<16xi32>
        %parallel_loop3A_367 = arith.cmpi eq, %iota3A, %parallel_loop3A_366 : vector<16xi32>
        %parallel_loop3A_368 = arith.mulf %parallel_loop3A_361, %parallel_loop3A_364 : vector<16xf32>
        %parallel_loop3A_369 = arith.constant true
        %parallel_loop3A_370 = vector.broadcast %parallel_loop3A_369 : i1 to vector<16xi1>
        %parallel_loop3A_371 = tpu.scan <sum>, %parallel_loop3A_368 masked %parallel_loop3A_370 : vector<16xf32>, vector<16xi1> -> vector<16xf32>
        %parallel_loop3A_372 = vector.extract %parallel_loop3A_371[15] : f32 from vector<16xf32>
        %parallel_loop3A_373 = vector.broadcast %parallel_loop3A_372 : f32 to vector<16xf32>
        %parallel_loop3A_374 = arith.select %parallel_loop3A_367, %parallel_loop3A_373, %parallel_loop3A_358 : vector<16xi1>, vector<16xf32>
        %parallel_loop3A_375 = arith.index_cast %parallel_loop3A_306 : i32 to index
        %parallel_loop3A_376 = arith.constant 64 : index
        %parallel_loop3A_377 = tpu.vector_load %arg14[%parallel_loop3A_375, %parallel_loop3A_376] {strides = array<i32>} : memref<40x128xf32, #tpu.memory_space<vmem>>, vector<16xf32>,
        %parallel_loop3A_378 = arith.index_cast %parallel_loop3A_306 : i32 to index
        %parallel_loop3A_379 = arith.constant 64 : index
        %parallel_loop3A_380 = tpu.vector_load %arg16[%parallel_loop3A_378, %parallel_loop3A_379] {strides = array<i32>} : memref<40x256xf32, #tpu.memory_space<vmem>>, vector<16xf32>,
        %parallel_loop3A_381 = arith.constant 4 : i32
        %parallel_loop3A_382 = vector.broadcast %parallel_loop3A_381 : i32 to vector<16xi32>
        %parallel_loop3A_383 = arith.cmpi eq, %iota3A, %parallel_loop3A_382 : vector<16xi32>
        %parallel_loop3A_384 = arith.mulf %parallel_loop3A_377, %parallel_loop3A_380 : vector<16xf32>
        %parallel_loop3A_385 = arith.constant true
        %parallel_loop3A_386 = vector.broadcast %parallel_loop3A_385 : i1 to vector<16xi1>
        %parallel_loop3A_387 = tpu.scan <sum>, %parallel_loop3A_384 masked %parallel_loop3A_386 : vector<16xf32>, vector<16xi1> -> vector<16xf32>
        %parallel_loop3A_388 = vector.extract %parallel_loop3A_387[15] : f32 from vector<16xf32>
        %parallel_loop3A_389 = vector.broadcast %parallel_loop3A_388 : f32 to vector<16xf32>
        %parallel_loop3A_390 = arith.select %parallel_loop3A_383, %parallel_loop3A_389, %parallel_loop3A_374 : vector<16xi1>, vector<16xf32>
        %parallel_loop3A_391 = arith.index_cast %parallel_loop3A_306 : i32 to index
        %parallel_loop3A_392 = arith.constant 80 : index
        %parallel_loop3A_393 = tpu.vector_load %arg14[%parallel_loop3A_391, %parallel_loop3A_392] {strides = array<i32>} : memref<40x128xf32, #tpu.memory_space<vmem>>, vector<16xf32>,
        %parallel_loop3A_394 = arith.index_cast %parallel_loop3A_306 : i32 to index
        %parallel_loop3A_395 = arith.constant 80 : index
        %parallel_loop3A_396 = tpu.vector_load %arg16[%parallel_loop3A_394, %parallel_loop3A_395] {strides = array<i32>} : memref<40x256xf32, #tpu.memory_space<vmem>>, vector<16xf32>,
        %parallel_loop3A_397 = arith.constant 5 : i32
        %parallel_loop3A_398 = vector.broadcast %parallel_loop3A_397 : i32 to vector<16xi32>
        %parallel_loop3A_399 = arith.cmpi eq, %iota3A, %parallel_loop3A_398 : vector<16xi32>
        %parallel_loop3A_400 = arith.mulf %parallel_loop3A_393, %parallel_loop3A_396 : vector<16xf32>
        %parallel_loop3A_401 = arith.constant true
        %parallel_loop3A_402 = vector.broadcast %parallel_loop3A_401 : i1 to vector<16xi1>
        %parallel_loop3A_403 = tpu.scan <sum>, %parallel_loop3A_400 masked %parallel_loop3A_402 : vector<16xf32>, vector<16xi1> -> vector<16xf32>
        %parallel_loop3A_404 = vector.extract %parallel_loop3A_403[15] : f32 from vector<16xf32>
        %parallel_loop3A_405 = vector.broadcast %parallel_loop3A_404 : f32 to vector<16xf32>
        %parallel_loop3A_406 = arith.select %parallel_loop3A_399, %parallel_loop3A_405, %parallel_loop3A_390 : vector<16xi1>, vector<16xf32>
        %parallel_loop3A_407 = arith.index_cast %parallel_loop3A_306 : i32 to index
        %parallel_loop3A_408 = arith.constant 96 : index
        %parallel_loop3A_409 = tpu.vector_load %arg14[%parallel_loop3A_407, %parallel_loop3A_408] {strides = array<i32>} : memref<40x128xf32, #tpu.memory_space<vmem>>, vector<16xf32>,
        %parallel_loop3A_410 = arith.index_cast %parallel_loop3A_306 : i32 to index
        %parallel_loop3A_411 = arith.constant 96 : index
        %parallel_loop3A_412 = tpu.vector_load %arg16[%parallel_loop3A_410, %parallel_loop3A_411] {strides = array<i32>} : memref<40x256xf32, #tpu.memory_space<vmem>>, vector<16xf32>,
        %parallel_loop3A_413 = arith.constant 6 : i32
        %parallel_loop3A_414 = vector.broadcast %parallel_loop3A_413 : i32 to vector<16xi32>
        %parallel_loop3A_415 = arith.cmpi eq, %iota3A, %parallel_loop3A_414 : vector<16xi32>
        %parallel_loop3A_416 = arith.mulf %parallel_loop3A_409, %parallel_loop3A_412 : vector<16xf32>
        %parallel_loop3A_417 = arith.constant true
        %parallel_loop3A_418 = vector.broadcast %parallel_loop3A_417 : i1 to vector<16xi1>
        %parallel_loop3A_419 = tpu.scan <sum>, %parallel_loop3A_416 masked %parallel_loop3A_418 : vector<16xf32>, vector<16xi1> -> vector<16xf32>
        %parallel_loop3A_420 = vector.extract %parallel_loop3A_419[15] : f32 from vector<16xf32>
        %parallel_loop3A_421 = vector.broadcast %parallel_loop3A_420 : f32 to vector<16xf32>
        %parallel_loop3A_422 = arith.select %parallel_loop3A_415, %parallel_loop3A_421, %parallel_loop3A_406 : vector<16xi1>, vector<16xf32>
        %parallel_loop3A_423 = arith.index_cast %parallel_loop3A_306 : i32 to index
        %parallel_loop3A_424 = arith.constant 112 : index
        %parallel_loop3A_425 = tpu.vector_load %arg14[%parallel_loop3A_423, %parallel_loop3A_424] {strides = array<i32>} : memref<40x128xf32, #tpu.memory_space<vmem>>, vector<16xf32>,
        %parallel_loop3A_426 = arith.index_cast %parallel_loop3A_306 : i32 to index
        %parallel_loop3A_427 = arith.constant 112 : index
        %parallel_loop3A_428 = tpu.vector_load %arg16[%parallel_loop3A_426, %parallel_loop3A_427] {strides = array<i32>} : memref<40x256xf32, #tpu.memory_space<vmem>>, vector<16xf32>,
        %parallel_loop3A_429 = arith.constant 7 : i32
        %parallel_loop3A_430 = vector.broadcast %parallel_loop3A_429 : i32 to vector<16xi32>
        %parallel_loop3A_431 = arith.cmpi eq, %iota3A, %parallel_loop3A_430 : vector<16xi32>
        %parallel_loop3A_432 = arith.mulf %parallel_loop3A_425, %parallel_loop3A_428 : vector<16xf32>
        %parallel_loop3A_433 = arith.constant true
        %parallel_loop3A_434 = vector.broadcast %parallel_loop3A_433 : i1 to vector<16xi1>
        %parallel_loop3A_435 = tpu.scan <sum>, %parallel_loop3A_432 masked %parallel_loop3A_434 : vector<16xf32>, vector<16xi1> -> vector<16xf32>
        %parallel_loop3A_436 = vector.extract %parallel_loop3A_435[15] : f32 from vector<16xf32>
        %parallel_loop3A_437 = vector.broadcast %parallel_loop3A_436 : f32 to vector<16xf32>
        %parallel_loop3A_438 = arith.select %parallel_loop3A_431, %parallel_loop3A_437, %parallel_loop3A_422 : vector<16xi1>, vector<16xf32>
        %parallel_loop3A_439 = arith.index_cast %parallel_loop3A_310 : i32 to index
        %parallel_loop3A_440 = arith.constant 0 : index
        %parallel_loop3A_441 = tpu.vector_load %arg14[%parallel_loop3A_439, %parallel_loop3A_440] {strides = array<i32>} : memref<40x128xf32, #tpu.memory_space<vmem>>, vector<16xf32>,
        %parallel_loop3A_442 = arith.index_cast %parallel_loop3A_310 : i32 to index
        %parallel_loop3A_443 = arith.constant 0 : index
        %parallel_loop3A_444 = tpu.vector_load %arg16[%parallel_loop3A_442, %parallel_loop3A_443] {strides = array<i32>} : memref<40x256xf32, #tpu.memory_space<vmem>>, vector<16xf32>,
        %parallel_loop3A_445 = arith.constant 8 : i32
        %parallel_loop3A_446 = vector.broadcast %parallel_loop3A_445 : i32 to vector<16xi32>
        %parallel_loop3A_447 = arith.cmpi eq, %iota3A, %parallel_loop3A_446 : vector<16xi32>
        %parallel_loop3A_448 = arith.mulf %parallel_loop3A_441, %parallel_loop3A_444 : vector<16xf32>
        %parallel_loop3A_449 = arith.constant true
        %parallel_loop3A_450 = vector.broadcast %parallel_loop3A_449 : i1 to vector<16xi1>
        %parallel_loop3A_451 = tpu.scan <sum>, %parallel_loop3A_448 masked %parallel_loop3A_450 : vector<16xf32>, vector<16xi1> -> vector<16xf32>
        %parallel_loop3A_452 = vector.extract %parallel_loop3A_451[15] : f32 from vector<16xf32>
        %parallel_loop3A_453 = vector.broadcast %parallel_loop3A_452 : f32 to vector<16xf32>
        %parallel_loop3A_454 = arith.select %parallel_loop3A_447, %parallel_loop3A_453, %parallel_loop3A_438 : vector<16xi1>, vector<16xf32>
        %parallel_loop3A_455 = arith.index_cast %parallel_loop3A_310 : i32 to index
        %parallel_loop3A_456 = arith.constant 16 : index
        %parallel_loop3A_457 = tpu.vector_load %arg14[%parallel_loop3A_455, %parallel_loop3A_456] {strides = array<i32>} : memref<40x128xf32, #tpu.memory_space<vmem>>, vector<16xf32>,
        %parallel_loop3A_458 = arith.index_cast %parallel_loop3A_310 : i32 to index
        %parallel_loop3A_459 = arith.constant 16 : index
        %parallel_loop3A_460 = tpu.vector_load %arg16[%parallel_loop3A_458, %parallel_loop3A_459] {strides = array<i32>} : memref<40x256xf32, #tpu.memory_space<vmem>>, vector<16xf32>,
        %parallel_loop3A_461 = arith.constant 9 : i32
        %parallel_loop3A_462 = vector.broadcast %parallel_loop3A_461 : i32 to vector<16xi32>
        %parallel_loop3A_463 = arith.cmpi eq, %iota3A, %parallel_loop3A_462 : vector<16xi32>
        %parallel_loop3A_464 = arith.mulf %parallel_loop3A_457, %parallel_loop3A_460 : vector<16xf32>
        %parallel_loop3A_465 = arith.constant true
        %parallel_loop3A_466 = vector.broadcast %parallel_loop3A_465 : i1 to vector<16xi1>
        %parallel_loop3A_467 = tpu.scan <sum>, %parallel_loop3A_464 masked %parallel_loop3A_466 : vector<16xf32>, vector<16xi1> -> vector<16xf32>
        %parallel_loop3A_468 = vector.extract %parallel_loop3A_467[15] : f32 from vector<16xf32>
        %parallel_loop3A_469 = vector.broadcast %parallel_loop3A_468 : f32 to vector<16xf32>
        %parallel_loop3A_470 = arith.select %parallel_loop3A_463, %parallel_loop3A_469, %parallel_loop3A_454 : vector<16xi1>, vector<16xf32>
        %parallel_loop3A_471 = arith.index_cast %parallel_loop3A_310 : i32 to index
        %parallel_loop3A_472 = arith.constant 32 : index
        %parallel_loop3A_473 = tpu.vector_load %arg14[%parallel_loop3A_471, %parallel_loop3A_472] {strides = array<i32>} : memref<40x128xf32, #tpu.memory_space<vmem>>, vector<16xf32>,
        %parallel_loop3A_474 = arith.index_cast %parallel_loop3A_310 : i32 to index
        %parallel_loop3A_475 = arith.constant 32 : index
        %parallel_loop3A_476 = tpu.vector_load %arg16[%parallel_loop3A_474, %parallel_loop3A_475] {strides = array<i32>} : memref<40x256xf32, #tpu.memory_space<vmem>>, vector<16xf32>,
        %parallel_loop3A_477 = arith.constant 10 : i32
        %parallel_loop3A_478 = vector.broadcast %parallel_loop3A_477 : i32 to vector<16xi32>
        %parallel_loop3A_479 = arith.cmpi eq, %iota3A, %parallel_loop3A_478 : vector<16xi32>
        %parallel_loop3A_480 = arith.mulf %parallel_loop3A_473, %parallel_loop3A_476 : vector<16xf32>
        %parallel_loop3A_481 = arith.constant true
        %parallel_loop3A_482 = vector.broadcast %parallel_loop3A_481 : i1 to vector<16xi1>
        %parallel_loop3A_483 = tpu.scan <sum>, %parallel_loop3A_480 masked %parallel_loop3A_482 : vector<16xf32>, vector<16xi1> -> vector<16xf32>
        %parallel_loop3A_484 = vector.extract %parallel_loop3A_483[15] : f32 from vector<16xf32>
        %parallel_loop3A_485 = vector.broadcast %parallel_loop3A_484 : f32 to vector<16xf32>
        %parallel_loop3A_486 = arith.select %parallel_loop3A_479, %parallel_loop3A_485, %parallel_loop3A_470 : vector<16xi1>, vector<16xf32>
        %parallel_loop3A_487 = arith.index_cast %parallel_loop3A_310 : i32 to index
        %parallel_loop3A_488 = arith.constant 48 : index
        %parallel_loop3A_489 = tpu.vector_load %arg14[%parallel_loop3A_487, %parallel_loop3A_488] {strides = array<i32>} : memref<40x128xf32, #tpu.memory_space<vmem>>, vector<16xf32>,
        %parallel_loop3A_490 = arith.index_cast %parallel_loop3A_310 : i32 to index
        %parallel_loop3A_491 = arith.constant 48 : index
        %parallel_loop3A_492 = tpu.vector_load %arg16[%parallel_loop3A_490, %parallel_loop3A_491] {strides = array<i32>} : memref<40x256xf32, #tpu.memory_space<vmem>>, vector<16xf32>,
        %parallel_loop3A_493 = arith.constant 11 : i32
        %parallel_loop3A_494 = vector.broadcast %parallel_loop3A_493 : i32 to vector<16xi32>
        %parallel_loop3A_495 = arith.cmpi eq, %iota3A, %parallel_loop3A_494 : vector<16xi32>
        %parallel_loop3A_496 = arith.mulf %parallel_loop3A_489, %parallel_loop3A_492 : vector<16xf32>
        %parallel_loop3A_497 = arith.constant true
        %parallel_loop3A_498 = vector.broadcast %parallel_loop3A_497 : i1 to vector<16xi1>
        %parallel_loop3A_499 = tpu.scan <sum>, %parallel_loop3A_496 masked %parallel_loop3A_498 : vector<16xf32>, vector<16xi1> -> vector<16xf32>
        %parallel_loop3A_500 = vector.extract %parallel_loop3A_499[15] : f32 from vector<16xf32>
        %parallel_loop3A_501 = vector.broadcast %parallel_loop3A_500 : f32 to vector<16xf32>
        %parallel_loop3A_502 = arith.select %parallel_loop3A_495, %parallel_loop3A_501, %parallel_loop3A_486 : vector<16xi1>, vector<16xf32>
        %parallel_loop3A_503 = arith.index_cast %parallel_loop3A_310 : i32 to index
        %parallel_loop3A_504 = arith.constant 64 : index
        %parallel_loop3A_505 = tpu.vector_load %arg14[%parallel_loop3A_503, %parallel_loop3A_504] {strides = array<i32>} : memref<40x128xf32, #tpu.memory_space<vmem>>, vector<16xf32>,
        %parallel_loop3A_506 = arith.index_cast %parallel_loop3A_310 : i32 to index
        %parallel_loop3A_507 = arith.constant 64 : index
        %parallel_loop3A_508 = tpu.vector_load %arg16[%parallel_loop3A_506, %parallel_loop3A_507] {strides = array<i32>} : memref<40x256xf32, #tpu.memory_space<vmem>>, vector<16xf32>,
        %parallel_loop3A_509 = arith.constant 12 : i32
        %parallel_loop3A_510 = vector.broadcast %parallel_loop3A_509 : i32 to vector<16xi32>
        %parallel_loop3A_511 = arith.cmpi eq, %iota3A, %parallel_loop3A_510 : vector<16xi32>
        %parallel_loop3A_512 = arith.mulf %parallel_loop3A_505, %parallel_loop3A_508 : vector<16xf32>
        %parallel_loop3A_513 = arith.constant true
        %parallel_loop3A_514 = vector.broadcast %parallel_loop3A_513 : i1 to vector<16xi1>
        %parallel_loop3A_515 = tpu.scan <sum>, %parallel_loop3A_512 masked %parallel_loop3A_514 : vector<16xf32>, vector<16xi1> -> vector<16xf32>
        %parallel_loop3A_516 = vector.extract %parallel_loop3A_515[15] : f32 from vector<16xf32>
        %parallel_loop3A_517 = vector.broadcast %parallel_loop3A_516 : f32 to vector<16xf32>
        %parallel_loop3A_518 = arith.select %parallel_loop3A_511, %parallel_loop3A_517, %parallel_loop3A_502 : vector<16xi1>, vector<16xf32>
        %parallel_loop3A_519 = arith.index_cast %parallel_loop3A_310 : i32 to index
        %parallel_loop3A_520 = arith.constant 80 : index
        %parallel_loop3A_521 = tpu.vector_load %arg14[%parallel_loop3A_519, %parallel_loop3A_520] {strides = array<i32>} : memref<40x128xf32, #tpu.memory_space<vmem>>, vector<16xf32>,
        %parallel_loop3A_522 = arith.index_cast %parallel_loop3A_310 : i32 to index
        %parallel_loop3A_523 = arith.constant 80 : index
        %parallel_loop3A_524 = tpu.vector_load %arg16[%parallel_loop3A_522, %parallel_loop3A_523] {strides = array<i32>} : memref<40x256xf32, #tpu.memory_space<vmem>>, vector<16xf32>,
        %parallel_loop3A_525 = arith.constant 13 : i32
        %parallel_loop3A_526 = vector.broadcast %parallel_loop3A_525 : i32 to vector<16xi32>
        %parallel_loop3A_527 = arith.cmpi eq, %iota3A, %parallel_loop3A_526 : vector<16xi32>
        %parallel_loop3A_528 = arith.mulf %parallel_loop3A_521, %parallel_loop3A_524 : vector<16xf32>
        %parallel_loop3A_529 = arith.constant true
        %parallel_loop3A_530 = vector.broadcast %parallel_loop3A_529 : i1 to vector<16xi1>
        %parallel_loop3A_531 = tpu.scan <sum>, %parallel_loop3A_528 masked %parallel_loop3A_530 : vector<16xf32>, vector<16xi1> -> vector<16xf32>
        %parallel_loop3A_532 = vector.extract %parallel_loop3A_531[15] : f32 from vector<16xf32>
        %parallel_loop3A_533 = vector.broadcast %parallel_loop3A_532 : f32 to vector<16xf32>
        %parallel_loop3A_534 = arith.select %parallel_loop3A_527, %parallel_loop3A_533, %parallel_loop3A_518 : vector<16xi1>, vector<16xf32>
        %parallel_loop3A_535 = arith.index_cast %parallel_loop3A_310 : i32 to index
        %parallel_loop3A_536 = arith.constant 96 : index
        %parallel_loop3A_537 = tpu.vector_load %arg14[%parallel_loop3A_535, %parallel_loop3A_536] {strides = array<i32>} : memref<40x128xf32, #tpu.memory_space<vmem>>, vector<16xf32>,
        %parallel_loop3A_538 = arith.index_cast %parallel_loop3A_310 : i32 to index
        %parallel_loop3A_539 = arith.constant 96 : index
        %parallel_loop3A_540 = tpu.vector_load %arg16[%parallel_loop3A_538, %parallel_loop3A_539] {strides = array<i32>} : memref<40x256xf32, #tpu.memory_space<vmem>>, vector<16xf32>,
        %parallel_loop3A_541 = arith.constant 14 : i32
        %parallel_loop3A_542 = vector.broadcast %parallel_loop3A_541 : i32 to vector<16xi32>
        %parallel_loop3A_543 = arith.cmpi eq, %iota3A, %parallel_loop3A_542 : vector<16xi32>
        %parallel_loop3A_544 = arith.mulf %parallel_loop3A_537, %parallel_loop3A_540 : vector<16xf32>
        %parallel_loop3A_545 = arith.constant true
        %parallel_loop3A_546 = vector.broadcast %parallel_loop3A_545 : i1 to vector<16xi1>
        %parallel_loop3A_547 = tpu.scan <sum>, %parallel_loop3A_544 masked %parallel_loop3A_546 : vector<16xf32>, vector<16xi1> -> vector<16xf32>
        %parallel_loop3A_548 = vector.extract %parallel_loop3A_547[15] : f32 from vector<16xf32>
        %parallel_loop3A_549 = vector.broadcast %parallel_loop3A_548 : f32 to vector<16xf32>
        %parallel_loop3A_550 = arith.select %parallel_loop3A_543, %parallel_loop3A_549, %parallel_loop3A_534 : vector<16xi1>, vector<16xf32>
        %parallel_loop3A_551 = arith.index_cast %parallel_loop3A_310 : i32 to index
        %parallel_loop3A_552 = arith.constant 112 : index
        %parallel_loop3A_553 = tpu.vector_load %arg14[%parallel_loop3A_551, %parallel_loop3A_552] {strides = array<i32>} : memref<40x128xf32, #tpu.memory_space<vmem>>, vector<16xf32>,
        %parallel_loop3A_554 = arith.index_cast %parallel_loop3A_310 : i32 to index
        %parallel_loop3A_555 = arith.constant 112 : index
        %parallel_loop3A_556 = tpu.vector_load %arg16[%parallel_loop3A_554, %parallel_loop3A_555] {strides = array<i32>} : memref<40x256xf32, #tpu.memory_space<vmem>>, vector<16xf32>,
        %parallel_loop3A_557 = arith.constant 15 : i32
        %parallel_loop3A_558 = vector.broadcast %parallel_loop3A_557 : i32 to vector<16xi32>
        %parallel_loop3A_559 = arith.cmpi eq, %iota3A, %parallel_loop3A_558 : vector<16xi32>
        %parallel_loop3A_560 = arith.mulf %parallel_loop3A_553, %parallel_loop3A_556 : vector<16xf32>
        %parallel_loop3A_561 = arith.constant true
        %parallel_loop3A_562 = vector.broadcast %parallel_loop3A_561 : i1 to vector<16xi1>
        %parallel_loop3A_563 = tpu.scan <sum>, %parallel_loop3A_560 masked %parallel_loop3A_562 : vector<16xf32>, vector<16xi1> -> vector<16xf32>
        %parallel_loop3A_564 = vector.extract %parallel_loop3A_563[15] : f32 from vector<16xf32>
        %parallel_loop3A_565 = vector.broadcast %parallel_loop3A_564 : f32 to vector<16xf32>
        %parallel_loop3A_566 = arith.select %parallel_loop3A_559, %parallel_loop3A_565, %parallel_loop3A_550 : vector<16xi1>, vector<16xf32>
        %parallel_loop3A_567 = arith.index_cast %parallel_loop3A_304 : i32 to index
        %parallel_loop3A_568 = arith.constant 0 : index
        %parallel_loop3A_569 = tpu.vector_load %arg18[%parallel_loop3A_567, %parallel_loop3A_568] {strides = array<i32>} : memref<20x16xf32, #tpu.memory_space<vmem>>, vector<16xf32>,
        %parallel_loop3A_570 = arith.addf %parallel_loop3A_566, %parallel_loop3A_569 : vector<16xf32>
        %parallel_loop3A_571 = math.exp %parallel_loop3A_570 : vector<16xf32>
        %parallel_loop3A_572 = arith.constant 3 : i32
        %parallel_loop3A_573 = vector.broadcast %parallel_loop3A_572 : i32 to vector<16xi32>
        %parallel_loop3A_574 = arith.shrui %iota3A, %parallel_loop3A_573 : vector<16xi32>
        %parallel_loop3A_575 = vector.broadcast %parallel_loop3A_306 : i32 to vector<16xi32>
        %parallel_loop3A_576 = arith.addi %parallel_loop3A_575, %parallel_loop3A_574 : vector<16xi32>
        %parallel_loop3A_577 = arith.constant 7 : i32
        %parallel_loop3A_578 = vector.broadcast %parallel_loop3A_577 : i32 to vector<16xi32>
        %parallel_loop3A_579 = arith.andi %iota3A, %parallel_loop3A_578 : vector<16xi32>
        %parallel_loop3A_580 = arith.constant 128 : i32
        %parallel_loop3A_581 = vector.broadcast %parallel_loop3A_580 : i32 to vector<16xi32>
        %parallel_loop3A_582 = arith.addi %parallel_loop3A_581, %parallel_loop3A_579 : vector<16xi32>
        tpu.vector_store_idx %arg20[%parallel_loop3A_576, %parallel_loop3A_582], %parallel_loop3A_571 : memref<40x136xf32, #tpu.memory_space<vmem>>[vector<16xi32>, vector<16xi32>], vector<16xf32>,
        %parallel_loop3A_583 = arith.constant 1 : i32
        %parallel_loop3A_584 = arith.addi %parallel_loop3A_306, %parallel_loop3A_583 : i32
        %parallel_loop3A_585 = vector.extract_strided_slice %parallel_loop3A_571 {offsets = [0], sizes = [1], strides = [1]} : vector<16xf32> to vector<1xf32>
        %parallel_loop3A_586 = vector.extract %parallel_loop3A_585[0] : f32 from vector<1xf32>
        %parallel_loop3A_587 = arith.index_cast %parallel_loop3A_306 : i32 to index
        %parallel_loop3A_588 = arith.constant 128 : index
        %parallel_loop3A_589 = tpu.vector_load %arg16[%parallel_loop3A_587, %parallel_loop3A_588] {strides = array<i32>} : memref<40x256xf32, #tpu.memory_space<vmem>>, vector<16xf32>,
        %parallel_loop3A_590 = vector.broadcast %parallel_loop3A_586 : f32 to vector<16xf32>
        %parallel_loop3A_591 = arith.mulf %parallel_loop3A_590, %parallel_loop3A_589 : vector<16xf32>
        %parallel_loop3A_592 = arith.index_cast %parallel_loop3A_306 : i32 to index
        %parallel_loop3A_593 = arith.constant 0 : index
        %parallel_loop3A_594 = tpu.vector_load %arg20[%parallel_loop3A_592, %parallel_loop3A_593] {strides = array<i32>} : memref<40x136xf32, #tpu.memory_space<vmem>>, vector<16xf32>,
        tpu.vector_store %arg20[%parallel_loop3A_592, %parallel_loop3A_593], %parallel_loop3A_591 {strides = array<i32>} : memref<40x136xf32, #tpu.memory_space<vmem>>, vector<16xf32>,
        %parallel_loop3A_595 = vector.extract_strided_slice %parallel_loop3A_571 {offsets = [1], sizes = [1], strides = [1]} : vector<16xf32> to vector<1xf32>
        %parallel_loop3A_596 = vector.extract %parallel_loop3A_595[0] : f32 from vector<1xf32>
        %parallel_loop3A_597 = arith.index_cast %parallel_loop3A_306 : i32 to index
        %parallel_loop3A_598 = arith.constant 144 : index
        %parallel_loop3A_599 = tpu.vector_load %arg16[%parallel_loop3A_597, %parallel_loop3A_598] {strides = array<i32>} : memref<40x256xf32, #tpu.memory_space<vmem>>, vector<16xf32>,
        %parallel_loop3A_600 = vector.broadcast %parallel_loop3A_596 : f32 to vector<16xf32>
        %parallel_loop3A_601 = arith.mulf %parallel_loop3A_600, %parallel_loop3A_599 : vector<16xf32>
        %parallel_loop3A_602 = arith.index_cast %parallel_loop3A_306 : i32 to index
        %parallel_loop3A_603 = arith.constant 16 : index
        %parallel_loop3A_604 = tpu.vector_load %arg20[%parallel_loop3A_602, %parallel_loop3A_603] {strides = array<i32>} : memref<40x136xf32, #tpu.memory_space<vmem>>, vector<16xf32>,
        tpu.vector_store %arg20[%parallel_loop3A_602, %parallel_loop3A_603], %parallel_loop3A_601 {strides = array<i32>} : memref<40x136xf32, #tpu.memory_space<vmem>>, vector<16xf32>,
        %parallel_loop3A_605 = vector.extract_strided_slice %parallel_loop3A_571 {offsets = [2], sizes = [1], strides = [1]} : vector<16xf32> to vector<1xf32>
        %parallel_loop3A_606 = vector.extract %parallel_loop3A_605[0] : f32 from vector<1xf32>
        %parallel_loop3A_607 = arith.index_cast %parallel_loop3A_306 : i32 to index
        %parallel_loop3A_608 = arith.constant 160 : index
        %parallel_loop3A_609 = tpu.vector_load %arg16[%parallel_loop3A_607, %parallel_loop3A_608] {strides = array<i32>} : memref<40x256xf32, #tpu.memory_space<vmem>>, vector<16xf32>,
        %parallel_loop3A_610 = vector.broadcast %parallel_loop3A_606 : f32 to vector<16xf32>
        %parallel_loop3A_611 = arith.mulf %parallel_loop3A_610, %parallel_loop3A_609 : vector<16xf32>
        %parallel_loop3A_612 = arith.index_cast %parallel_loop3A_306 : i32 to index
        %parallel_loop3A_613 = arith.constant 32 : index
        %parallel_loop3A_614 = tpu.vector_load %arg20[%parallel_loop3A_612, %parallel_loop3A_613] {strides = array<i32>} : memref<40x136xf32, #tpu.memory_space<vmem>>, vector<16xf32>,
        tpu.vector_store %arg20[%parallel_loop3A_612, %parallel_loop3A_613], %parallel_loop3A_611 {strides = array<i32>} : memref<40x136xf32, #tpu.memory_space<vmem>>, vector<16xf32>,
        %parallel_loop3A_615 = vector.extract_strided_slice %parallel_loop3A_571 {offsets = [3], sizes = [1], strides = [1]} : vector<16xf32> to vector<1xf32>
        %parallel_loop3A_616 = vector.extract %parallel_loop3A_615[0] : f32 from vector<1xf32>
        %parallel_loop3A_617 = arith.index_cast %parallel_loop3A_306 : i32 to index
        %parallel_loop3A_618 = arith.constant 176 : index
        %parallel_loop3A_619 = tpu.vector_load %arg16[%parallel_loop3A_617, %parallel_loop3A_618] {strides = array<i32>} : memref<40x256xf32, #tpu.memory_space<vmem>>, vector<16xf32>,
        %parallel_loop3A_620 = vector.broadcast %parallel_loop3A_616 : f32 to vector<16xf32>
        %parallel_loop3A_621 = arith.mulf %parallel_loop3A_620, %parallel_loop3A_619 : vector<16xf32>
        %parallel_loop3A_622 = arith.index_cast %parallel_loop3A_306 : i32 to index
        %parallel_loop3A_623 = arith.constant 48 : index
        %parallel_loop3A_624 = tpu.vector_load %arg20[%parallel_loop3A_622, %parallel_loop3A_623] {strides = array<i32>} : memref<40x136xf32, #tpu.memory_space<vmem>>, vector<16xf32>,
        tpu.vector_store %arg20[%parallel_loop3A_622, %parallel_loop3A_623], %parallel_loop3A_621 {strides = array<i32>} : memref<40x136xf32, #tpu.memory_space<vmem>>, vector<16xf32>,
        %parallel_loop3A_625 = vector.extract_strided_slice %parallel_loop3A_571 {offsets = [4], sizes = [1], strides = [1]} : vector<16xf32> to vector<1xf32>
        %parallel_loop3A_626 = vector.extract %parallel_loop3A_625[0] : f32 from vector<1xf32>
        %parallel_loop3A_627 = arith.index_cast %parallel_loop3A_306 : i32 to index
        %parallel_loop3A_628 = arith.constant 192 : index
        %parallel_loop3A_629 = tpu.vector_load %arg16[%parallel_loop3A_627, %parallel_loop3A_628] {strides = array<i32>} : memref<40x256xf32, #tpu.memory_space<vmem>>, vector<16xf32>,
        %parallel_loop3A_630 = vector.broadcast %parallel_loop3A_626 : f32 to vector<16xf32>
        %parallel_loop3A_631 = arith.mulf %parallel_loop3A_630, %parallel_loop3A_629 : vector<16xf32>
        %parallel_loop3A_632 = arith.index_cast %parallel_loop3A_306 : i32 to index
        %parallel_loop3A_633 = arith.constant 64 : index
        %parallel_loop3A_634 = tpu.vector_load %arg20[%parallel_loop3A_632, %parallel_loop3A_633] {strides = array<i32>} : memref<40x136xf32, #tpu.memory_space<vmem>>, vector<16xf32>,
        tpu.vector_store %arg20[%parallel_loop3A_632, %parallel_loop3A_633], %parallel_loop3A_631 {strides = array<i32>} : memref<40x136xf32, #tpu.memory_space<vmem>>, vector<16xf32>,
        %parallel_loop3A_635 = vector.extract_strided_slice %parallel_loop3A_571 {offsets = [5], sizes = [1], strides = [1]} : vector<16xf32> to vector<1xf32>
        %parallel_loop3A_636 = vector.extract %parallel_loop3A_635[0] : f32 from vector<1xf32>
        %parallel_loop3A_637 = arith.index_cast %parallel_loop3A_306 : i32 to index
        %parallel_loop3A_638 = arith.constant 208 : index
        %parallel_loop3A_639 = tpu.vector_load %arg16[%parallel_loop3A_637, %parallel_loop3A_638] {strides = array<i32>} : memref<40x256xf32, #tpu.memory_space<vmem>>, vector<16xf32>,
        %parallel_loop3A_640 = vector.broadcast %parallel_loop3A_636 : f32 to vector<16xf32>
        %parallel_loop3A_641 = arith.mulf %parallel_loop3A_640, %parallel_loop3A_639 : vector<16xf32>
        %parallel_loop3A_642 = arith.index_cast %parallel_loop3A_306 : i32 to index
        %parallel_loop3A_643 = arith.constant 80 : index
        %parallel_loop3A_644 = tpu.vector_load %arg20[%parallel_loop3A_642, %parallel_loop3A_643] {strides = array<i32>} : memref<40x136xf32, #tpu.memory_space<vmem>>, vector<16xf32>,
        tpu.vector_store %arg20[%parallel_loop3A_642, %parallel_loop3A_643], %parallel_loop3A_641 {strides = array<i32>} : memref<40x136xf32, #tpu.memory_space<vmem>>, vector<16xf32>,
        %parallel_loop3A_645 = vector.extract_strided_slice %parallel_loop3A_571 {offsets = [6], sizes = [1], strides = [1]} : vector<16xf32> to vector<1xf32>
        %parallel_loop3A_646 = vector.extract %parallel_loop3A_645[0] : f32 from vector<1xf32>
        %parallel_loop3A_647 = arith.index_cast %parallel_loop3A_306 : i32 to index
        %parallel_loop3A_648 = arith.constant 224 : index
        %parallel_loop3A_649 = tpu.vector_load %arg16[%parallel_loop3A_647, %parallel_loop3A_648] {strides = array<i32>} : memref<40x256xf32, #tpu.memory_space<vmem>>, vector<16xf32>,
        %parallel_loop3A_650 = vector.broadcast %parallel_loop3A_646 : f32 to vector<16xf32>
        %parallel_loop3A_651 = arith.mulf %parallel_loop3A_650, %parallel_loop3A_649 : vector<16xf32>
        %parallel_loop3A_652 = arith.index_cast %parallel_loop3A_306 : i32 to index
        %parallel_loop3A_653 = arith.constant 96 : index
        %parallel_loop3A_654 = tpu.vector_load %arg20[%parallel_loop3A_652, %parallel_loop3A_653] {strides = array<i32>} : memref<40x136xf32, #tpu.memory_space<vmem>>, vector<16xf32>,
        tpu.vector_store %arg20[%parallel_loop3A_652, %parallel_loop3A_653], %parallel_loop3A_651 {strides = array<i32>} : memref<40x136xf32, #tpu.memory_space<vmem>>, vector<16xf32>,
        %parallel_loop3A_655 = vector.extract_strided_slice %parallel_loop3A_571 {offsets = [7], sizes = [1], strides = [1]} : vector<16xf32> to vector<1xf32>
        %parallel_loop3A_656 = vector.extract %parallel_loop3A_655[0] : f32 from vector<1xf32>
        %parallel_loop3A_657 = arith.index_cast %parallel_loop3A_306 : i32 to index
        %parallel_loop3A_658 = arith.constant 240 : index
        %parallel_loop3A_659 = tpu.vector_load %arg16[%parallel_loop3A_657, %parallel_loop3A_658] {strides = array<i32>} : memref<40x256xf32, #tpu.memory_space<vmem>>, vector<16xf32>,
        %parallel_loop3A_660 = vector.broadcast %parallel_loop3A_656 : f32 to vector<16xf32>
        %parallel_loop3A_661 = arith.mulf %parallel_loop3A_660, %parallel_loop3A_659 : vector<16xf32>
        %parallel_loop3A_662 = arith.index_cast %parallel_loop3A_306 : i32 to index
        %parallel_loop3A_663 = arith.constant 112 : index
        %parallel_loop3A_664 = tpu.vector_load %arg20[%parallel_loop3A_662, %parallel_loop3A_663] {strides = array<i32>} : memref<40x136xf32, #tpu.memory_space<vmem>>, vector<16xf32>,
        tpu.vector_store %arg20[%parallel_loop3A_662, %parallel_loop3A_663], %parallel_loop3A_661 {strides = array<i32>} : memref<40x136xf32, #tpu.memory_space<vmem>>, vector<16xf32>,
        %parallel_loop3A_665 = vector.extract_strided_slice %parallel_loop3A_571 {offsets = [8], sizes = [1], strides = [1]} : vector<16xf32> to vector<1xf32>
        %parallel_loop3A_666 = vector.extract %parallel_loop3A_665[0] : f32 from vector<1xf32>
        %parallel_loop3A_667 = arith.index_cast %parallel_loop3A_584 : i32 to index
        %parallel_loop3A_668 = arith.constant 128 : index
        %parallel_loop3A_669 = tpu.vector_load %arg16[%parallel_loop3A_667, %parallel_loop3A_668] {strides = array<i32>} : memref<40x256xf32, #tpu.memory_space<vmem>>, vector<16xf32>,
        %parallel_loop3A_670 = vector.broadcast %parallel_loop3A_666 : f32 to vector<16xf32>
        %parallel_loop3A_671 = arith.mulf %parallel_loop3A_670, %parallel_loop3A_669 : vector<16xf32>
        %parallel_loop3A_672 = arith.index_cast %parallel_loop3A_584 : i32 to index
        %parallel_loop3A_673 = arith.constant 0 : index
        %parallel_loop3A_674 = tpu.vector_load %arg20[%parallel_loop3A_672, %parallel_loop3A_673] {strides = array<i32>} : memref<40x136xf32, #tpu.memory_space<vmem>>, vector<16xf32>,
        tpu.vector_store %arg20[%parallel_loop3A_672, %parallel_loop3A_673], %parallel_loop3A_671 {strides = array<i32>} : memref<40x136xf32, #tpu.memory_space<vmem>>, vector<16xf32>,
        %parallel_loop3A_675 = vector.extract_strided_slice %parallel_loop3A_571 {offsets = [9], sizes = [1], strides = [1]} : vector<16xf32> to vector<1xf32>
        %parallel_loop3A_676 = vector.extract %parallel_loop3A_675[0] : f32 from vector<1xf32>
        %parallel_loop3A_677 = arith.index_cast %parallel_loop3A_584 : i32 to index
        %parallel_loop3A_678 = arith.constant 144 : index
        %parallel_loop3A_679 = tpu.vector_load %arg16[%parallel_loop3A_677, %parallel_loop3A_678] {strides = array<i32>} : memref<40x256xf32, #tpu.memory_space<vmem>>, vector<16xf32>,
        %parallel_loop3A_680 = vector.broadcast %parallel_loop3A_676 : f32 to vector<16xf32>
        %parallel_loop3A_681 = arith.mulf %parallel_loop3A_680, %parallel_loop3A_679 : vector<16xf32>
        %parallel_loop3A_682 = arith.index_cast %parallel_loop3A_584 : i32 to index
        %parallel_loop3A_683 = arith.constant 16 : index
        %parallel_loop3A_684 = tpu.vector_load %arg20[%parallel_loop3A_682, %parallel_loop3A_683] {strides = array<i32>} : memref<40x136xf32, #tpu.memory_space<vmem>>, vector<16xf32>,
        tpu.vector_store %arg20[%parallel_loop3A_682, %parallel_loop3A_683], %parallel_loop3A_681 {strides = array<i32>} : memref<40x136xf32, #tpu.memory_space<vmem>>, vector<16xf32>,
        %parallel_loop3A_685 = vector.extract_strided_slice %parallel_loop3A_571 {offsets = [10], sizes = [1], strides = [1]} : vector<16xf32> to vector<1xf32>
        %parallel_loop3A_686 = vector.extract %parallel_loop3A_685[0] : f32 from vector<1xf32>
        %parallel_loop3A_687 = arith.index_cast %parallel_loop3A_584 : i32 to index
        %parallel_loop3A_688 = arith.constant 160 : index
        %parallel_loop3A_689 = tpu.vector_load %arg16[%parallel_loop3A_687, %parallel_loop3A_688] {strides = array<i32>} : memref<40x256xf32, #tpu.memory_space<vmem>>, vector<16xf32>,
        %parallel_loop3A_690 = vector.broadcast %parallel_loop3A_686 : f32 to vector<16xf32>
        %parallel_loop3A_691 = arith.mulf %parallel_loop3A_690, %parallel_loop3A_689 : vector<16xf32>
        %parallel_loop3A_692 = arith.index_cast %parallel_loop3A_584 : i32 to index
        %parallel_loop3A_693 = arith.constant 32 : index
        %parallel_loop3A_694 = tpu.vector_load %arg20[%parallel_loop3A_692, %parallel_loop3A_693] {strides = array<i32>} : memref<40x136xf32, #tpu.memory_space<vmem>>, vector<16xf32>,
        tpu.vector_store %arg20[%parallel_loop3A_692, %parallel_loop3A_693], %parallel_loop3A_691 {strides = array<i32>} : memref<40x136xf32, #tpu.memory_space<vmem>>, vector<16xf32>,
        %parallel_loop3A_695 = vector.extract_strided_slice %parallel_loop3A_571 {offsets = [11], sizes = [1], strides = [1]} : vector<16xf32> to vector<1xf32>
        %parallel_loop3A_696 = vector.extract %parallel_loop3A_695[0] : f32 from vector<1xf32>
        %parallel_loop3A_697 = arith.index_cast %parallel_loop3A_584 : i32 to index
        %parallel_loop3A_698 = arith.constant 176 : index
        %parallel_loop3A_699 = tpu.vector_load %arg16[%parallel_loop3A_697, %parallel_loop3A_698] {strides = array<i32>} : memref<40x256xf32, #tpu.memory_space<vmem>>, vector<16xf32>,
        %parallel_loop3A_700 = vector.broadcast %parallel_loop3A_696 : f32 to vector<16xf32>
        %parallel_loop3A_701 = arith.mulf %parallel_loop3A_700, %parallel_loop3A_699 : vector<16xf32>
        %parallel_loop3A_702 = arith.index_cast %parallel_loop3A_584 : i32 to index
        %parallel_loop3A_703 = arith.constant 48 : index
        %parallel_loop3A_704 = tpu.vector_load %arg20[%parallel_loop3A_702, %parallel_loop3A_703] {strides = array<i32>} : memref<40x136xf32, #tpu.memory_space<vmem>>, vector<16xf32>,
        tpu.vector_store %arg20[%parallel_loop3A_702, %parallel_loop3A_703], %parallel_loop3A_701 {strides = array<i32>} : memref<40x136xf32, #tpu.memory_space<vmem>>, vector<16xf32>,
        %parallel_loop3A_705 = vector.extract_strided_slice %parallel_loop3A_571 {offsets = [12], sizes = [1], strides = [1]} : vector<16xf32> to vector<1xf32>
        %parallel_loop3A_706 = vector.extract %parallel_loop3A_705[0] : f32 from vector<1xf32>
        %parallel_loop3A_707 = arith.index_cast %parallel_loop3A_584 : i32 to index
        %parallel_loop3A_708 = arith.constant 192 : index
        %parallel_loop3A_709 = tpu.vector_load %arg16[%parallel_loop3A_707, %parallel_loop3A_708] {strides = array<i32>} : memref<40x256xf32, #tpu.memory_space<vmem>>, vector<16xf32>,
        %parallel_loop3A_710 = vector.broadcast %parallel_loop3A_706 : f32 to vector<16xf32>
        %parallel_loop3A_711 = arith.mulf %parallel_loop3A_710, %parallel_loop3A_709 : vector<16xf32>
        %parallel_loop3A_712 = arith.index_cast %parallel_loop3A_584 : i32 to index
        %parallel_loop3A_713 = arith.constant 64 : index
        %parallel_loop3A_714 = tpu.vector_load %arg20[%parallel_loop3A_712, %parallel_loop3A_713] {strides = array<i32>} : memref<40x136xf32, #tpu.memory_space<vmem>>, vector<16xf32>,
        tpu.vector_store %arg20[%parallel_loop3A_712, %parallel_loop3A_713], %parallel_loop3A_711 {strides = array<i32>} : memref<40x136xf32, #tpu.memory_space<vmem>>, vector<16xf32>,
        %parallel_loop3A_715 = vector.extract_strided_slice %parallel_loop3A_571 {offsets = [13], sizes = [1], strides = [1]} : vector<16xf32> to vector<1xf32>
        %parallel_loop3A_716 = vector.extract %parallel_loop3A_715[0] : f32 from vector<1xf32>
        %parallel_loop3A_717 = arith.index_cast %parallel_loop3A_584 : i32 to index
        %parallel_loop3A_718 = arith.constant 208 : index
        %parallel_loop3A_719 = tpu.vector_load %arg16[%parallel_loop3A_717, %parallel_loop3A_718] {strides = array<i32>} : memref<40x256xf32, #tpu.memory_space<vmem>>, vector<16xf32>,
        %parallel_loop3A_720 = vector.broadcast %parallel_loop3A_716 : f32 to vector<16xf32>
        %parallel_loop3A_721 = arith.mulf %parallel_loop3A_720, %parallel_loop3A_719 : vector<16xf32>
        %parallel_loop3A_722 = arith.index_cast %parallel_loop3A_584 : i32 to index
        %parallel_loop3A_723 = arith.constant 80 : index
        %parallel_loop3A_724 = tpu.vector_load %arg20[%parallel_loop3A_722, %parallel_loop3A_723] {strides = array<i32>} : memref<40x136xf32, #tpu.memory_space<vmem>>, vector<16xf32>,
        tpu.vector_store %arg20[%parallel_loop3A_722, %parallel_loop3A_723], %parallel_loop3A_721 {strides = array<i32>} : memref<40x136xf32, #tpu.memory_space<vmem>>, vector<16xf32>,
        %parallel_loop3A_725 = vector.extract_strided_slice %parallel_loop3A_571 {offsets = [14], sizes = [1], strides = [1]} : vector<16xf32> to vector<1xf32>
        %parallel_loop3A_726 = vector.extract %parallel_loop3A_725[0] : f32 from vector<1xf32>
        %parallel_loop3A_727 = arith.index_cast %parallel_loop3A_584 : i32 to index
        %parallel_loop3A_728 = arith.constant 224 : index
        %parallel_loop3A_729 = tpu.vector_load %arg16[%parallel_loop3A_727, %parallel_loop3A_728] {strides = array<i32>} : memref<40x256xf32, #tpu.memory_space<vmem>>, vector<16xf32>,
        %parallel_loop3A_730 = vector.broadcast %parallel_loop3A_726 : f32 to vector<16xf32>
        %parallel_loop3A_731 = arith.mulf %parallel_loop3A_730, %parallel_loop3A_729 : vector<16xf32>
        %parallel_loop3A_732 = arith.index_cast %parallel_loop3A_584 : i32 to index
        %parallel_loop3A_733 = arith.constant 96 : index
        %parallel_loop3A_734 = tpu.vector_load %arg20[%parallel_loop3A_732, %parallel_loop3A_733] {strides = array<i32>} : memref<40x136xf32, #tpu.memory_space<vmem>>, vector<16xf32>,
        tpu.vector_store %arg20[%parallel_loop3A_732, %parallel_loop3A_733], %parallel_loop3A_731 {strides = array<i32>} : memref<40x136xf32, #tpu.memory_space<vmem>>, vector<16xf32>,
        %parallel_loop3A_735 = vector.extract_strided_slice %parallel_loop3A_571 {offsets = [15], sizes = [1], strides = [1]} : vector<16xf32> to vector<1xf32>
        %parallel_loop3A_736 = vector.extract %parallel_loop3A_735[0] : f32 from vector<1xf32>
        %parallel_loop3A_737 = arith.index_cast %parallel_loop3A_584 : i32 to index
        %parallel_loop3A_738 = arith.constant 240 : index
        %parallel_loop3A_739 = tpu.vector_load %arg16[%parallel_loop3A_737, %parallel_loop3A_738] {strides = array<i32>} : memref<40x256xf32, #tpu.memory_space<vmem>>, vector<16xf32>,
        %parallel_loop3A_740 = vector.broadcast %parallel_loop3A_736 : f32 to vector<16xf32>
        %parallel_loop3A_741 = arith.mulf %parallel_loop3A_740, %parallel_loop3A_739 : vector<16xf32>
        %parallel_loop3A_742 = arith.index_cast %parallel_loop3A_584 : i32 to index
        %parallel_loop3A_743 = arith.constant 112 : index
        %parallel_loop3A_744 = tpu.vector_load %arg20[%parallel_loop3A_742, %parallel_loop3A_743] {strides = array<i32>} : memref<40x136xf32, #tpu.memory_space<vmem>>, vector<16xf32>,
        tpu.vector_store %arg20[%parallel_loop3A_742, %parallel_loop3A_743], %parallel_loop3A_741 {strides = array<i32>} : memref<40x136xf32, #tpu.memory_space<vmem>>, vector<16xf32>,
      } {sc.loop_unroll_factor = 4 : i64, sc.parallel_access}
      %get3A = arith.constant 0 : index
      %get3A_236 = tpu.vector_load %arg10[%get3A] {strides = array<i32>} : memref<40xi32, #tpu.memory_space<vmem>>, vector<16xi32>,
      %swap3A_237 = arith.constant 0 : index
      %swap3A_238 = tpu.vector_load %arg12[%swap3A_237] {strides = array<i32>} : memref<40xi32, #tpu.memory_space<vmem>>, vector<16xi32>,
      tpu.vector_store %arg12[%swap3A_237], %get3A_236 {strides = array<i32>} : memref<40xi32, #tpu.memory_space<vmem>>, vector<16xi32>,
      %get3A_239 = arith.constant 16 : index
      %get3A_240 = tpu.vector_load %arg10[%get3A_239] {strides = array<i32>} : memref<40xi32, #tpu.memory_space<vmem>>, vector<16xi32>,
      %swap3A_241 = arith.constant 16 : index
      %swap3A_242 = tpu.vector_load %arg12[%swap3A_241] {strides = array<i32>} : memref<40xi32, #tpu.memory_space<vmem>>, vector<16xi32>,
      tpu.vector_store %arg12[%swap3A_241], %get3A_240 {strides = array<i32>} : memref<40xi32, #tpu.memory_space<vmem>>, vector<16xi32>,
      %get3A_243 = arith.constant 24 : index
      %get3A_244 = tpu.vector_load %arg10[%get3A_243] {strides = array<i32>} : memref<40xi32, #tpu.memory_space<vmem>>, vector<16xi32>,
      %swap3A_245 = arith.constant 24 : index
      %swap3A_246 = tpu.vector_load %arg12[%swap3A_245] {strides = array<i32>} : memref<40xi32, #tpu.memory_space<vmem>>, vector<16xi32>,
      tpu.vector_store %arg12[%swap3A_245], %get3A_244 {strides = array<i32>} : memref<40xi32, #tpu.memory_space<vmem>>, vector<16xi32>,
      %dma_start3A_247 = arith.constant 0 : i32
      %dma_start3A_248 = arith.constant 0 : i32
      %dma_start3A_249 = tpu.memref_slice %arg23[%dma_start3A_247, %dma_start3A_248] : memref<10240x136xf32, #tpu.memory_space<vmem_shared>> -> memref<10240x136xf32, #tpu.memory_space<vmem_shared>>
      tpu.enqueue_indirect_dma source(%arg20 : memref<40x136xf32, #tpu.memory_space<vmem>>) target(%dma_start3A_249 : memref<10240x136xf32, #tpu.memory_space<vmem_shared>>) offsets(%arg12 : memref<40xi32, #tpu.memory_space<vmem>>) semaphore(%arg28 : memref<!tpu.dma_semaphore, #tpu.memory_space<semaphore_mem>>) {add = true}
      %add3A_250 = arith.constant 2 : i32
      %add3A_251 = arith.addi %add3A_219, %add3A_250 : i32
      %lt3A_252 = arith.constant 250 : i32
      %lt3A_253 = arith.cmpi slt, %add3A_251, %lt3A_252 : i32
      %convert_element_type3A_254 = arith.extui %lt3A_253 : i1 to i32
      %cond3A_255 = arith.constant 0 : i32
      %cond3A_256 = arith.cmpi ne, %convert_element_type3A_254, %cond3A_255 : i32
      scf.if %cond3A_256 {
        %add3A_304 = arith.constant 2 : i32
        %add3A_305 = arith.addi %add3A_219, %add3A_304 : i32
        %mul3A_306 = arith.constant 40 : i32
        %mul3A_307 = arith.muli %add3A_305, %mul3A_306 : i32
        %add3A_308 = arith.addi %mul3A_2, %mul3A_307 : i32
        %dma_start3A_309 = tpu.memref_slice %arg5[%add3A_308] : memref<320000xi32, #tpu.memory_space<hbm>> -> memref<40xi32, #tpu.memory_space<hbm>>
        %dma_start3A_310 = tpu.memref_slice %arg5[%add3A_308] : memref<320000xi32, #tpu.memory_space<hbm>> -> memref<40xi32, #tpu.memory_space<hbm>>
        tpu.enqueue_dma source(%dma_start3A_310 : memref<40xi32, #tpu.memory_space<hbm>>) target(%arg8 : memref<40xi32, #tpu.memory_space<vmem>>) target_semaphore(%arg30 : memref<!tpu.dma_semaphore, #tpu.memory_space<semaphore_mem>>)
        %dma_start3A_311 = tpu.memref_slice %arg6[%add3A_308] : memref<320000xi32, #tpu.memory_space<hbm>> -> memref<40xi32, #tpu.memory_space<hbm>>
        %dma_start3A_312 = tpu.memref_slice %arg6[%add3A_308] : memref<320000xi32, #tpu.memory_space<hbm>> -> memref<40xi32, #tpu.memory_space<hbm>>
        tpu.enqueue_dma source(%dma_start3A_312 : memref<40xi32, #tpu.memory_space<hbm>>) target(%arg10 : memref<40xi32, #tpu.memory_space<vmem>>) target_semaphore(%arg30 : memref<!tpu.dma_semaphore, #tpu.memory_space<semaphore_mem>>)
        %mul3A_313 = arith.constant 5000 : i32
        %mul3A_314 = arith.muli %add3A, %mul3A_313 : i32
        %mul3A_315 = arith.constant 20 : i32
        %mul3A_316 = arith.muli %add3A_305, %mul3A_315 : i32
        %add3A_317 = arith.addi %mul3A_314, %mul3A_316 : i32
        %dma_start3A_318 = arith.constant 0 : i32
        %dma_start3A_319 = tpu.memref_slice %arg4[%add3A_317, %dma_start3A_318] : memref<160000x16xf32, #tpu.memory_space<hbm>> -> memref<20x16xf32, #tpu.memory_space<hbm>>
        %dma_start3A_320 = arith.constant 0 : i32
        %dma_start3A_321 = tpu.memref_slice %arg4[%add3A_317, %dma_start3A_320] : memref<160000x16xf32, #tpu.memory_space<hbm>> -> memref<20x16xf32, #tpu.memory_space<hbm>>
        tpu.enqueue_dma source(%dma_start3A_321 : memref<20x16xf32, #tpu.memory_space<hbm>>) target(%arg18 : memref<20x16xf32, #tpu.memory_space<vmem>>) target_semaphore(%arg30 : memref<!tpu.dma_semaphore, #tpu.memory_space<semaphore_mem>>)
      } else {
      }
      %mul3A_257 = arith.constant 2 : i32
      %mul3A_258 = arith.muli %mul3A_257, %scan3A_215 : i32
      %add3A_259 = arith.constant 1 : i32
      %add3A_260 = arith.addi %mul3A_258, %add3A_259 : i32
      %dma_wait3A_261 = arith.constant 0 : i32
      %dma_wait3A_262 = arith.constant 0 : i32
      %dma_wait3A_263 = tpu.memref_slice %arg2[%dma_wait3A_261, %dma_wait3A_262] : memref<10000x128xf32, #tpu.memory_space<hbm>> -> memref<10000x128xf32, #tpu.memory_space<hbm>>
      tpu.wait_indirect_dma semaphore(%arg25 : memref<!tpu.dma_semaphore, #tpu.memory_space<semaphore_mem>>) src(%dma_wait3A_263 : memref<10000x128xf32, #tpu.memory_space<hbm>>) dst(%arg15 : memref<40x128xf32, #tpu.memory_space<vmem>>)
      %dma_wait3A_264 = arith.constant 0 : i32
      %dma_wait3A_265 = arith.constant 0 : i32
      %dma_wait3A_266 = tpu.memref_slice %arg3[%dma_wait3A_264, %dma_wait3A_265] : memref<10000x256xf32, #tpu.memory_space<hbm>> -> memref<10000x256xf32, #tpu.memory_space<hbm>>
      tpu.wait_indirect_dma semaphore(%arg27 : memref<!tpu.dma_semaphore, #tpu.memory_space<semaphore_mem>>) src(%dma_wait3A_266 : memref<10000x256xf32, #tpu.memory_space<hbm>>) dst(%arg17 : memref<40x256xf32, #tpu.memory_space<vmem>>)
      %add3A_267 = arith.constant 1 : i32
      %add3A_268 = arith.addi %add3A_260, %add3A_267 : i32
      %lt3A_269 = arith.constant 250 : i32
      %lt3A_270 = arith.cmpi slt, %add3A_268, %lt3A_269 : i32
      %convert_element_type3A_271 = arith.extui %lt3A_270 : i1 to i32
      %cond3A_272 = arith.constant 0 : i32
      %cond3A_273 = arith.cmpi ne, %convert_element_type3A_271, %cond3A_272 : i32
      scf.if %cond3A_273 {
        %dma_wait3A_304 = arith.constant 0 : i32
        %dma_wait3A_305 = tpu.memref_slice %arg5[%dma_wait3A_304] : memref<320000xi32, #tpu.memory_space<hbm>> -> memref<40xi32, #tpu.memory_space<hbm>>
        %dma_wait3A_306 = arith.constant 0 : i32
        %dma_wait3A_307 = tpu.memref_slice %arg5[%dma_wait3A_306] : memref<320000xi32, #tpu.memory_space<hbm>> -> memref<40xi32, #tpu.memory_space<hbm>>
        tpu.wait_dma2 semaphore(%arg30 : memref<!tpu.dma_semaphore, #tpu.memory_space<semaphore_mem>>) src(%dma_wait3A_307 : memref<40xi32, #tpu.memory_space<hbm>>) dst(%arg8 : memref<40xi32, #tpu.memory_space<vmem>>)
        %dma_wait3A_308 = arith.constant 0 : i32
        %dma_wait3A_309 = tpu.memref_slice %arg6[%dma_wait3A_308] : memref<320000xi32, #tpu.memory_space<hbm>> -> memref<40xi32, #tpu.memory_space<hbm>>
        %dma_wait3A_310 = arith.constant 0 : i32
        %dma_wait3A_311 = tpu.memref_slice %arg6[%dma_wait3A_310] : memref<320000xi32, #tpu.memory_space<hbm>> -> memref<40xi32, #tpu.memory_space<hbm>>
        tpu.wait_dma2 semaphore(%arg30 : memref<!tpu.dma_semaphore, #tpu.memory_space<semaphore_mem>>) src(%dma_wait3A_311 : memref<40xi32, #tpu.memory_space<hbm>>) dst(%arg10 : memref<40xi32, #tpu.memory_space<vmem>>)
        %dma_wait3A_312 = arith.constant 0 : i32
        %dma_wait3A_313 = arith.constant 0 : i32
        %dma_wait3A_314 = tpu.memref_slice %arg4[%dma_wait3A_312, %dma_wait3A_313] : memref<160000x16xf32, #tpu.memory_space<hbm>> -> memref<20x16xf32, #tpu.memory_space<hbm>>
        %dma_wait3A_315 = arith.constant 0 : i32
        %dma_wait3A_316 = arith.constant 0 : i32
        %dma_wait3A_317 = tpu.memref_slice %arg4[%dma_wait3A_315, %dma_wait3A_316] : memref<160000x16xf32, #tpu.memory_space<hbm>> -> memref<20x16xf32, #tpu.memory_space<hbm>>
        tpu.wait_dma2 semaphore(%arg30 : memref<!tpu.dma_semaphore, #tpu.memory_space<semaphore_mem>>) src(%dma_wait3A_317 : memref<20x16xf32, #tpu.memory_space<hbm>>) dst(%arg18 : memref<20x16xf32, #tpu.memory_space<vmem>>)
        %dma_start3A_318 = arith.constant 0 : i32
        %dma_start3A_319 = arith.constant 0 : i32
        %dma_start3A_320 = tpu.memref_slice %arg2[%dma_start3A_318, %dma_start3A_319] : memref<10000x128xf32, #tpu.memory_space<hbm>> -> memref<10000x128xf32, #tpu.memory_space<hbm>>
        tpu.enqueue_indirect_dma source(%dma_start3A_320 : memref<10000x128xf32, #tpu.memory_space<hbm>>) target(%arg14 : memref<40x128xf32, #tpu.memory_space<vmem>>) offsets(%arg10 : memref<40xi32, #tpu.memory_space<vmem>>) semaphore(%arg24 : memref<!tpu.dma_semaphore, #tpu.memory_space<semaphore_mem>>)
        %dma_start3A_321 = arith.constant 0 : i32
        %dma_start3A_322 = arith.constant 0 : i32
        %dma_start3A_323 = tpu.memref_slice %arg3[%dma_start3A_321, %dma_start3A_322] : memref<10000x256xf32, #tpu.memory_space<hbm>> -> memref<10000x256xf32, #tpu.memory_space<hbm>>
        tpu.enqueue_indirect_dma source(%dma_start3A_323 : memref<10000x256xf32, #tpu.memory_space<hbm>>) target(%arg16 : memref<40x256xf32, #tpu.memory_space<vmem>>) offsets(%arg8 : memref<40xi32, #tpu.memory_space<vmem>>) semaphore(%arg26 : memref<!tpu.dma_semaphore, #tpu.memory_space<semaphore_mem>>)
      } else {
      }
      %ge3A_274 = arith.constant 2 : i32
      %ge3A_275 = arith.cmpi sge, %add3A_260, %ge3A_274 : i32
      %convert_element_type3A_276 = arith.extui %ge3A_275 : i1 to i32
      %cond3A_277 = arith.constant 0 : i32
      %cond3A_278 = arith.cmpi ne, %convert_element_type3A_276, %cond3A_277 : i32
      scf.if %cond3A_278 {
        %dma_wait3A_304 = arith.constant 0 : i32
        %dma_wait3A_305 = arith.constant 0 : i32
        %dma_wait3A_306 = tpu.memref_slice %arg23[%dma_wait3A_304, %dma_wait3A_305] : memref<10240x136xf32, #tpu.memory_space<vmem_shared>> -> memref<10240x136xf32, #tpu.memory_space<vmem_shared>>
        tpu.wait_indirect_dma semaphore(%arg29 : memref<!tpu.dma_semaphore, #tpu.memory_space<semaphore_mem>>) src(%arg21 : memref<40x136xf32, #tpu.memory_space<vmem>>) dst(%dma_wait3A_306 : memref<10240x136xf32, #tpu.memory_space<vmem_shared>>)
      } else {
      }
      %parallel_loop3A_279 = arith.constant 0 : i32
      %parallel_loop3A_280 = arith.constant 20 : i32
      %parallel_loop3A_281 = arith.constant 1 : i32
      scf.for %parallel_loop3A_304 = %parallel_loop3A_279 to %parallel_loop3A_280 step %parallel_loop3A_281  : i32 {
        %parallel_loop3A_305 = arith.constant 2 : i32
        %parallel_loop3A_306 = arith.muli %parallel_loop3A_305, %parallel_loop3A_304 : i32
        %parallel_loop3A_307 = arith.constant 0.000000e+00 : f32
        %parallel_loop3A_308 = vector.broadcast %parallel_loop3A_307 : f32 to vector<16xf32>
        %parallel_loop3A_309 = arith.constant 1 : i32
        %parallel_loop3A_310 = arith.addi %parallel_loop3A_306, %parallel_loop3A_309 : i32
        %parallel_loop3A_311 = arith.index_cast %parallel_loop3A_306 : i32 to index
        %parallel_loop3A_312 = arith.constant 0 : index
        %parallel_loop3A_313 = tpu.vector_load %arg15[%parallel_loop3A_311, %parallel_loop3A_312] {strides = array<i32>} : memref<40x128xf32, #tpu.memory_space<vmem>>, vector<16xf32>,
        %parallel_loop3A_314 = arith.index_cast %parallel_loop3A_306 : i32 to index
        %parallel_loop3A_315 = arith.constant 0 : index
        %parallel_loop3A_316 = tpu.vector_load %arg17[%parallel_loop3A_314, %parallel_loop3A_315] {strides = array<i32>} : memref<40x256xf32, #tpu.memory_space<vmem>>, vector<16xf32>,
        %parallel_loop3A_317 = arith.constant 0 : i32
        %parallel_loop3A_318 = vector.broadcast %parallel_loop3A_317 : i32 to vector<16xi32>
        %parallel_loop3A_319 = arith.cmpi eq, %iota3A, %parallel_loop3A_318 : vector<16xi32>
        %parallel_loop3A_320 = arith.mulf %parallel_loop3A_313, %parallel_loop3A_316 : vector<16xf32>
        %parallel_loop3A_321 = arith.constant true
        %parallel_loop3A_322 = vector.broadcast %parallel_loop3A_321 : i1 to vector<16xi1>
        %parallel_loop3A_323 = tpu.scan <sum>, %parallel_loop3A_320 masked %parallel_loop3A_322 : vector<16xf32>, vector<16xi1> -> vector<16xf32>
        %parallel_loop3A_324 = vector.extract %parallel_loop3A_323[15] : f32 from vector<16xf32>
        %parallel_loop3A_325 = vector.broadcast %parallel_loop3A_324 : f32 to vector<16xf32>
        %parallel_loop3A_326 = arith.select %parallel_loop3A_319, %parallel_loop3A_325, %parallel_loop3A_308 : vector<16xi1>, vector<16xf32>
        %parallel_loop3A_327 = arith.index_cast %parallel_loop3A_306 : i32 to index
        %parallel_loop3A_328 = arith.constant 16 : index
        %parallel_loop3A_329 = tpu.vector_load %arg15[%parallel_loop3A_327, %parallel_loop3A_328] {strides = array<i32>} : memref<40x128xf32, #tpu.memory_space<vmem>>, vector<16xf32>,
        %parallel_loop3A_330 = arith.index_cast %parallel_loop3A_306 : i32 to index
        %parallel_loop3A_331 = arith.constant 16 : index
        %parallel_loop3A_332 = tpu.vector_load %arg17[%parallel_loop3A_330, %parallel_loop3A_331] {strides = array<i32>} : memref<40x256xf32, #tpu.memory_space<vmem>>, vector<16xf32>,
        %parallel_loop3A_333 = arith.constant 1 : i32
        %parallel_loop3A_334 = vector.broadcast %parallel_loop3A_333 : i32 to vector<16xi32>
        %parallel_loop3A_335 = arith.cmpi eq, %iota3A, %parallel_loop3A_334 : vector<16xi32>
        %parallel_loop3A_336 = arith.mulf %parallel_loop3A_329, %parallel_loop3A_332 : vector<16xf32>
        %parallel_loop3A_337 = arith.constant true
        %parallel_loop3A_338 = vector.broadcast %parallel_loop3A_337 : i1 to vector<16xi1>
        %parallel_loop3A_339 = tpu.scan <sum>, %parallel_loop3A_336 masked %parallel_loop3A_338 : vector<16xf32>, vector<16xi1> -> vector<16xf32>
        %parallel_loop3A_340 = vector.extract %parallel_loop3A_339[15] : f32 from vector<16xf32>
        %parallel_loop3A_341 = vector.broadcast %parallel_loop3A_340 : f32 to vector<16xf32>
        %parallel_loop3A_342 = arith.select %parallel_loop3A_335, %parallel_loop3A_341, %parallel_loop3A_326 : vector<16xi1>, vector<16xf32>
        %parallel_loop3A_343 = arith.index_cast %parallel_loop3A_306 : i32 to index
        %parallel_loop3A_344 = arith.constant 32 : index
        %parallel_loop3A_345 = tpu.vector_load %arg15[%parallel_loop3A_343, %parallel_loop3A_344] {strides = array<i32>} : memref<40x128xf32, #tpu.memory_space<vmem>>, vector<16xf32>,
        %parallel_loop3A_346 = arith.index_cast %parallel_loop3A_306 : i32 to index
        %parallel_loop3A_347 = arith.constant 32 : index
        %parallel_loop3A_348 = tpu.vector_load %arg17[%parallel_loop3A_346, %parallel_loop3A_347] {strides = array<i32>} : memref<40x256xf32, #tpu.memory_space<vmem>>, vector<16xf32>,
        %parallel_loop3A_349 = arith.constant 2 : i32
        %parallel_loop3A_350 = vector.broadcast %parallel_loop3A_349 : i32 to vector<16xi32>
        %parallel_loop3A_351 = arith.cmpi eq, %iota3A, %parallel_loop3A_350 : vector<16xi32>
        %parallel_loop3A_352 = arith.mulf %parallel_loop3A_345, %parallel_loop3A_348 : vector<16xf32>
        %parallel_loop3A_353 = arith.constant true
        %parallel_loop3A_354 = vector.broadcast %parallel_loop3A_353 : i1 to vector<16xi1>
        %parallel_loop3A_355 = tpu.scan <sum>, %parallel_loop3A_352 masked %parallel_loop3A_354 : vector<16xf32>, vector<16xi1> -> vector<16xf32>
        %parallel_loop3A_356 = vector.extract %parallel_loop3A_355[15] : f32 from vector<16xf32>
        %parallel_loop3A_357 = vector.broadcast %parallel_loop3A_356 : f32 to vector<16xf32>
        %parallel_loop3A_358 = arith.select %parallel_loop3A_351, %parallel_loop3A_357, %parallel_loop3A_342 : vector<16xi1>, vector<16xf32>
        %parallel_loop3A_359 = arith.index_cast %parallel_loop3A_306 : i32 to index
        %parallel_loop3A_360 = arith.constant 48 : index
        %parallel_loop3A_361 = tpu.vector_load %arg15[%parallel_loop3A_359, %parallel_loop3A_360] {strides = array<i32>} : memref<40x128xf32, #tpu.memory_space<vmem>>, vector<16xf32>,
        %parallel_loop3A_362 = arith.index_cast %parallel_loop3A_306 : i32 to index
        %parallel_loop3A_363 = arith.constant 48 : index
        %parallel_loop3A_364 = tpu.vector_load %arg17[%parallel_loop3A_362, %parallel_loop3A_363] {strides = array<i32>} : memref<40x256xf32, #tpu.memory_space<vmem>>, vector<16xf32>,
        %parallel_loop3A_365 = arith.constant 3 : i32
        %parallel_loop3A_366 = vector.broadcast %parallel_loop3A_365 : i32 to vector<16xi32>
        %parallel_loop3A_367 = arith.cmpi eq, %iota3A, %parallel_loop3A_366 : vector<16xi32>
        %parallel_loop3A_368 = arith.mulf %parallel_loop3A_361, %parallel_loop3A_364 : vector<16xf32>
        %parallel_loop3A_369 = arith.constant true
        %parallel_loop3A_370 = vector.broadcast %parallel_loop3A_369 : i1 to vector<16xi1>
        %parallel_loop3A_371 = tpu.scan <sum>, %parallel_loop3A_368 masked %parallel_loop3A_370 : vector<16xf32>, vector<16xi1> -> vector<16xf32>
        %parallel_loop3A_372 = vector.extract %parallel_loop3A_371[15] : f32 from vector<16xf32>
        %parallel_loop3A_373 = vector.broadcast %parallel_loop3A_372 : f32 to vector<16xf32>
        %parallel_loop3A_374 = arith.select %parallel_loop3A_367, %parallel_loop3A_373, %parallel_loop3A_358 : vector<16xi1>, vector<16xf32>
        %parallel_loop3A_375 = arith.index_cast %parallel_loop3A_306 : i32 to index
        %parallel_loop3A_376 = arith.constant 64 : index
        %parallel_loop3A_377 = tpu.vector_load %arg15[%parallel_loop3A_375, %parallel_loop3A_376] {strides = array<i32>} : memref<40x128xf32, #tpu.memory_space<vmem>>, vector<16xf32>,
        %parallel_loop3A_378 = arith.index_cast %parallel_loop3A_306 : i32 to index
        %parallel_loop3A_379 = arith.constant 64 : index
        %parallel_loop3A_380 = tpu.vector_load %arg17[%parallel_loop3A_378, %parallel_loop3A_379] {strides = array<i32>} : memref<40x256xf32, #tpu.memory_space<vmem>>, vector<16xf32>,
        %parallel_loop3A_381 = arith.constant 4 : i32
        %parallel_loop3A_382 = vector.broadcast %parallel_loop3A_381 : i32 to vector<16xi32>
        %parallel_loop3A_383 = arith.cmpi eq, %iota3A, %parallel_loop3A_382 : vector<16xi32>
        %parallel_loop3A_384 = arith.mulf %parallel_loop3A_377, %parallel_loop3A_380 : vector<16xf32>
        %parallel_loop3A_385 = arith.constant true
        %parallel_loop3A_386 = vector.broadcast %parallel_loop3A_385 : i1 to vector<16xi1>
        %parallel_loop3A_387 = tpu.scan <sum>, %parallel_loop3A_384 masked %parallel_loop3A_386 : vector<16xf32>, vector<16xi1> -> vector<16xf32>
        %parallel_loop3A_388 = vector.extract %parallel_loop3A_387[15] : f32 from vector<16xf32>
        %parallel_loop3A_389 = vector.broadcast %parallel_loop3A_388 : f32 to vector<16xf32>
        %parallel_loop3A_390 = arith.select %parallel_loop3A_383, %parallel_loop3A_389, %parallel_loop3A_374 : vector<16xi1>, vector<16xf32>
        %parallel_loop3A_391 = arith.index_cast %parallel_loop3A_306 : i32 to index
        %parallel_loop3A_392 = arith.constant 80 : index
        %parallel_loop3A_393 = tpu.vector_load %arg15[%parallel_loop3A_391, %parallel_loop3A_392] {strides = array<i32>} : memref<40x128xf32, #tpu.memory_space<vmem>>, vector<16xf32>,
        %parallel_loop3A_394 = arith.index_cast %parallel_loop3A_306 : i32 to index
        %parallel_loop3A_395 = arith.constant 80 : index
        %parallel_loop3A_396 = tpu.vector_load %arg17[%parallel_loop3A_394, %parallel_loop3A_395] {strides = array<i32>} : memref<40x256xf32, #tpu.memory_space<vmem>>, vector<16xf32>,
        %parallel_loop3A_397 = arith.constant 5 : i32
        %parallel_loop3A_398 = vector.broadcast %parallel_loop3A_397 : i32 to vector<16xi32>
        %parallel_loop3A_399 = arith.cmpi eq, %iota3A, %parallel_loop3A_398 : vector<16xi32>
        %parallel_loop3A_400 = arith.mulf %parallel_loop3A_393, %parallel_loop3A_396 : vector<16xf32>
        %parallel_loop3A_401 = arith.constant true
        %parallel_loop3A_402 = vector.broadcast %parallel_loop3A_401 : i1 to vector<16xi1>
        %parallel_loop3A_403 = tpu.scan <sum>, %parallel_loop3A_400 masked %parallel_loop3A_402 : vector<16xf32>, vector<16xi1> -> vector<16xf32>
        %parallel_loop3A_404 = vector.extract %parallel_loop3A_403[15] : f32 from vector<16xf32>
        %parallel_loop3A_405 = vector.broadcast %parallel_loop3A_404 : f32 to vector<16xf32>
        %parallel_loop3A_406 = arith.select %parallel_loop3A_399, %parallel_loop3A_405, %parallel_loop3A_390 : vector<16xi1>, vector<16xf32>
        %parallel_loop3A_407 = arith.index_cast %parallel_loop3A_306 : i32 to index
        %parallel_loop3A_408 = arith.constant 96 : index
        %parallel_loop3A_409 = tpu.vector_load %arg15[%parallel_loop3A_407, %parallel_loop3A_408] {strides = array<i32>} : memref<40x128xf32, #tpu.memory_space<vmem>>, vector<16xf32>,
        %parallel_loop3A_410 = arith.index_cast %parallel_loop3A_306 : i32 to index
        %parallel_loop3A_411 = arith.constant 96 : index
        %parallel_loop3A_412 = tpu.vector_load %arg17[%parallel_loop3A_410, %parallel_loop3A_411] {strides = array<i32>} : memref<40x256xf32, #tpu.memory_space<vmem>>, vector<16xf32>,
        %parallel_loop3A_413 = arith.constant 6 : i32
        %parallel_loop3A_414 = vector.broadcast %parallel_loop3A_413 : i32 to vector<16xi32>
        %parallel_loop3A_415 = arith.cmpi eq, %iota3A, %parallel_loop3A_414 : vector<16xi32>
        %parallel_loop3A_416 = arith.mulf %parallel_loop3A_409, %parallel_loop3A_412 : vector<16xf32>
        %parallel_loop3A_417 = arith.constant true
        %parallel_loop3A_418 = vector.broadcast %parallel_loop3A_417 : i1 to vector<16xi1>
        %parallel_loop3A_419 = tpu.scan <sum>, %parallel_loop3A_416 masked %parallel_loop3A_418 : vector<16xf32>, vector<16xi1> -> vector<16xf32>
        %parallel_loop3A_420 = vector.extract %parallel_loop3A_419[15] : f32 from vector<16xf32>
        %parallel_loop3A_421 = vector.broadcast %parallel_loop3A_420 : f32 to vector<16xf32>
        %parallel_loop3A_422 = arith.select %parallel_loop3A_415, %parallel_loop3A_421, %parallel_loop3A_406 : vector<16xi1>, vector<16xf32>
        %parallel_loop3A_423 = arith.index_cast %parallel_loop3A_306 : i32 to index
        %parallel_loop3A_424 = arith.constant 112 : index
        %parallel_loop3A_425 = tpu.vector_load %arg15[%parallel_loop3A_423, %parallel_loop3A_424] {strides = array<i32>} : memref<40x128xf32, #tpu.memory_space<vmem>>, vector<16xf32>,
        %parallel_loop3A_426 = arith.index_cast %parallel_loop3A_306 : i32 to index
        %parallel_loop3A_427 = arith.constant 112 : index
        %parallel_loop3A_428 = tpu.vector_load %arg17[%parallel_loop3A_426, %parallel_loop3A_427] {strides = array<i32>} : memref<40x256xf32, #tpu.memory_space<vmem>>, vector<16xf32>,
        %parallel_loop3A_429 = arith.constant 7 : i32
        %parallel_loop3A_430 = vector.broadcast %parallel_loop3A_429 : i32 to vector<16xi32>
        %parallel_loop3A_431 = arith.cmpi eq, %iota3A, %parallel_loop3A_430 : vector<16xi32>
        %parallel_loop3A_432 = arith.mulf %parallel_loop3A_425, %parallel_loop3A_428 : vector<16xf32>
        %parallel_loop3A_433 = arith.constant true
        %parallel_loop3A_434 = vector.broadcast %parallel_loop3A_433 : i1 to vector<16xi1>
        %parallel_loop3A_435 = tpu.scan <sum>, %parallel_loop3A_432 masked %parallel_loop3A_434 : vector<16xf32>, vector<16xi1> -> vector<16xf32>
        %parallel_loop3A_436 = vector.extract %parallel_loop3A_435[15] : f32 from vector<16xf32>
        %parallel_loop3A_437 = vector.broadcast %parallel_loop3A_436 : f32 to vector<16xf32>
        %parallel_loop3A_438 = arith.select %parallel_loop3A_431, %parallel_loop3A_437, %parallel_loop3A_422 : vector<16xi1>, vector<16xf32>
        %parallel_loop3A_439 = arith.index_cast %parallel_loop3A_310 : i32 to index
        %parallel_loop3A_440 = arith.constant 0 : index
        %parallel_loop3A_441 = tpu.vector_load %arg15[%parallel_loop3A_439, %parallel_loop3A_440] {strides = array<i32>} : memref<40x128xf32, #tpu.memory_space<vmem>>, vector<16xf32>,
        %parallel_loop3A_442 = arith.index_cast %parallel_loop3A_310 : i32 to index
        %parallel_loop3A_443 = arith.constant 0 : index
        %parallel_loop3A_444 = tpu.vector_load %arg17[%parallel_loop3A_442, %parallel_loop3A_443] {strides = array<i32>} : memref<40x256xf32, #tpu.memory_space<vmem>>, vector<16xf32>,
        %parallel_loop3A_445 = arith.constant 8 : i32
        %parallel_loop3A_446 = vector.broadcast %parallel_loop3A_445 : i32 to vector<16xi32>
        %parallel_loop3A_447 = arith.cmpi eq, %iota3A, %parallel_loop3A_446 : vector<16xi32>
        %parallel_loop3A_448 = arith.mulf %parallel_loop3A_441, %parallel_loop3A_444 : vector<16xf32>
        %parallel_loop3A_449 = arith.constant true
        %parallel_loop3A_450 = vector.broadcast %parallel_loop3A_449 : i1 to vector<16xi1>
        %parallel_loop3A_451 = tpu.scan <sum>, %parallel_loop3A_448 masked %parallel_loop3A_450 : vector<16xf32>, vector<16xi1> -> vector<16xf32>
        %parallel_loop3A_452 = vector.extract %parallel_loop3A_451[15] : f32 from vector<16xf32>
        %parallel_loop3A_453 = vector.broadcast %parallel_loop3A_452 : f32 to vector<16xf32>
        %parallel_loop3A_454 = arith.select %parallel_loop3A_447, %parallel_loop3A_453, %parallel_loop3A_438 : vector<16xi1>, vector<16xf32>
        %parallel_loop3A_455 = arith.index_cast %parallel_loop3A_310 : i32 to index
        %parallel_loop3A_456 = arith.constant 16 : index
        %parallel_loop3A_457 = tpu.vector_load %arg15[%parallel_loop3A_455, %parallel_loop3A_456] {strides = array<i32>} : memref<40x128xf32, #tpu.memory_space<vmem>>, vector<16xf32>,
        %parallel_loop3A_458 = arith.index_cast %parallel_loop3A_310 : i32 to index
        %parallel_loop3A_459 = arith.constant 16 : index
        %parallel_loop3A_460 = tpu.vector_load %arg17[%parallel_loop3A_458, %parallel_loop3A_459] {strides = array<i32>} : memref<40x256xf32, #tpu.memory_space<vmem>>, vector<16xf32>,
        %parallel_loop3A_461 = arith.constant 9 : i32
        %parallel_loop3A_462 = vector.broadcast %parallel_loop3A_461 : i32 to vector<16xi32>
        %parallel_loop3A_463 = arith.cmpi eq, %iota3A, %parallel_loop3A_462 : vector<16xi32>
        %parallel_loop3A_464 = arith.mulf %parallel_loop3A_457, %parallel_loop3A_460 : vector<16xf32>
        %parallel_loop3A_465 = arith.constant true
        %parallel_loop3A_466 = vector.broadcast %parallel_loop3A_465 : i1 to vector<16xi1>
        %parallel_loop3A_467 = tpu.scan <sum>, %parallel_loop3A_464 masked %parallel_loop3A_466 : vector<16xf32>, vector<16xi1> -> vector<16xf32>
        %parallel_loop3A_468 = vector.extract %parallel_loop3A_467[15] : f32 from vector<16xf32>
        %parallel_loop3A_469 = vector.broadcast %parallel_loop3A_468 : f32 to vector<16xf32>
        %parallel_loop3A_470 = arith.select %parallel_loop3A_463, %parallel_loop3A_469, %parallel_loop3A_454 : vector<16xi1>, vector<16xf32>
        %parallel_loop3A_471 = arith.index_cast %parallel_loop3A_310 : i32 to index
        %parallel_loop3A_472 = arith.constant 32 : index
        %parallel_loop3A_473 = tpu.vector_load %arg15[%parallel_loop3A_471, %parallel_loop3A_472] {strides = array<i32>} : memref<40x128xf32, #tpu.memory_space<vmem>>, vector<16xf32>,
        %parallel_loop3A_474 = arith.index_cast %parallel_loop3A_310 : i32 to index
        %parallel_loop3A_475 = arith.constant 32 : index
        %parallel_loop3A_476 = tpu.vector_load %arg17[%parallel_loop3A_474, %parallel_loop3A_475] {strides = array<i32>} : memref<40x256xf32, #tpu.memory_space<vmem>>, vector<16xf32>,
        %parallel_loop3A_477 = arith.constant 10 : i32
        %parallel_loop3A_478 = vector.broadcast %parallel_loop3A_477 : i32 to vector<16xi32>
        %parallel_loop3A_479 = arith.cmpi eq, %iota3A, %parallel_loop3A_478 : vector<16xi32>
        %parallel_loop3A_480 = arith.mulf %parallel_loop3A_473, %parallel_loop3A_476 : vector<16xf32>
        %parallel_loop3A_481 = arith.constant true
        %parallel_loop3A_482 = vector.broadcast %parallel_loop3A_481 : i1 to vector<16xi1>
        %parallel_loop3A_483 = tpu.scan <sum>, %parallel_loop3A_480 masked %parallel_loop3A_482 : vector<16xf32>, vector<16xi1> -> vector<16xf32>
        %parallel_loop3A_484 = vector.extract %parallel_loop3A_483[15] : f32 from vector<16xf32>
        %parallel_loop3A_485 = vector.broadcast %parallel_loop3A_484 : f32 to vector<16xf32>
        %parallel_loop3A_486 = arith.select %parallel_loop3A_479, %parallel_loop3A_485, %parallel_loop3A_470 : vector<16xi1>, vector<16xf32>
        %parallel_loop3A_487 = arith.index_cast %parallel_loop3A_310 : i32 to index
        %parallel_loop3A_488 = arith.constant 48 : index
        %parallel_loop3A_489 = tpu.vector_load %arg15[%parallel_loop3A_487, %parallel_loop3A_488] {strides = array<i32>} : memref<40x128xf32, #tpu.memory_space<vmem>>, vector<16xf32>,
        %parallel_loop3A_490 = arith.index_cast %parallel_loop3A_310 : i32 to index
        %parallel_loop3A_491 = arith.constant 48 : index
        %parallel_loop3A_492 = tpu.vector_load %arg17[%parallel_loop3A_490, %parallel_loop3A_491] {strides = array<i32>} : memref<40x256xf32, #tpu.memory_space<vmem>>, vector<16xf32>,
        %parallel_loop3A_493 = arith.constant 11 : i32
        %parallel_loop3A_494 = vector.broadcast %parallel_loop3A_493 : i32 to vector<16xi32>
        %parallel_loop3A_495 = arith.cmpi eq, %iota3A, %parallel_loop3A_494 : vector<16xi32>
        %parallel_loop3A_496 = arith.mulf %parallel_loop3A_489, %parallel_loop3A_492 : vector<16xf32>
        %parallel_loop3A_497 = arith.constant true
        %parallel_loop3A_498 = vector.broadcast %parallel_loop3A_497 : i1 to vector<16xi1>
        %parallel_loop3A_499 = tpu.scan <sum>, %parallel_loop3A_496 masked %parallel_loop3A_498 : vector<16xf32>, vector<16xi1> -> vector<16xf32>
        %parallel_loop3A_500 = vector.extract %parallel_loop3A_499[15] : f32 from vector<16xf32>
        %parallel_loop3A_501 = vector.broadcast %parallel_loop3A_500 : f32 to vector<16xf32>
        %parallel_loop3A_502 = arith.select %parallel_loop3A_495, %parallel_loop3A_501, %parallel_loop3A_486 : vector<16xi1>, vector<16xf32>
        %parallel_loop3A_503 = arith.index_cast %parallel_loop3A_310 : i32 to index
        %parallel_loop3A_504 = arith.constant 64 : index
        %parallel_loop3A_505 = tpu.vector_load %arg15[%parallel_loop3A_503, %parallel_loop3A_504] {strides = array<i32>} : memref<40x128xf32, #tpu.memory_space<vmem>>, vector<16xf32>,
        %parallel_loop3A_506 = arith.index_cast %parallel_loop3A_310 : i32 to index
        %parallel_loop3A_507 = arith.constant 64 : index
        %parallel_loop3A_508 = tpu.vector_load %arg17[%parallel_loop3A_506, %parallel_loop3A_507] {strides = array<i32>} : memref<40x256xf32, #tpu.memory_space<vmem>>, vector<16xf32>,
        %parallel_loop3A_509 = arith.constant 12 : i32
        %parallel_loop3A_510 = vector.broadcast %parallel_loop3A_509 : i32 to vector<16xi32>
        %parallel_loop3A_511 = arith.cmpi eq, %iota3A, %parallel_loop3A_510 : vector<16xi32>
        %parallel_loop3A_512 = arith.mulf %parallel_loop3A_505, %parallel_loop3A_508 : vector<16xf32>
        %parallel_loop3A_513 = arith.constant true
        %parallel_loop3A_514 = vector.broadcast %parallel_loop3A_513 : i1 to vector<16xi1>
        %parallel_loop3A_515 = tpu.scan <sum>, %parallel_loop3A_512 masked %parallel_loop3A_514 : vector<16xf32>, vector<16xi1> -> vector<16xf32>
        %parallel_loop3A_516 = vector.extract %parallel_loop3A_515[15] : f32 from vector<16xf32>
        %parallel_loop3A_517 = vector.broadcast %parallel_loop3A_516 : f32 to vector<16xf32>
        %parallel_loop3A_518 = arith.select %parallel_loop3A_511, %parallel_loop3A_517, %parallel_loop3A_502 : vector<16xi1>, vector<16xf32>
        %parallel_loop3A_519 = arith.index_cast %parallel_loop3A_310 : i32 to index
        %parallel_loop3A_520 = arith.constant 80 : index
        %parallel_loop3A_521 = tpu.vector_load %arg15[%parallel_loop3A_519, %parallel_loop3A_520] {strides = array<i32>} : memref<40x128xf32, #tpu.memory_space<vmem>>, vector<16xf32>,
        %parallel_loop3A_522 = arith.index_cast %parallel_loop3A_310 : i32 to index
        %parallel_loop3A_523 = arith.constant 80 : index
        %parallel_loop3A_524 = tpu.vector_load %arg17[%parallel_loop3A_522, %parallel_loop3A_523] {strides = array<i32>} : memref<40x256xf32, #tpu.memory_space<vmem>>, vector<16xf32>,
        %parallel_loop3A_525 = arith.constant 13 : i32
        %parallel_loop3A_526 = vector.broadcast %parallel_loop3A_525 : i32 to vector<16xi32>
        %parallel_loop3A_527 = arith.cmpi eq, %iota3A, %parallel_loop3A_526 : vector<16xi32>
        %parallel_loop3A_528 = arith.mulf %parallel_loop3A_521, %parallel_loop3A_524 : vector<16xf32>
        %parallel_loop3A_529 = arith.constant true
        %parallel_loop3A_530 = vector.broadcast %parallel_loop3A_529 : i1 to vector<16xi1>
        %parallel_loop3A_531 = tpu.scan <sum>, %parallel_loop3A_528 masked %parallel_loop3A_530 : vector<16xf32>, vector<16xi1> -> vector<16xf32>
        %parallel_loop3A_532 = vector.extract %parallel_loop3A_531[15] : f32 from vector<16xf32>
        %parallel_loop3A_533 = vector.broadcast %parallel_loop3A_532 : f32 to vector<16xf32>
        %parallel_loop3A_534 = arith.select %parallel_loop3A_527, %parallel_loop3A_533, %parallel_loop3A_518 : vector<16xi1>, vector<16xf32>
        %parallel_loop3A_535 = arith.index_cast %parallel_loop3A_310 : i32 to index
        %parallel_loop3A_536 = arith.constant 96 : index
        %parallel_loop3A_537 = tpu.vector_load %arg15[%parallel_loop3A_535, %parallel_loop3A_536] {strides = array<i32>} : memref<40x128xf32, #tpu.memory_space<vmem>>, vector<16xf32>,
        %parallel_loop3A_538 = arith.index_cast %parallel_loop3A_310 : i32 to index
        %parallel_loop3A_539 = arith.constant 96 : index
        %parallel_loop3A_540 = tpu.vector_load %arg17[%parallel_loop3A_538, %parallel_loop3A_539] {strides = array<i32>} : memref<40x256xf32, #tpu.memory_space<vmem>>, vector<16xf32>,
        %parallel_loop3A_541 = arith.constant 14 : i32
        %parallel_loop3A_542 = vector.broadcast %parallel_loop3A_541 : i32 to vector<16xi32>
        %parallel_loop3A_543 = arith.cmpi eq, %iota3A, %parallel_loop3A_542 : vector<16xi32>
        %parallel_loop3A_544 = arith.mulf %parallel_loop3A_537, %parallel_loop3A_540 : vector<16xf32>
        %parallel_loop3A_545 = arith.constant true
        %parallel_loop3A_546 = vector.broadcast %parallel_loop3A_545 : i1 to vector<16xi1>
        %parallel_loop3A_547 = tpu.scan <sum>, %parallel_loop3A_544 masked %parallel_loop3A_546 : vector<16xf32>, vector<16xi1> -> vector<16xf32>
        %parallel_loop3A_548 = vector.extract %parallel_loop3A_547[15] : f32 from vector<16xf32>
        %parallel_loop3A_549 = vector.broadcast %parallel_loop3A_548 : f32 to vector<16xf32>
        %parallel_loop3A_550 = arith.select %parallel_loop3A_543, %parallel_loop3A_549, %parallel_loop3A_534 : vector<16xi1>, vector<16xf32>
        %parallel_loop3A_551 = arith.index_cast %parallel_loop3A_310 : i32 to index
        %parallel_loop3A_552 = arith.constant 112 : index
        %parallel_loop3A_553 = tpu.vector_load %arg15[%parallel_loop3A_551, %parallel_loop3A_552] {strides = array<i32>} : memref<40x128xf32, #tpu.memory_space<vmem>>, vector<16xf32>,
        %parallel_loop3A_554 = arith.index_cast %parallel_loop3A_310 : i32 to index
        %parallel_loop3A_555 = arith.constant 112 : index
        %parallel_loop3A_556 = tpu.vector_load %arg17[%parallel_loop3A_554, %parallel_loop3A_555] {strides = array<i32>} : memref<40x256xf32, #tpu.memory_space<vmem>>, vector<16xf32>,
        %parallel_loop3A_557 = arith.constant 15 : i32
        %parallel_loop3A_558 = vector.broadcast %parallel_loop3A_557 : i32 to vector<16xi32>
        %parallel_loop3A_559 = arith.cmpi eq, %iota3A, %parallel_loop3A_558 : vector<16xi32>
        %parallel_loop3A_560 = arith.mulf %parallel_loop3A_553, %parallel_loop3A_556 : vector<16xf32>
        %parallel_loop3A_561 = arith.constant true
        %parallel_loop3A_562 = vector.broadcast %parallel_loop3A_561 : i1 to vector<16xi1>
        %parallel_loop3A_563 = tpu.scan <sum>, %parallel_loop3A_560 masked %parallel_loop3A_562 : vector<16xf32>, vector<16xi1> -> vector<16xf32>
        %parallel_loop3A_564 = vector.extract %parallel_loop3A_563[15] : f32 from vector<16xf32>
        %parallel_loop3A_565 = vector.broadcast %parallel_loop3A_564 : f32 to vector<16xf32>
        %parallel_loop3A_566 = arith.select %parallel_loop3A_559, %parallel_loop3A_565, %parallel_loop3A_550 : vector<16xi1>, vector<16xf32>
        %parallel_loop3A_567 = arith.index_cast %parallel_loop3A_304 : i32 to index
        %parallel_loop3A_568 = arith.constant 0 : index
        %parallel_loop3A_569 = tpu.vector_load %arg19[%parallel_loop3A_567, %parallel_loop3A_568] {strides = array<i32>} : memref<20x16xf32, #tpu.memory_space<vmem>>, vector<16xf32>,
        %parallel_loop3A_570 = arith.addf %parallel_loop3A_566, %parallel_loop3A_569 : vector<16xf32>
        %parallel_loop3A_571 = math.exp %parallel_loop3A_570 : vector<16xf32>
        %parallel_loop3A_572 = arith.constant 3 : i32
        %parallel_loop3A_573 = vector.broadcast %parallel_loop3A_572 : i32 to vector<16xi32>
        %parallel_loop3A_574 = arith.shrui %iota3A, %parallel_loop3A_573 : vector<16xi32>
        %parallel_loop3A_575 = vector.broadcast %parallel_loop3A_306 : i32 to vector<16xi32>
        %parallel_loop3A_576 = arith.addi %parallel_loop3A_575, %parallel_loop3A_574 : vector<16xi32>
        %parallel_loop3A_577 = arith.constant 7 : i32
        %parallel_loop3A_578 = vector.broadcast %parallel_loop3A_577 : i32 to vector<16xi32>
        %parallel_loop3A_579 = arith.andi %iota3A, %parallel_loop3A_578 : vector<16xi32>
        %parallel_loop3A_580 = arith.constant 128 : i32
        %parallel_loop3A_581 = vector.broadcast %parallel_loop3A_580 : i32 to vector<16xi32>
        %parallel_loop3A_582 = arith.addi %parallel_loop3A_581, %parallel_loop3A_579 : vector<16xi32>
        tpu.vector_store_idx %arg21[%parallel_loop3A_576, %parallel_loop3A_582], %parallel_loop3A_571 : memref<40x136xf32, #tpu.memory_space<vmem>>[vector<16xi32>, vector<16xi32>], vector<16xf32>,
        %parallel_loop3A_583 = arith.constant 1 : i32
        %parallel_loop3A_584 = arith.addi %parallel_loop3A_306, %parallel_loop3A_583 : i32
        %parallel_loop3A_585 = vector.extract_strided_slice %parallel_loop3A_571 {offsets = [0], sizes = [1], strides = [1]} : vector<16xf32> to vector<1xf32>
        %parallel_loop3A_586 = vector.extract %parallel_loop3A_585[0] : f32 from vector<1xf32>
        %parallel_loop3A_587 = arith.index_cast %parallel_loop3A_306 : i32 to index
        %parallel_loop3A_588 = arith.constant 128 : index
        %parallel_loop3A_589 = tpu.vector_load %arg17[%parallel_loop3A_587, %parallel_loop3A_588] {strides = array<i32>} : memref<40x256xf32, #tpu.memory_space<vmem>>, vector<16xf32>,
        %parallel_loop3A_590 = vector.broadcast %parallel_loop3A_586 : f32 to vector<16xf32>
        %parallel_loop3A_591 = arith.mulf %parallel_loop3A_590, %parallel_loop3A_589 : vector<16xf32>
        %parallel_loop3A_592 = arith.index_cast %parallel_loop3A_306 : i32 to index
        %parallel_loop3A_593 = arith.constant 0 : index
        %parallel_loop3A_594 = tpu.vector_load %arg21[%parallel_loop3A_592, %parallel_loop3A_593] {strides = array<i32>} : memref<40x136xf32, #tpu.memory_space<vmem>>, vector<16xf32>,
        tpu.vector_store %arg21[%parallel_loop3A_592, %parallel_loop3A_593], %parallel_loop3A_591 {strides = array<i32>} : memref<40x136xf32, #tpu.memory_space<vmem>>, vector<16xf32>,
        %parallel_loop3A_595 = vector.extract_strided_slice %parallel_loop3A_571 {offsets = [1], sizes = [1], strides = [1]} : vector<16xf32> to vector<1xf32>
        %parallel_loop3A_596 = vector.extract %parallel_loop3A_595[0] : f32 from vector<1xf32>
        %parallel_loop3A_597 = arith.index_cast %parallel_loop3A_306 : i32 to index
        %parallel_loop3A_598 = arith.constant 144 : index
        %parallel_loop3A_599 = tpu.vector_load %arg17[%parallel_loop3A_597, %parallel_loop3A_598] {strides = array<i32>} : memref<40x256xf32, #tpu.memory_space<vmem>>, vector<16xf32>,
        %parallel_loop3A_600 = vector.broadcast %parallel_loop3A_596 : f32 to vector<16xf32>
        %parallel_loop3A_601 = arith.mulf %parallel_loop3A_600, %parallel_loop3A_599 : vector<16xf32>
        %parallel_loop3A_602 = arith.index_cast %parallel_loop3A_306 : i32 to index
        %parallel_loop3A_603 = arith.constant 16 : index
        %parallel_loop3A_604 = tpu.vector_load %arg21[%parallel_loop3A_602, %parallel_loop3A_603] {strides = array<i32>} : memref<40x136xf32, #tpu.memory_space<vmem>>, vector<16xf32>,
        tpu.vector_store %arg21[%parallel_loop3A_602, %parallel_loop3A_603], %parallel_loop3A_601 {strides = array<i32>} : memref<40x136xf32, #tpu.memory_space<vmem>>, vector<16xf32>,
        %parallel_loop3A_605 = vector.extract_strided_slice %parallel_loop3A_571 {offsets = [2], sizes = [1], strides = [1]} : vector<16xf32> to vector<1xf32>
        %parallel_loop3A_606 = vector.extract %parallel_loop3A_605[0] : f32 from vector<1xf32>
        %parallel_loop3A_607 = arith.index_cast %parallel_loop3A_306 : i32 to index
        %parallel_loop3A_608 = arith.constant 160 : index
        %parallel_loop3A_609 = tpu.vector_load %arg17[%parallel_loop3A_607, %parallel_loop3A_608] {strides = array<i32>} : memref<40x256xf32, #tpu.memory_space<vmem>>, vector<16xf32>,
        %parallel_loop3A_610 = vector.broadcast %parallel_loop3A_606 : f32 to vector<16xf32>
        %parallel_loop3A_611 = arith.mulf %parallel_loop3A_610, %parallel_loop3A_609 : vector<16xf32>
        %parallel_loop3A_612 = arith.index_cast %parallel_loop3A_306 : i32 to index
        %parallel_loop3A_613 = arith.constant 32 : index
        %parallel_loop3A_614 = tpu.vector_load %arg21[%parallel_loop3A_612, %parallel_loop3A_613] {strides = array<i32>} : memref<40x136xf32, #tpu.memory_space<vmem>>, vector<16xf32>,
        tpu.vector_store %arg21[%parallel_loop3A_612, %parallel_loop3A_613], %parallel_loop3A_611 {strides = array<i32>} : memref<40x136xf32, #tpu.memory_space<vmem>>, vector<16xf32>,
        %parallel_loop3A_615 = vector.extract_strided_slice %parallel_loop3A_571 {offsets = [3], sizes = [1], strides = [1]} : vector<16xf32> to vector<1xf32>
        %parallel_loop3A_616 = vector.extract %parallel_loop3A_615[0] : f32 from vector<1xf32>
        %parallel_loop3A_617 = arith.index_cast %parallel_loop3A_306 : i32 to index
        %parallel_loop3A_618 = arith.constant 176 : index
        %parallel_loop3A_619 = tpu.vector_load %arg17[%parallel_loop3A_617, %parallel_loop3A_618] {strides = array<i32>} : memref<40x256xf32, #tpu.memory_space<vmem>>, vector<16xf32>,
        %parallel_loop3A_620 = vector.broadcast %parallel_loop3A_616 : f32 to vector<16xf32>
        %parallel_loop3A_621 = arith.mulf %parallel_loop3A_620, %parallel_loop3A_619 : vector<16xf32>
        %parallel_loop3A_622 = arith.index_cast %parallel_loop3A_306 : i32 to index
        %parallel_loop3A_623 = arith.constant 48 : index
        %parallel_loop3A_624 = tpu.vector_load %arg21[%parallel_loop3A_622, %parallel_loop3A_623] {strides = array<i32>} : memref<40x136xf32, #tpu.memory_space<vmem>>, vector<16xf32>,
        tpu.vector_store %arg21[%parallel_loop3A_622, %parallel_loop3A_623], %parallel_loop3A_621 {strides = array<i32>} : memref<40x136xf32, #tpu.memory_space<vmem>>, vector<16xf32>,
        %parallel_loop3A_625 = vector.extract_strided_slice %parallel_loop3A_571 {offsets = [4], sizes = [1], strides = [1]} : vector<16xf32> to vector<1xf32>
        %parallel_loop3A_626 = vector.extract %parallel_loop3A_625[0] : f32 from vector<1xf32>
        %parallel_loop3A_627 = arith.index_cast %parallel_loop3A_306 : i32 to index
        %parallel_loop3A_628 = arith.constant 192 : index
        %parallel_loop3A_629 = tpu.vector_load %arg17[%parallel_loop3A_627, %parallel_loop3A_628] {strides = array<i32>} : memref<40x256xf32, #tpu.memory_space<vmem>>, vector<16xf32>,
        %parallel_loop3A_630 = vector.broadcast %parallel_loop3A_626 : f32 to vector<16xf32>
        %parallel_loop3A_631 = arith.mulf %parallel_loop3A_630, %parallel_loop3A_629 : vector<16xf32>
        %parallel_loop3A_632 = arith.index_cast %parallel_loop3A_306 : i32 to index
        %parallel_loop3A_633 = arith.constant 64 : index
        %parallel_loop3A_634 = tpu.vector_load %arg21[%parallel_loop3A_632, %parallel_loop3A_633] {strides = array<i32>} : memref<40x136xf32, #tpu.memory_space<vmem>>, vector<16xf32>,
        tpu.vector_store %arg21[%parallel_loop3A_632, %parallel_loop3A_633], %parallel_loop3A_631 {strides = array<i32>} : memref<40x136xf32, #tpu.memory_space<vmem>>, vector<16xf32>,
        %parallel_loop3A_635 = vector.extract_strided_slice %parallel_loop3A_571 {offsets = [5], sizes = [1], strides = [1]} : vector<16xf32> to vector<1xf32>
        %parallel_loop3A_636 = vector.extract %parallel_loop3A_635[0] : f32 from vector<1xf32>
        %parallel_loop3A_637 = arith.index_cast %parallel_loop3A_306 : i32 to index
        %parallel_loop3A_638 = arith.constant 208 : index
        %parallel_loop3A_639 = tpu.vector_load %arg17[%parallel_loop3A_637, %parallel_loop3A_638] {strides = array<i32>} : memref<40x256xf32, #tpu.memory_space<vmem>>, vector<16xf32>,
        %parallel_loop3A_640 = vector.broadcast %parallel_loop3A_636 : f32 to vector<16xf32>
        %parallel_loop3A_641 = arith.mulf %parallel_loop3A_640, %parallel_loop3A_639 : vector<16xf32>
        %parallel_loop3A_642 = arith.index_cast %parallel_loop3A_306 : i32 to index
        %parallel_loop3A_643 = arith.constant 80 : index
        %parallel_loop3A_644 = tpu.vector_load %arg21[%parallel_loop3A_642, %parallel_loop3A_643] {strides = array<i32>} : memref<40x136xf32, #tpu.memory_space<vmem>>, vector<16xf32>,
        tpu.vector_store %arg21[%parallel_loop3A_642, %parallel_loop3A_643], %parallel_loop3A_641 {strides = array<i32>} : memref<40x136xf32, #tpu.memory_space<vmem>>, vector<16xf32>,
        %parallel_loop3A_645 = vector.extract_strided_slice %parallel_loop3A_571 {offsets = [6], sizes = [1], strides = [1]} : vector<16xf32> to vector<1xf32>
        %parallel_loop3A_646 = vector.extract %parallel_loop3A_645[0] : f32 from vector<1xf32>
        %parallel_loop3A_647 = arith.index_cast %parallel_loop3A_306 : i32 to index
        %parallel_loop3A_648 = arith.constant 224 : index
        %parallel_loop3A_649 = tpu.vector_load %arg17[%parallel_loop3A_647, %parallel_loop3A_648] {strides = array<i32>} : memref<40x256xf32, #tpu.memory_space<vmem>>, vector<16xf32>,
        %parallel_loop3A_650 = vector.broadcast %parallel_loop3A_646 : f32 to vector<16xf32>
        %parallel_loop3A_651 = arith.mulf %parallel_loop3A_650, %parallel_loop3A_649 : vector<16xf32>
        %parallel_loop3A_652 = arith.index_cast %parallel_loop3A_306 : i32 to index
        %parallel_loop3A_653 = arith.constant 96 : index
        %parallel_loop3A_654 = tpu.vector_load %arg21[%parallel_loop3A_652, %parallel_loop3A_653] {strides = array<i32>} : memref<40x136xf32, #tpu.memory_space<vmem>>, vector<16xf32>,
        tpu.vector_store %arg21[%parallel_loop3A_652, %parallel_loop3A_653], %parallel_loop3A_651 {strides = array<i32>} : memref<40x136xf32, #tpu.memory_space<vmem>>, vector<16xf32>,
        %parallel_loop3A_655 = vector.extract_strided_slice %parallel_loop3A_571 {offsets = [7], sizes = [1], strides = [1]} : vector<16xf32> to vector<1xf32>
        %parallel_loop3A_656 = vector.extract %parallel_loop3A_655[0] : f32 from vector<1xf32>
        %parallel_loop3A_657 = arith.index_cast %parallel_loop3A_306 : i32 to index
        %parallel_loop3A_658 = arith.constant 240 : index
        %parallel_loop3A_659 = tpu.vector_load %arg17[%parallel_loop3A_657, %parallel_loop3A_658] {strides = array<i32>} : memref<40x256xf32, #tpu.memory_space<vmem>>, vector<16xf32>,
        %parallel_loop3A_660 = vector.broadcast %parallel_loop3A_656 : f32 to vector<16xf32>
        %parallel_loop3A_661 = arith.mulf %parallel_loop3A_660, %parallel_loop3A_659 : vector<16xf32>
        %parallel_loop3A_662 = arith.index_cast %parallel_loop3A_306 : i32 to index
        %parallel_loop3A_663 = arith.constant 112 : index
        %parallel_loop3A_664 = tpu.vector_load %arg21[%parallel_loop3A_662, %parallel_loop3A_663] {strides = array<i32>} : memref<40x136xf32, #tpu.memory_space<vmem>>, vector<16xf32>,
        tpu.vector_store %arg21[%parallel_loop3A_662, %parallel_loop3A_663], %parallel_loop3A_661 {strides = array<i32>} : memref<40x136xf32, #tpu.memory_space<vmem>>, vector<16xf32>,
        %parallel_loop3A_665 = vector.extract_strided_slice %parallel_loop3A_571 {offsets = [8], sizes = [1], strides = [1]} : vector<16xf32> to vector<1xf32>
        %parallel_loop3A_666 = vector.extract %parallel_loop3A_665[0] : f32 from vector<1xf32>
        %parallel_loop3A_667 = arith.index_cast %parallel_loop3A_584 : i32 to index
        %parallel_loop3A_668 = arith.constant 128 : index
        %parallel_loop3A_669 = tpu.vector_load %arg17[%parallel_loop3A_667, %parallel_loop3A_668] {strides = array<i32>} : memref<40x256xf32, #tpu.memory_space<vmem>>, vector<16xf32>,
        %parallel_loop3A_670 = vector.broadcast %parallel_loop3A_666 : f32 to vector<16xf32>
        %parallel_loop3A_671 = arith.mulf %parallel_loop3A_670, %parallel_loop3A_669 : vector<16xf32>
        %parallel_loop3A_672 = arith.index_cast %parallel_loop3A_584 : i32 to index
        %parallel_loop3A_673 = arith.constant 0 : index
        %parallel_loop3A_674 = tpu.vector_load %arg21[%parallel_loop3A_672, %parallel_loop3A_673] {strides = array<i32>} : memref<40x136xf32, #tpu.memory_space<vmem>>, vector<16xf32>,
        tpu.vector_store %arg21[%parallel_loop3A_672, %parallel_loop3A_673], %parallel_loop3A_671 {strides = array<i32>} : memref<40x136xf32, #tpu.memory_space<vmem>>, vector<16xf32>,
        %parallel_loop3A_675 = vector.extract_strided_slice %parallel_loop3A_571 {offsets = [9], sizes = [1], strides = [1]} : vector<16xf32> to vector<1xf32>
        %parallel_loop3A_676 = vector.extract %parallel_loop3A_675[0] : f32 from vector<1xf32>
        %parallel_loop3A_677 = arith.index_cast %parallel_loop3A_584 : i32 to index
        %parallel_loop3A_678 = arith.constant 144 : index
        %parallel_loop3A_679 = tpu.vector_load %arg17[%parallel_loop3A_677, %parallel_loop3A_678] {strides = array<i32>} : memref<40x256xf32, #tpu.memory_space<vmem>>, vector<16xf32>,
        %parallel_loop3A_680 = vector.broadcast %parallel_loop3A_676 : f32 to vector<16xf32>
        %parallel_loop3A_681 = arith.mulf %parallel_loop3A_680, %parallel_loop3A_679 : vector<16xf32>
        %parallel_loop3A_682 = arith.index_cast %parallel_loop3A_584 : i32 to index
        %parallel_loop3A_683 = arith.constant 16 : index
        %parallel_loop3A_684 = tpu.vector_load %arg21[%parallel_loop3A_682, %parallel_loop3A_683] {strides = array<i32>} : memref<40x136xf32, #tpu.memory_space<vmem>>, vector<16xf32>,
        tpu.vector_store %arg21[%parallel_loop3A_682, %parallel_loop3A_683], %parallel_loop3A_681 {strides = array<i32>} : memref<40x136xf32, #tpu.memory_space<vmem>>, vector<16xf32>,
        %parallel_loop3A_685 = vector.extract_strided_slice %parallel_loop3A_571 {offsets = [10], sizes = [1], strides = [1]} : vector<16xf32> to vector<1xf32>
        %parallel_loop3A_686 = vector.extract %parallel_loop3A_685[0] : f32 from vector<1xf32>
        %parallel_loop3A_687 = arith.index_cast %parallel_loop3A_584 : i32 to index
        %parallel_loop3A_688 = arith.constant 160 : index
        %parallel_loop3A_689 = tpu.vector_load %arg17[%parallel_loop3A_687, %parallel_loop3A_688] {strides = array<i32>} : memref<40x256xf32, #tpu.memory_space<vmem>>, vector<16xf32>,
        %parallel_loop3A_690 = vector.broadcast %parallel_loop3A_686 : f32 to vector<16xf32>
        %parallel_loop3A_691 = arith.mulf %parallel_loop3A_690, %parallel_loop3A_689 : vector<16xf32>
        %parallel_loop3A_692 = arith.index_cast %parallel_loop3A_584 : i32 to index
        %parallel_loop3A_693 = arith.constant 32 : index
        %parallel_loop3A_694 = tpu.vector_load %arg21[%parallel_loop3A_692, %parallel_loop3A_693] {strides = array<i32>} : memref<40x136xf32, #tpu.memory_space<vmem>>, vector<16xf32>,
        tpu.vector_store %arg21[%parallel_loop3A_692, %parallel_loop3A_693], %parallel_loop3A_691 {strides = array<i32>} : memref<40x136xf32, #tpu.memory_space<vmem>>, vector<16xf32>,
        %parallel_loop3A_695 = vector.extract_strided_slice %parallel_loop3A_571 {offsets = [11], sizes = [1], strides = [1]} : vector<16xf32> to vector<1xf32>
        %parallel_loop3A_696 = vector.extract %parallel_loop3A_695[0] : f32 from vector<1xf32>
        %parallel_loop3A_697 = arith.index_cast %parallel_loop3A_584 : i32 to index
        %parallel_loop3A_698 = arith.constant 176 : index
        %parallel_loop3A_699 = tpu.vector_load %arg17[%parallel_loop3A_697, %parallel_loop3A_698] {strides = array<i32>} : memref<40x256xf32, #tpu.memory_space<vmem>>, vector<16xf32>,
        %parallel_loop3A_700 = vector.broadcast %parallel_loop3A_696 : f32 to vector<16xf32>
        %parallel_loop3A_701 = arith.mulf %parallel_loop3A_700, %parallel_loop3A_699 : vector<16xf32>
        %parallel_loop3A_702 = arith.index_cast %parallel_loop3A_584 : i32 to index
        %parallel_loop3A_703 = arith.constant 48 : index
        %parallel_loop3A_704 = tpu.vector_load %arg21[%parallel_loop3A_702, %parallel_loop3A_703] {strides = array<i32>} : memref<40x136xf32, #tpu.memory_space<vmem>>, vector<16xf32>,
        tpu.vector_store %arg21[%parallel_loop3A_702, %parallel_loop3A_703], %parallel_loop3A_701 {strides = array<i32>} : memref<40x136xf32, #tpu.memory_space<vmem>>, vector<16xf32>,
        %parallel_loop3A_705 = vector.extract_strided_slice %parallel_loop3A_571 {offsets = [12], sizes = [1], strides = [1]} : vector<16xf32> to vector<1xf32>
        %parallel_loop3A_706 = vector.extract %parallel_loop3A_705[0] : f32 from vector<1xf32>
        %parallel_loop3A_707 = arith.index_cast %parallel_loop3A_584 : i32 to index
        %parallel_loop3A_708 = arith.constant 192 : index
        %parallel_loop3A_709 = tpu.vector_load %arg17[%parallel_loop3A_707, %parallel_loop3A_708] {strides = array<i32>} : memref<40x256xf32, #tpu.memory_space<vmem>>, vector<16xf32>,
        %parallel_loop3A_710 = vector.broadcast %parallel_loop3A_706 : f32 to vector<16xf32>
        %parallel_loop3A_711 = arith.mulf %parallel_loop3A_710, %parallel_loop3A_709 : vector<16xf32>
        %parallel_loop3A_712 = arith.index_cast %parallel_loop3A_584 : i32 to index
        %parallel_loop3A_713 = arith.constant 64 : index
        %parallel_loop3A_714 = tpu.vector_load %arg21[%parallel_loop3A_712, %parallel_loop3A_713] {strides = array<i32>} : memref<40x136xf32, #tpu.memory_space<vmem>>, vector<16xf32>,
        tpu.vector_store %arg21[%parallel_loop3A_712, %parallel_loop3A_713], %parallel_loop3A_711 {strides = array<i32>} : memref<40x136xf32, #tpu.memory_space<vmem>>, vector<16xf32>,
        %parallel_loop3A_715 = vector.extract_strided_slice %parallel_loop3A_571 {offsets = [13], sizes = [1], strides = [1]} : vector<16xf32> to vector<1xf32>
        %parallel_loop3A_716 = vector.extract %parallel_loop3A_715[0] : f32 from vector<1xf32>
        %parallel_loop3A_717 = arith.index_cast %parallel_loop3A_584 : i32 to index
        %parallel_loop3A_718 = arith.constant 208 : index
        %parallel_loop3A_719 = tpu.vector_load %arg17[%parallel_loop3A_717, %parallel_loop3A_718] {strides = array<i32>} : memref<40x256xf32, #tpu.memory_space<vmem>>, vector<16xf32>,
        %parallel_loop3A_720 = vector.broadcast %parallel_loop3A_716 : f32 to vector<16xf32>
        %parallel_loop3A_721 = arith.mulf %parallel_loop3A_720, %parallel_loop3A_719 : vector<16xf32>
        %parallel_loop3A_722 = arith.index_cast %parallel_loop3A_584 : i32 to index
        %parallel_loop3A_723 = arith.constant 80 : index
        %parallel_loop3A_724 = tpu.vector_load %arg21[%parallel_loop3A_722, %parallel_loop3A_723] {strides = array<i32>} : memref<40x136xf32, #tpu.memory_space<vmem>>, vector<16xf32>,
        tpu.vector_store %arg21[%parallel_loop3A_722, %parallel_loop3A_723], %parallel_loop3A_721 {strides = array<i32>} : memref<40x136xf32, #tpu.memory_space<vmem>>, vector<16xf32>,
        %parallel_loop3A_725 = vector.extract_strided_slice %parallel_loop3A_571 {offsets = [14], sizes = [1], strides = [1]} : vector<16xf32> to vector<1xf32>
        %parallel_loop3A_726 = vector.extract %parallel_loop3A_725[0] : f32 from vector<1xf32>
        %parallel_loop3A_727 = arith.index_cast %parallel_loop3A_584 : i32 to index
        %parallel_loop3A_728 = arith.constant 224 : index
        %parallel_loop3A_729 = tpu.vector_load %arg17[%parallel_loop3A_727, %parallel_loop3A_728] {strides = array<i32>} : memref<40x256xf32, #tpu.memory_space<vmem>>, vector<16xf32>,
        %parallel_loop3A_730 = vector.broadcast %parallel_loop3A_726 : f32 to vector<16xf32>
        %parallel_loop3A_731 = arith.mulf %parallel_loop3A_730, %parallel_loop3A_729 : vector<16xf32>
        %parallel_loop3A_732 = arith.index_cast %parallel_loop3A_584 : i32 to index
        %parallel_loop3A_733 = arith.constant 96 : index
        %parallel_loop3A_734 = tpu.vector_load %arg21[%parallel_loop3A_732, %parallel_loop3A_733] {strides = array<i32>} : memref<40x136xf32, #tpu.memory_space<vmem>>, vector<16xf32>,
        tpu.vector_store %arg21[%parallel_loop3A_732, %parallel_loop3A_733], %parallel_loop3A_731 {strides = array<i32>} : memref<40x136xf32, #tpu.memory_space<vmem>>, vector<16xf32>,
        %parallel_loop3A_735 = vector.extract_strided_slice %parallel_loop3A_571 {offsets = [15], sizes = [1], strides = [1]} : vector<16xf32> to vector<1xf32>
        %parallel_loop3A_736 = vector.extract %parallel_loop3A_735[0] : f32 from vector<1xf32>
        %parallel_loop3A_737 = arith.index_cast %parallel_loop3A_584 : i32 to index
        %parallel_loop3A_738 = arith.constant 240 : index
        %parallel_loop3A_739 = tpu.vector_load %arg17[%parallel_loop3A_737, %parallel_loop3A_738] {strides = array<i32>} : memref<40x256xf32, #tpu.memory_space<vmem>>, vector<16xf32>,
        %parallel_loop3A_740 = vector.broadcast %parallel_loop3A_736 : f32 to vector<16xf32>
        %parallel_loop3A_741 = arith.mulf %parallel_loop3A_740, %parallel_loop3A_739 : vector<16xf32>
        %parallel_loop3A_742 = arith.index_cast %parallel_loop3A_584 : i32 to index
        %parallel_loop3A_743 = arith.constant 112 : index
        %parallel_loop3A_744 = tpu.vector_load %arg21[%parallel_loop3A_742, %parallel_loop3A_743] {strides = array<i32>} : memref<40x136xf32, #tpu.memory_space<vmem>>, vector<16xf32>,
        tpu.vector_store %arg21[%parallel_loop3A_742, %parallel_loop3A_743], %parallel_loop3A_741 {strides = array<i32>} : memref<40x136xf32, #tpu.memory_space<vmem>>, vector<16xf32>,
      } {sc.loop_unroll_factor = 4 : i64, sc.parallel_access}
      %get3A_282 = arith.constant 0 : index
      %get3A_283 = tpu.vector_load %arg11[%get3A_282] {strides = array<i32>} : memref<40xi32, #tpu.memory_space<vmem>>, vector<16xi32>,
      %swap3A_284 = arith.constant 0 : index
      %swap3A_285 = tpu.vector_load %arg13[%swap3A_284] {strides = array<i32>} : memref<40xi32, #tpu.memory_space<vmem>>, vector<16xi32>,
      tpu.vector_store %arg13[%swap3A_284], %get3A_283 {strides = array<i32>} : memref<40xi32, #tpu.memory_space<vmem>>, vector<16xi32>,
      %get3A_286 = arith.constant 16 : index
      %get3A_287 = tpu.vector_load %arg11[%get3A_286] {strides = array<i32>} : memref<40xi32, #tpu.memory_space<vmem>>, vector<16xi32>,
      %swap3A_288 = arith.constant 16 : index
      %swap3A_289 = tpu.vector_load %arg13[%swap3A_288] {strides = array<i32>} : memref<40xi32, #tpu.memory_space<vmem>>, vector<16xi32>,
      tpu.vector_store %arg13[%swap3A_288], %get3A_287 {strides = array<i32>} : memref<40xi32, #tpu.memory_space<vmem>>, vector<16xi32>,
      %get3A_290 = arith.constant 24 : index
      %get3A_291 = tpu.vector_load %arg11[%get3A_290] {strides = array<i32>} : memref<40xi32, #tpu.memory_space<vmem>>, vector<16xi32>,
      %swap3A_292 = arith.constant 24 : index
      %swap3A_293 = tpu.vector_load %arg13[%swap3A_292] {strides = array<i32>} : memref<40xi32, #tpu.memory_space<vmem>>, vector<16xi32>,
      tpu.vector_store %arg13[%swap3A_292], %get3A_291 {strides = array<i32>} : memref<40xi32, #tpu.memory_space<vmem>>, vector<16xi32>,
      %dma_start3A_294 = arith.constant 0 : i32
      %dma_start3A_295 = arith.constant 0 : i32
      %dma_start3A_296 = tpu.memref_slice %arg23[%dma_start3A_294, %dma_start3A_295] : memref<10240x136xf32, #tpu.memory_space<vmem_shared>> -> memref<10240x136xf32, #tpu.memory_space<vmem_shared>>
      tpu.enqueue_indirect_dma source(%arg21 : memref<40x136xf32, #tpu.memory_space<vmem>>) target(%dma_start3A_296 : memref<10240x136xf32, #tpu.memory_space<vmem_shared>>) offsets(%arg13 : memref<40xi32, #tpu.memory_space<vmem>>) semaphore(%arg29 : memref<!tpu.dma_semaphore, #tpu.memory_space<semaphore_mem>>) {add = true}
      %add3A_297 = arith.constant 2 : i32
      %add3A_298 = arith.addi %add3A_260, %add3A_297 : i32
      %lt3A_299 = arith.constant 250 : i32
      %lt3A_300 = arith.cmpi slt, %add3A_298, %lt3A_299 : i32
      %convert_element_type3A_301 = arith.extui %lt3A_300 : i1 to i32
      %cond3A_302 = arith.constant 0 : i32
      %cond3A_303 = arith.cmpi ne, %convert_element_type3A_301, %cond3A_302 : i32
      scf.if %cond3A_303 {
        %add3A_304 = arith.constant 2 : i32
        %add3A_305 = arith.addi %add3A_260, %add3A_304 : i32
        %mul3A_306 = arith.constant 40 : i32
        %mul3A_307 = arith.muli %add3A_305, %mul3A_306 : i32
        %add3A_308 = arith.addi %mul3A_2, %mul3A_307 : i32
        %dma_start3A_309 = tpu.memref_slice %arg5[%add3A_308] : memref<320000xi32, #tpu.memory_space<hbm>> -> memref<40xi32, #tpu.memory_space<hbm>>
        %dma_start3A_310 = tpu.memref_slice %arg5[%add3A_308] : memref<320000xi32, #tpu.memory_space<hbm>> -> memref<40xi32, #tpu.memory_space<hbm>>
        tpu.enqueue_dma source(%dma_start3A_310 : memref<40xi32, #tpu.memory_space<hbm>>) target(%arg9 : memref<40xi32, #tpu.memory_space<vmem>>) target_semaphore(%arg31 : memref<!tpu.dma_semaphore, #tpu.memory_space<semaphore_mem>>)
        %dma_start3A_311 = tpu.memref_slice %arg6[%add3A_308] : memref<320000xi32, #tpu.memory_space<hbm>> -> memref<40xi32, #tpu.memory_space<hbm>>
        %dma_start3A_312 = tpu.memref_slice %arg6[%add3A_308] : memref<320000xi32, #tpu.memory_space<hbm>> -> memref<40xi32, #tpu.memory_space<hbm>>
        tpu.enqueue_dma source(%dma_start3A_312 : memref<40xi32, #tpu.memory_space<hbm>>) target(%arg11 : memref<40xi32, #tpu.memory_space<vmem>>) target_semaphore(%arg31 : memref<!tpu.dma_semaphore, #tpu.memory_space<semaphore_mem>>)
        %mul3A_313 = arith.constant 5000 : i32
        %mul3A_314 = arith.muli %add3A, %mul3A_313 : i32
        %mul3A_315 = arith.constant 20 : i32
        %mul3A_316 = arith.muli %add3A_305, %mul3A_315 : i32
        %add3A_317 = arith.addi %mul3A_314, %mul3A_316 : i32
        %dma_start3A_318 = arith.constant 0 : i32
        %dma_start3A_319 = tpu.memref_slice %arg4[%add3A_317, %dma_start3A_318] : memref<160000x16xf32, #tpu.memory_space<hbm>> -> memref<20x16xf32, #tpu.memory_space<hbm>>
        %dma_start3A_320 = arith.constant 0 : i32
        %dma_start3A_321 = tpu.memref_slice %arg4[%add3A_317, %dma_start3A_320] : memref<160000x16xf32, #tpu.memory_space<hbm>> -> memref<20x16xf32, #tpu.memory_space<hbm>>
        tpu.enqueue_dma source(%dma_start3A_321 : memref<20x16xf32, #tpu.memory_space<hbm>>) target(%arg19 : memref<20x16xf32, #tpu.memory_space<vmem>>) target_semaphore(%arg31 : memref<!tpu.dma_semaphore, #tpu.memory_space<semaphore_mem>>)
      } else {
      }
    }
    %scan3A_203 = arith.constant 125 : i32
    %dma_wait3A_204 = arith.constant 0 : i32
    %dma_wait3A_205 = arith.constant 0 : i32
    %dma_wait3A_206 = tpu.memref_slice %arg23[%dma_wait3A_204, %dma_wait3A_205] : memref<10240x136xf32, #tpu.memory_space<vmem_shared>> -> memref<10240x136xf32, #tpu.memory_space<vmem_shared>>
    tpu.wait_indirect_dma semaphore(%arg28 : memref<!tpu.dma_semaphore, #tpu.memory_space<semaphore_mem>>) src(%arg20 : memref<40x136xf32, #tpu.memory_space<vmem>>) dst(%dma_wait3A_206 : memref<10240x136xf32, #tpu.memory_space<vmem_shared>>)
    %dma_wait3A_207 = arith.constant 0 : i32
    %dma_wait3A_208 = arith.constant 0 : i32
    %dma_wait3A_209 = tpu.memref_slice %arg23[%dma_wait3A_207, %dma_wait3A_208] : memref<10240x136xf32, #tpu.memory_space<vmem_shared>> -> memref<10240x136xf32, #tpu.memory_space<vmem_shared>>
    tpu.wait_indirect_dma semaphore(%arg29 : memref<!tpu.dma_semaphore, #tpu.memory_space<semaphore_mem>>) src(%arg21 : memref<40x136xf32, #tpu.memory_space<vmem>>) dst(%dma_wait3A_209 : memref<10240x136xf32, #tpu.memory_space<vmem_shared>>)
    %barrier3A_210 = arith.constant 0 : index
    tpu.barrier barrier_id(%barrier3A_210)
    %mul3A_211 = arith.constant 640 : i32
    %mul3A_212 = arith.muli %arg1, %mul3A_211 : i32
    %mul3A_213 = arith.constant 640 : i32
    %mul3A_214 = arith.muli %arg1, %mul3A_213 : i32
    "tpu.region"() ({
      %run_scoped3A = tpu.sem_alloc : memref<!tpu.dma_semaphore, #tpu.memory_space<semaphore_mem>>
      %dma_start3A_215 = arith.constant 0 : i32
      %dma_start3A_216 = tpu.memref_slice %arg7[%arg0, %mul3A_214, %dma_start3A_215] : memref<2x10240x136xf32, #tpu.memory_space<hbm>> -> memref<1x640x136xf32, #tpu.memory_space<hbm>>
      %dma_start3A_217 = tpu.memref_squeeze %dma_start3A_216 : memref<1x640x136xf32, #tpu.memory_space<hbm>> -> memref<640x136xf32, #tpu.memory_space<hbm>>
      %dma_start3A_218 = arith.constant 0 : i32
      %dma_start3A_219 = tpu.memref_slice %arg23[%mul3A_212, %dma_start3A_218] : memref<10240x136xf32, #tpu.memory_space<vmem_shared>> -> memref<640x136xf32, #tpu.memory_space<vmem_shared>>
      tpu.enqueue_dma source(%dma_start3A_219 : memref<640x136xf32, #tpu.memory_space<vmem_shared>>) target(%dma_start3A_217 : memref<640x136xf32, #tpu.memory_space<hbm>>) target_semaphore(%run_scoped3A : memref<!tpu.dma_semaphore, #tpu.memory_space<semaphore_mem>>)
      %dma_wait3A_220 = arith.constant 0 : i32
      %dma_wait3A_221 = tpu.memref_slice %arg7[%arg0, %mul3A_214, %dma_wait3A_220] : memref<2x10240x136xf32, #tpu.memory_space<hbm>> -> memref<1x640x136xf32, #tpu.memory_space<hbm>>
      %dma_wait3A_222 = tpu.memref_squeeze %dma_wait3A_221 : memref<1x640x136xf32, #tpu.memory_space<hbm>> -> memref<640x136xf32, #tpu.memory_space<hbm>>
      %dma_wait3A_223 = arith.constant 0 : i32
      %dma_wait3A_224 = tpu.memref_slice %arg23[%mul3A_212, %dma_wait3A_223] : memref<10240x136xf32, #tpu.memory_space<vmem_shared>> -> memref<640x136xf32, #tpu.memory_space<vmem_shared>>
      tpu.wait_dma2 semaphore(%run_scoped3A : memref<!tpu.dma_semaphore, #tpu.memory_space<semaphore_mem>>) src(%dma_wait3A_224 : memref<640x136xf32, #tpu.memory_space<vmem_shared>>) dst(%dma_wait3A_222 : memref<640x136xf32, #tpu.memory_space<hbm>>)
      tpu.yield
    }) : () -> ()
    return
  }
}

module attributes {stable_mosaic.version = 14 : i64} {
  func.func @_eproj_body(%arg0: i32, %arg1: memref<4000x128xf32, #tpu.memory_space<vmem>>, %arg2: memref<128x64xf32, #tpu.memory_space<vmem>>, %arg3: memref<4000x64xf32, #tpu.memory_space<vmem>>) attributes {dimension_semantics = [#tpu.dimension_semantics<arbitrary>], iteration_bounds = array<i64: 10>, scalar_prefetch = 0 : i64, scratch_operands = 0 : i64, tpu.core_type = #tpu.core_type<tc>, window_params = [{transform_indices = @transform_0, window_bounds = array<i64: 4000, 128>}, {pipeline_mode = #tpu.pipeline_mode<synchronous>, transform_indices = @transform_1, window_bounds = array<i64: 128, 64>}, {transform_indices = @transform_2, window_bounds = array<i64: 4000, 64>}]} {
    %get3A = arith.constant 0 : index
    %get3A_0 = arith.constant 0 : index
    %get3A_1 = vector.load %arg1[%get3A, %get3A_0] : memref<4000x128xf32, #tpu.memory_space<vmem>>, vector<4000x128xf32>
    %get3A_2 = arith.constant 0 : index
    %get3A_3 = arith.constant 0 : index
    %get3A_4 = vector.load %arg2[%get3A_2, %get3A_3] : memref<128x64xf32, #tpu.memory_space<vmem>>, vector<128x64xf32>
    %dot_general3A = arith.constant dense<0.000000e+00> : vector<4000x64xf32>
    %dot_general3A_5 = tpu.matmul %get3A_1, %get3A_4, %dot_general3A {dimension_numbers = #tpu.dot_dimension_numbers<[1], [0], [0], [1], [0, 0, 1, 1], [], []>, transpose_lhs_hint = false} : vector<4000x128xf32>, vector<128x64xf32>, vector<4000x64xf32> -> vector<4000x64xf32>
    %swap3A = arith.constant 0 : index
    %swap3A_6 = arith.constant 0 : index
    %swap3A_7 = vector.load %arg3[%swap3A, %swap3A_6] : memref<4000x64xf32, #tpu.memory_space<vmem>>, vector<4000x64xf32>
    tpu.vector_store %arg3[%swap3A, %swap3A_6], %dot_general3A_5 {strides = array<i32>} : memref<4000x64xf32, #tpu.memory_space<vmem>>, vector<4000x64xf32>,
    return
  }
  func.func @transform_0(%arg0: i32) -> (i32, i32) {
    %c0_i32 = arith.constant 0 : i32
    %c0_i32_0 = arith.constant 0 : i32
    return %arg0, %c0_i32 : i32, i32
  }
  func.func @transform_1(%arg0: i32) -> (i32, i32) {
    %c0_i32 = arith.constant 0 : i32
    %c0_i32_0 = arith.constant 0 : i32
    %c0_i32_1 = arith.constant 0 : i32
    return %c0_i32, %c0_i32_0 : i32, i32
  }
  func.func @transform_2(%arg0: i32) -> (i32, i32) {
    %c0_i32 = arith.constant 0 : i32
    %c0_i32_0 = arith.constant 0 : i32
    return %arg0, %c0_i32 : i32, i32
  }
}

module attributes {stable_mosaic.version = 14 : i64} {
  func.func @_qkv_body(%arg0: i32, %arg1: memref<1000x128xf32, #tpu.memory_space<vmem>>, %arg2: memref<128x128xf32, #tpu.memory_space<vmem>>, %arg3: memref<128x128xf32, #tpu.memory_space<vmem>>, %arg4: memref<128x128xf32, #tpu.memory_space<vmem>>, %arg5: memref<1000x128xf32, #tpu.memory_space<vmem>>, %arg6: memref<1000x256xf32, #tpu.memory_space<vmem>>) attributes {dimension_semantics = [#tpu.dimension_semantics<arbitrary>], iteration_bounds = array<i64: 10>, scalar_prefetch = 0 : i64, scratch_operands = 0 : i64, tpu.core_type = #tpu.core_type<tc>, window_params = [{transform_indices = @transform_0, window_bounds = array<i64: 1000, 128>}, {pipeline_mode = #tpu.pipeline_mode<synchronous>, transform_indices = @transform_1, window_bounds = array<i64: 128, 128>}, {pipeline_mode = #tpu.pipeline_mode<synchronous>, transform_indices = @transform_2, window_bounds = array<i64: 128, 128>}, {pipeline_mode = #tpu.pipeline_mode<synchronous>, transform_indices = @transform_3, window_bounds = array<i64: 128, 128>}, {transform_indices = @transform_4, window_bounds = array<i64: 1000, 128>}, {transform_indices = @transform_5, window_bounds = array<i64: 1000, 256>}]} {
    %get3A = arith.constant 0 : index
    %get3A_0 = arith.constant 0 : index
    %get3A_1 = vector.load %arg1[%get3A, %get3A_0] : memref<1000x128xf32, #tpu.memory_space<vmem>>, vector<1000x128xf32>
    %get3A_2 = arith.constant 0 : index
    %get3A_3 = arith.constant 0 : index
    %get3A_4 = vector.load %arg2[%get3A_2, %get3A_3] : memref<128x128xf32, #tpu.memory_space<vmem>>, vector<128x128xf32>
    %dot_general3A = arith.constant dense<0.000000e+00> : vector<1000x128xf32>
    %dot_general3A_5 = tpu.matmul %get3A_1, %get3A_4, %dot_general3A {dimension_numbers = #tpu.dot_dimension_numbers<[1], [0], [0], [1], [0, 0, 1, 1], [], []>, transpose_lhs_hint = false} : vector<1000x128xf32>, vector<128x128xf32>, vector<1000x128xf32> -> vector<1000x128xf32>
    %mul3A = arith.constant 2.500000e-01 : f32
    %mul3A_6 = vector.broadcast %mul3A : f32 to vector<1000x128xf32>
    %mul3A_7 = arith.mulf %dot_general3A_5, %mul3A_6 : vector<1000x128xf32>
    %swap3A = arith.constant 0 : index
    %swap3A_8 = arith.constant 0 : index
    %swap3A_9 = vector.load %arg5[%swap3A, %swap3A_8] : memref<1000x128xf32, #tpu.memory_space<vmem>>, vector<1000x128xf32>
    tpu.vector_store %arg5[%swap3A, %swap3A_8], %mul3A_7 {strides = array<i32>} : memref<1000x128xf32, #tpu.memory_space<vmem>>, vector<1000x128xf32>,
    %get3A_10 = arith.constant 0 : index
    %get3A_11 = arith.constant 0 : index
    %get3A_12 = vector.load %arg3[%get3A_10, %get3A_11] : memref<128x128xf32, #tpu.memory_space<vmem>>, vector<128x128xf32>
    %dot_general3A_13 = arith.constant dense<0.000000e+00> : vector<1000x128xf32>
    %dot_general3A_14 = tpu.matmul %get3A_1, %get3A_12, %dot_general3A_13 {dimension_numbers = #tpu.dot_dimension_numbers<[1], [0], [0], [1], [0, 0, 1, 1], [], []>, transpose_lhs_hint = false} : vector<1000x128xf32>, vector<128x128xf32>, vector<1000x128xf32> -> vector<1000x128xf32>
    %swap3A_15 = arith.constant 0 : index
    %swap3A_16 = arith.constant 0 : index
    %swap3A_17 = vector.load %arg6[%swap3A_15, %swap3A_16] : memref<1000x256xf32, #tpu.memory_space<vmem>>, vector<1000x128xf32>
    tpu.vector_store %arg6[%swap3A_15, %swap3A_16], %dot_general3A_14 {strides = array<i32>} : memref<1000x256xf32, #tpu.memory_space<vmem>>, vector<1000x128xf32>,
    %get3A_18 = arith.constant 0 : index
    %get3A_19 = arith.constant 0 : index
    %get3A_20 = vector.load %arg4[%get3A_18, %get3A_19] : memref<128x128xf32, #tpu.memory_space<vmem>>, vector<128x128xf32>
    %dot_general3A_21 = arith.constant dense<0.000000e+00> : vector<1000x128xf32>
    %dot_general3A_22 = tpu.matmul %get3A_1, %get3A_20, %dot_general3A_21 {dimension_numbers = #tpu.dot_dimension_numbers<[1], [0], [0], [1], [0, 0, 1, 1], [], []>, transpose_lhs_hint = false} : vector<1000x128xf32>, vector<128x128xf32>, vector<1000x128xf32> -> vector<1000x128xf32>
    %swap3A_23 = arith.constant 0 : index
    %swap3A_24 = arith.constant 128 : index
    %swap3A_25 = vector.load %arg6[%swap3A_23, %swap3A_24] : memref<1000x256xf32, #tpu.memory_space<vmem>>, vector<1000x128xf32>
    tpu.vector_store %arg6[%swap3A_23, %swap3A_24], %dot_general3A_22 {strides = array<i32>} : memref<1000x256xf32, #tpu.memory_space<vmem>>, vector<1000x128xf32>,
    return
  }
  func.func @transform_0(%arg0: i32) -> (i32, i32) {
    %c0_i32 = arith.constant 0 : i32
    %c0_i32_0 = arith.constant 0 : i32
    return %arg0, %c0_i32 : i32, i32
  }
  func.func @transform_1(%arg0: i32) -> (i32, i32) {
    %c0_i32 = arith.constant 0 : i32
    %c0_i32_0 = arith.constant 0 : i32
    %c0_i32_1 = arith.constant 0 : i32
    return %c0_i32, %c0_i32_0 : i32, i32
  }
  func.func @transform_2(%arg0: i32) -> (i32, i32) {
    %c0_i32 = arith.constant 0 : i32
    %c0_i32_0 = arith.constant 0 : i32
    %c0_i32_1 = arith.constant 0 : i32
    return %c0_i32, %c0_i32_0 : i32, i32
  }
  func.func @transform_3(%arg0: i32) -> (i32, i32) {
    %c0_i32 = arith.constant 0 : i32
    %c0_i32_0 = arith.constant 0 : i32
    %c0_i32_1 = arith.constant 0 : i32
    return %c0_i32, %c0_i32_0 : i32, i32
  }
  func.func @transform_4(%arg0: i32) -> (i32, i32) {
    %c0_i32 = arith.constant 0 : i32
    %c0_i32_0 = arith.constant 0 : i32
    return %arg0, %c0_i32 : i32, i32
  }
  func.func @transform_5(%arg0: i32) -> (i32, i32) {
    %c0_i32 = arith.constant 0 : i32
    %c0_i32_0 = arith.constant 0 : i32
    return %arg0, %c0_i32 : i32, i32
  }
}

module attributes {stable_mosaic.version = 14 : i64} {
  func.func @_epi_body(%arg0: i32, %arg1: memref<2x1000x136xf32, #tpu.memory_space<vmem>>, %arg2: memref<1000x128xf32, #tpu.memory_space<vmem>>, %arg3: memref<128x128xf32, #tpu.memory_space<vmem>>, %arg4: memref<1x128xf32, #tpu.memory_space<vmem>>, %arg5: memref<128x128xf32, #tpu.memory_space<vmem>>, %arg6: memref<128x128xf32, #tpu.memory_space<vmem>>, %arg7: memref<1x128xf32, #tpu.memory_space<vmem>>, %arg8: memref<1x128xf32, #tpu.memory_space<vmem>>, %arg9: memref<1x128xf32, #tpu.memory_space<vmem>>, %arg10: memref<128x256xf32, #tpu.memory_space<vmem>>, %arg11: memref<1x256xf32, #tpu.memory_space<vmem>>, %arg12: memref<256x128xf32, #tpu.memory_space<vmem>>, %arg13: memref<1x128xf32, #tpu.memory_space<vmem>>, %arg14: memref<1x128xf32, #tpu.memory_space<vmem>>, %arg15: memref<1x128xf32, #tpu.memory_space<vmem>>, %arg16: memref<1000x128xf32, #tpu.memory_space<vmem>>) attributes {dimension_semantics = [#tpu.dimension_semantics<arbitrary>], iteration_bounds = array<i64: 10>, scalar_prefetch = 0 : i64, scratch_operands = 0 : i64, tpu.core_type = #tpu.core_type<tc>, window_params = [{transform_indices = @transform_0, window_bounds = array<i64: 2, 1000, 136>}, {transform_indices = @transform_1, window_bounds = array<i64: 1000, 128>}, {pipeline_mode = #tpu.pipeline_mode<synchronous>, transform_indices = @transform_2, window_bounds = array<i64: 128, 128>}, {pipeline_mode = #tpu.pipeline_mode<synchronous>, transform_indices = @transform_3, window_bounds = array<i64: 1, 128>}, {pipeline_mode = #tpu.pipeline_mode<synchronous>, transform_indices = @transform_4, window_bounds = array<i64: 128, 128>}, {pipeline_mode = #tpu.pipeline_mode<synchronous>, transform_indices = @transform_5, window_bounds = array<i64: 128, 128>}, {pipeline_mode = #tpu.pipeline_mode<synchronous>, transform_indices = @transform_6, window_bounds = array<i64: 1, 128>}, {pipeline_mode = #tpu.pipeline_mode<synchronous>, transform_indices = @transform_7, window_bounds = array<i64: 1, 128>}, {pipeline_mode = #tpu.pipeline_mode<synchronous>, transform_indices = @transform_8, window_bounds = array<i64: 1, 128>}, {pipeline_mode = #tpu.pipeline_mode<synchronous>, transform_indices = @transform_9, window_bounds = array<i64: 128, 256>}, {pipeline_mode = #tpu.pipeline_mode<synchronous>, transform_indices = @transform_10, window_bounds = array<i64: 1, 256>}, {pipeline_mode = #tpu.pipeline_mode<synchronous>, transform_indices = @transform_11, window_bounds = array<i64: 256, 128>}, {pipeline_mode = #tpu.pipeline_mode<synchronous>, transform_indices = @transform_12, window_bounds = array<i64: 1, 128>}, {pipeline_mode = #tpu.pipeline_mode<synchronous>, transform_indices = @transform_13, window_bounds = array<i64: 1, 128>}, {pipeline_mode = #tpu.pipeline_mode<synchronous>, transform_indices = @transform_14, window_bounds = array<i64: 1, 128>}, {transform_indices = @transform_15, window_bounds = array<i64: 1000, 128>}]} {
    %get3A = arith.constant 0 : index
    %get3A_0 = arith.constant 0 : index
    %get3A_1 = arith.constant 0 : index
    %get3A_2 = vector.load %arg1[%get3A, %get3A_0, %get3A_1] : memref<2x1000x136xf32, #tpu.memory_space<vmem>>, vector<1x1000x136xf32>
    %get3A_3 = vector.shape_cast %get3A_2 : vector<1x1000x136xf32> to vector<1000x136xf32>
    %get3A_4 = arith.constant 1 : index
    %get3A_5 = arith.constant 0 : index
    %get3A_6 = arith.constant 0 : index
    %get3A_7 = vector.load %arg1[%get3A_4, %get3A_5, %get3A_6] : memref<2x1000x136xf32, #tpu.memory_space<vmem>>, vector<1x1000x136xf32>
    %get3A_8 = vector.shape_cast %get3A_7 : vector<1x1000x136xf32> to vector<1000x136xf32>
    %add3A = arith.addf %get3A_3, %get3A_8 : vector<1000x136xf32>
    %get3A_9 = arith.constant 0 : index
    %get3A_10 = arith.constant 0 : index
    %get3A_11 = vector.load %arg2[%get3A_9, %get3A_10] : memref<1000x128xf32, #tpu.memory_space<vmem>>, vector<1000x128xf32>
    %slice3A = vector.extract_strided_slice %add3A {offsets = [0, 0], sizes = [1000, 128], strides = [1, 1]} : vector<1000x136xf32> to vector<1000x128xf32>
    %iota3A = tpu.iota {dimensions = array<i32: 1>} : vector<1x136xi32>
    %iota3A_12 = vector.shape_cast %iota3A : vector<1x136xi32> to vector<136xi32>
    %broadcast_in_dim3A = vector.shape_cast %iota3A_12 : vector<136xi32> to vector<136x1xi32>
    %iota3A_13 = tpu.iota {dimensions = array<i32: 1>} : vector<1x128xi32>
    %iota3A_14 = vector.shape_cast %iota3A_13 : vector<1x128xi32> to vector<128xi32>
    %broadcast_in_dim3A_15 = vector.shape_cast %iota3A_14 : vector<128xi32> to vector<1x128xi32>
    %jit3A = arith.constant 16 : i32
    %div3A = vector.broadcast %jit3A : i32 to vector<1x128xi32>
    %div3A_16 = arith.divsi %broadcast_in_dim3A_15, %div3A : vector<1x128xi32>
    %sign3A = arith.constant 0 : i32
    %sign3A_17 = vector.broadcast %sign3A : i32 to vector<1x128xi32>
    %sign3A_18 = arith.cmpi sgt, %broadcast_in_dim3A_15, %sign3A_17 : vector<1x128xi32>
    %sign3A_19 = arith.extui %sign3A_18 : vector<1x128xi1> to vector<1x128xi32>
    %sign3A_20 = arith.constant 0 : i32
    %sign3A_21 = vector.broadcast %sign3A_20 : i32 to vector<1x128xi32>
    %sign3A_22 = arith.cmpi slt, %broadcast_in_dim3A_15, %sign3A_21 : vector<1x128xi32>
    %sign3A_23 = arith.extui %sign3A_22 : vector<1x128xi1> to vector<1x128xi32>
    %sign3A_24 = arith.subi %sign3A_19, %sign3A_23 : vector<1x128xi32>
    %sign3A_25 = arith.constant 0 : i32
    %sign3A_26 = arith.cmpi sgt, %jit3A, %sign3A_25 : i32
    %sign3A_27 = arith.extui %sign3A_26 : i1 to i32
    %sign3A_28 = arith.constant 0 : i32
    %sign3A_29 = arith.cmpi slt, %jit3A, %sign3A_28 : i32
    %sign3A_30 = arith.extui %sign3A_29 : i1 to i32
    %sign3A_31 = arith.subi %sign3A_27, %sign3A_30 : i32
    %ne3A = vector.broadcast %sign3A_31 : i32 to vector<1x128xi32>
    %ne3A_32 = arith.cmpi ne, %sign3A_24, %ne3A : vector<1x128xi32>
    %rem3A = vector.broadcast %jit3A : i32 to vector<1x128xi32>
    %rem3A_33 = arith.remsi %broadcast_in_dim3A_15, %rem3A : vector<1x128xi32>
    %ne3A_34 = arith.constant 0 : i32
    %ne3A_35 = vector.broadcast %ne3A_34 : i32 to vector<1x128xi32>
    %ne3A_36 = arith.cmpi ne, %rem3A_33, %ne3A_35 : vector<1x128xi32>
    %and3A = arith.andi %ne3A_32, %ne3A_36 : vector<1x128xi1>
    %sub3A = arith.constant 1 : i32
    %sub3A_37 = vector.broadcast %sub3A : i32 to vector<1x128xi32>
    %sub3A_38 = arith.subi %div3A_16, %sub3A_37 : vector<1x128xi32>
    %select_n3A = arith.select %and3A, %sub3A_38, %div3A_16 : vector<1x128xi1>, vector<1x128xi32>
    %add3A_39 = arith.constant 128 : i32
    %add3A_40 = vector.broadcast %add3A_39 : i32 to vector<1x128xi32>
    %add3A_41 = arith.addi %add3A_40, %select_n3A : vector<1x128xi32>
    %eq3A = vector.broadcast %broadcast_in_dim3A : vector<136x1xi32> to vector<136x128xi32>
    %eq3A_42 = vector.broadcast %add3A_41 : vector<1x128xi32> to vector<136x128xi32>
    %eq3A_43 = arith.cmpi eq, %eq3A, %eq3A_42 : vector<136x128xi32>
    %convert_element_type3A = arith.extui %eq3A_43 : vector<136x128xi1> to vector<136x128xi32>
    %convert_element_type3A_44 = arith.sitofp %convert_element_type3A : vector<136x128xi32> to vector<136x128xf32>
    %dot_general3A = arith.constant dense<0.000000e+00> : vector<1000x128xf32>
    %dot_general3A_45 = tpu.matmul %add3A, %convert_element_type3A_44, %dot_general3A {dimension_numbers = #tpu.dot_dimension_numbers<[1], [0], [0], [1], [0, 0, 1, 1], [], []>, transpose_lhs_hint = false} : vector<1000x136xf32>, vector<136x128xf32>, vector<1000x128xf32> -> vector<1000x128xf32>
    %add3A_46 = arith.constant 9.99999968E-21 : f32
    %add3A_47 = vector.broadcast %add3A_46 : f32 to vector<1000x128xf32>
    %add3A_48 = arith.addf %dot_general3A_45, %add3A_47 : vector<1000x128xf32>
    %div3A_49 = arith.divf %slice3A, %add3A_48 : vector<1000x128xf32>
    %get3A_50 = arith.constant 0 : index
    %get3A_51 = arith.constant 0 : index
    %get3A_52 = vector.load %arg3[%get3A_50, %get3A_51] : memref<128x128xf32, #tpu.memory_space<vmem>>, vector<128x128xf32>
    %dot_general3A_53 = arith.constant dense<0.000000e+00> : vector<1000x128xf32>
    %dot_general3A_54 = tpu.matmul %div3A_49, %get3A_52, %dot_general3A_53 {dimension_numbers = #tpu.dot_dimension_numbers<[1], [0], [0], [1], [0, 0, 1, 1], [], []>, transpose_lhs_hint = false} : vector<1000x128xf32>, vector<128x128xf32>, vector<1000x128xf32> -> vector<1000x128xf32>
    %get3A_55 = arith.constant 0 : index
    %get3A_56 = arith.constant 0 : index
    %get3A_57 = vector.load %arg4[%get3A_55, %get3A_56] : memref<1x128xf32, #tpu.memory_space<vmem>>, vector<1x128xf32>
    %add3A_58 = vector.broadcast %get3A_57 : vector<1x128xf32> to vector<1000x128xf32>
    %add3A_59 = arith.addf %dot_general3A_54, %add3A_58 : vector<1000x128xf32>
    %get3A_60 = arith.constant 0 : index
    %get3A_61 = arith.constant 0 : index
    %get3A_62 = vector.load %arg5[%get3A_60, %get3A_61] : memref<128x128xf32, #tpu.memory_space<vmem>>, vector<128x128xf32>
    %dot_general3A_63 = arith.constant dense<0.000000e+00> : vector<1000x128xf32>
    %dot_general3A_64 = tpu.matmul %add3A_59, %get3A_62, %dot_general3A_63 {dimension_numbers = #tpu.dot_dimension_numbers<[1], [0], [0], [1], [0, 0, 1, 1], [], []>, transpose_lhs_hint = false} : vector<1000x128xf32>, vector<128x128xf32>, vector<1000x128xf32> -> vector<1000x128xf32>
    %get3A_65 = arith.constant 0 : index
    %get3A_66 = arith.constant 0 : index
    %get3A_67 = vector.load %arg6[%get3A_65, %get3A_66] : memref<128x128xf32, #tpu.memory_space<vmem>>, vector<128x128xf32>
    %dot_general3A_68 = arith.constant dense<0.000000e+00> : vector<1000x128xf32>
    %dot_general3A_69 = tpu.matmul %get3A_11, %get3A_67, %dot_general3A_68 {dimension_numbers = #tpu.dot_dimension_numbers<[1], [0], [0], [1], [0, 0, 1, 1], [], []>, transpose_lhs_hint = false} : vector<1000x128xf32>, vector<128x128xf32>, vector<1000x128xf32> -> vector<1000x128xf32>
    %add3A_70 = arith.addf %dot_general3A_64, %dot_general3A_69 : vector<1000x128xf32>
    %get3A_71 = arith.constant 0 : index
    %get3A_72 = arith.constant 0 : index
    %get3A_73 = vector.load %arg7[%get3A_71, %get3A_72] : memref<1x128xf32, #tpu.memory_space<vmem>>, vector<1x128xf32>
    %add3A_74 = vector.broadcast %get3A_73 : vector<1x128xf32> to vector<1000x128xf32>
    %add3A_75 = arith.addf %add3A_70, %add3A_74 : vector<1000x128xf32>
    %logistic3A = arith.negf %add3A_75 : vector<1000x128xf32>
    %logistic3A_76 = math.exp %logistic3A : vector<1000x128xf32>
    %logistic3A_77 = arith.constant 1.000000e+00 : f32
    %logistic3A_78 = vector.broadcast %logistic3A_77 : f32 to vector<1000x128xf32>
    %logistic3A_79 = arith.addf %logistic3A_78, %logistic3A_76 : vector<1000x128xf32>
    %logistic3A_80 = arith.divf %logistic3A_78, %logistic3A_79 : vector<1000x128xf32>
    %mul3A = arith.mulf %logistic3A_80, %add3A_59 : vector<1000x128xf32>
    %sub3A_81 = arith.constant 1.000000e+00 : f32
    %sub3A_82 = vector.broadcast %sub3A_81 : f32 to vector<1000x128xf32>
    %sub3A_83 = arith.subf %sub3A_82, %logistic3A_80 : vector<1000x128xf32>
    %mul3A_84 = arith.mulf %sub3A_83, %get3A_11 : vector<1000x128xf32>
    %add3A_85 = arith.addf %mul3A, %mul3A_84 : vector<1000x128xf32>
    %reduce_sum3A = arith.constant dense<0.000000e+00> : vector<1000xf32>
    %reduce_sum3A_86 = vector.multi_reduction <add>, %add3A_85, %reduce_sum3A [1] : vector<1000x128xf32> to vector<1000xf32>
    %broadcast_in_dim3A_87 = vector.shape_cast %reduce_sum3A_86 : vector<1000xf32> to vector<1000x1xf32>
    %div3A_88 = arith.constant 1.280000e+02 : f32
    %div3A_89 = vector.broadcast %div3A_88 : f32 to vector<1000x1xf32>
    %div3A_90 = arith.divf %broadcast_in_dim3A_87, %div3A_89 : vector<1000x1xf32>
    %sub3A_91 = vector.broadcast %div3A_90 : vector<1000x1xf32> to vector<1000x128xf32>
    %sub3A_92 = arith.subf %add3A_85, %sub3A_91 : vector<1000x128xf32>
    %integer_pow3A = arith.mulf %sub3A_92, %sub3A_92 : vector<1000x128xf32>
    %reduce_sum3A_93 = arith.constant dense<0.000000e+00> : vector<1000xf32>
    %reduce_sum3A_94 = vector.multi_reduction <add>, %integer_pow3A, %reduce_sum3A_93 [1] : vector<1000x128xf32> to vector<1000xf32>
    %broadcast_in_dim3A_95 = vector.shape_cast %reduce_sum3A_94 : vector<1000xf32> to vector<1000x1xf32>
    %div3A_96 = arith.constant 1.280000e+02 : f32
    %div3A_97 = vector.broadcast %div3A_96 : f32 to vector<1000x1xf32>
    %div3A_98 = arith.divf %broadcast_in_dim3A_95, %div3A_97 : vector<1000x1xf32>
    %sub3A_99 = vector.broadcast %div3A_90 : vector<1000x1xf32> to vector<1000x128xf32>
    %sub3A_100 = arith.subf %add3A_85, %sub3A_99 : vector<1000x128xf32>
    %add3A_101 = arith.constant 9.99999974E-6 : f32
    %add3A_102 = vector.broadcast %add3A_101 : f32 to vector<1000x1xf32>
    %add3A_103 = arith.addf %div3A_98, %add3A_102 : vector<1000x1xf32>
    %rsqrt3A = math.rsqrt %add3A_103 : vector<1000x1xf32>
    %mul3A_104 = vector.broadcast %rsqrt3A : vector<1000x1xf32> to vector<1000x128xf32>
    %mul3A_105 = arith.mulf %sub3A_100, %mul3A_104 : vector<1000x128xf32>
    %get3A_106 = arith.constant 0 : index
    %get3A_107 = arith.constant 0 : index
    %get3A_108 = vector.load %arg8[%get3A_106, %get3A_107] : memref<1x128xf32, #tpu.memory_space<vmem>>, vector<1x128xf32>
    %mul3A_109 = vector.broadcast %get3A_108 : vector<1x128xf32> to vector<1000x128xf32>
    %mul3A_110 = arith.mulf %mul3A_105, %mul3A_109 : vector<1000x128xf32>
    %get3A_111 = arith.constant 0 : index
    %get3A_112 = arith.constant 0 : index
    %get3A_113 = vector.load %arg9[%get3A_111, %get3A_112] : memref<1x128xf32, #tpu.memory_space<vmem>>, vector<1x128xf32>
    %add3A_114 = vector.broadcast %get3A_113 : vector<1x128xf32> to vector<1000x128xf32>
    %add3A_115 = arith.addf %mul3A_110, %add3A_114 : vector<1000x128xf32>
    %get3A_116 = arith.constant 0 : index
    %get3A_117 = arith.constant 0 : index
    %get3A_118 = vector.load %arg10[%get3A_116, %get3A_117] : memref<128x256xf32, #tpu.memory_space<vmem>>, vector<128x256xf32>
    %dot_general3A_119 = arith.constant dense<0.000000e+00> : vector<1000x256xf32>
    %dot_general3A_120 = tpu.matmul %add3A_115, %get3A_118, %dot_general3A_119 {dimension_numbers = #tpu.dot_dimension_numbers<[1], [0], [0], [1], [0, 0, 1, 1], [], []>, transpose_lhs_hint = false} : vector<1000x128xf32>, vector<128x256xf32>, vector<1000x256xf32> -> vector<1000x256xf32>
    %get3A_121 = arith.constant 0 : index
    %get3A_122 = arith.constant 0 : index
    %get3A_123 = vector.load %arg11[%get3A_121, %get3A_122] : memref<1x256xf32, #tpu.memory_space<vmem>>, vector<1x256xf32>
    %add3A_124 = vector.broadcast %get3A_123 : vector<1x256xf32> to vector<1000x256xf32>
    %add3A_125 = arith.addf %dot_general3A_120, %add3A_124 : vector<1000x256xf32>
    %logistic3A_126 = arith.negf %add3A_125 : vector<1000x256xf32>
    %logistic3A_127 = math.exp %logistic3A_126 : vector<1000x256xf32>
    %logistic3A_128 = arith.constant 1.000000e+00 : f32
    %logistic3A_129 = vector.broadcast %logistic3A_128 : f32 to vector<1000x256xf32>
    %logistic3A_130 = arith.addf %logistic3A_129, %logistic3A_127 : vector<1000x256xf32>
    %logistic3A_131 = arith.divf %logistic3A_129, %logistic3A_130 : vector<1000x256xf32>
    %mul3A_132 = arith.mulf %add3A_125, %logistic3A_131 : vector<1000x256xf32>
    %get3A_133 = arith.constant 0 : index
    %get3A_134 = arith.constant 0 : index
    %get3A_135 = vector.load %arg12[%get3A_133, %get3A_134] : memref<256x128xf32, #tpu.memory_space<vmem>>, vector<256x128xf32>
    %dot_general3A_136 = arith.constant dense<0.000000e+00> : vector<1000x128xf32>
    %dot_general3A_137 = tpu.matmul %mul3A_132, %get3A_135, %dot_general3A_136 {dimension_numbers = #tpu.dot_dimension_numbers<[1], [0], [0], [1], [0, 0, 1, 1], [], []>, transpose_lhs_hint = false} : vector<1000x256xf32>, vector<256x128xf32>, vector<1000x128xf32> -> vector<1000x128xf32>
    %get3A_138 = arith.constant 0 : index
    %get3A_139 = arith.constant 0 : index
    %get3A_140 = vector.load %arg13[%get3A_138, %get3A_139] : memref<1x128xf32, #tpu.memory_space<vmem>>, vector<1x128xf32>
    %add3A_141 = vector.broadcast %get3A_140 : vector<1x128xf32> to vector<1000x128xf32>
    %add3A_142 = arith.addf %dot_general3A_137, %add3A_141 : vector<1000x128xf32>
    %add3A_143 = arith.addf %add3A_115, %add3A_142 : vector<1000x128xf32>
    %reduce_sum3A_144 = arith.constant dense<0.000000e+00> : vector<1000xf32>
    %reduce_sum3A_145 = vector.multi_reduction <add>, %add3A_143, %reduce_sum3A_144 [1] : vector<1000x128xf32> to vector<1000xf32>
    %broadcast_in_dim3A_146 = vector.shape_cast %reduce_sum3A_145 : vector<1000xf32> to vector<1000x1xf32>
    %div3A_147 = arith.constant 1.280000e+02 : f32
    %div3A_148 = vector.broadcast %div3A_147 : f32 to vector<1000x1xf32>
    %div3A_149 = arith.divf %broadcast_in_dim3A_146, %div3A_148 : vector<1000x1xf32>
    %sub3A_150 = vector.broadcast %div3A_149 : vector<1000x1xf32> to vector<1000x128xf32>
    %sub3A_151 = arith.subf %add3A_143, %sub3A_150 : vector<1000x128xf32>
    %integer_pow3A_152 = arith.mulf %sub3A_151, %sub3A_151 : vector<1000x128xf32>
    %reduce_sum3A_153 = arith.constant dense<0.000000e+00> : vector<1000xf32>
    %reduce_sum3A_154 = vector.multi_reduction <add>, %integer_pow3A_152, %reduce_sum3A_153 [1] : vector<1000x128xf32> to vector<1000xf32>
    %broadcast_in_dim3A_155 = vector.shape_cast %reduce_sum3A_154 : vector<1000xf32> to vector<1000x1xf32>
    %div3A_156 = arith.constant 1.280000e+02 : f32
    %div3A_157 = vector.broadcast %div3A_156 : f32 to vector<1000x1xf32>
    %div3A_158 = arith.divf %broadcast_in_dim3A_155, %div3A_157 : vector<1000x1xf32>
    %sub3A_159 = vector.broadcast %div3A_149 : vector<1000x1xf32> to vector<1000x128xf32>
    %sub3A_160 = arith.subf %add3A_143, %sub3A_159 : vector<1000x128xf32>
    %add3A_161 = arith.constant 9.99999974E-6 : f32
    %add3A_162 = vector.broadcast %add3A_161 : f32 to vector<1000x1xf32>
    %add3A_163 = arith.addf %div3A_158, %add3A_162 : vector<1000x1xf32>
    %rsqrt3A_164 = math.rsqrt %add3A_163 : vector<1000x1xf32>
    %mul3A_165 = vector.broadcast %rsqrt3A_164 : vector<1000x1xf32> to vector<1000x128xf32>
    %mul3A_166 = arith.mulf %sub3A_160, %mul3A_165 : vector<1000x128xf32>
    %get3A_167 = arith.constant 0 : index
    %get3A_168 = arith.constant 0 : index
    %get3A_169 = vector.load %arg14[%get3A_167, %get3A_168] : memref<1x128xf32, #tpu.memory_space<vmem>>, vector<1x128xf32>
    %mul3A_170 = vector.broadcast %get3A_169 : vector<1x128xf32> to vector<1000x128xf32>
    %mul3A_171 = arith.mulf %mul3A_166, %mul3A_170 : vector<1000x128xf32>
    %get3A_172 = arith.constant 0 : index
    %get3A_173 = arith.constant 0 : index
    %get3A_174 = vector.load %arg15[%get3A_172, %get3A_173] : memref<1x128xf32, #tpu.memory_space<vmem>>, vector<1x128xf32>
    %add3A_175 = vector.broadcast %get3A_174 : vector<1x128xf32> to vector<1000x128xf32>
    %add3A_176 = arith.addf %mul3A_171, %add3A_175 : vector<1000x128xf32>
    %swap3A = arith.constant 0 : index
    %swap3A_177 = arith.constant 0 : index
    %swap3A_178 = vector.load %arg16[%swap3A, %swap3A_177] : memref<1000x128xf32, #tpu.memory_space<vmem>>, vector<1000x128xf32>
    tpu.vector_store %arg16[%swap3A, %swap3A_177], %add3A_176 {strides = array<i32>} : memref<1000x128xf32, #tpu.memory_space<vmem>>, vector<1000x128xf32>,
    return
  }
  func.func @transform_0(%arg0: i32) -> (i32, i32, i32) {
    %c0_i32 = arith.constant 0 : i32
    %c0_i32_0 = arith.constant 0 : i32
    %c0_i32_1 = arith.constant 0 : i32
    return %c0_i32, %arg0, %c0_i32_0 : i32, i32, i32
  }
  func.func @transform_1(%arg0: i32) -> (i32, i32) {
    %c0_i32 = arith.constant 0 : i32
    %c0_i32_0 = arith.constant 0 : i32
    return %arg0, %c0_i32 : i32, i32
  }
  func.func @transform_2(%arg0: i32) -> (i32, i32) {
    %c0_i32 = arith.constant 0 : i32
    %c0_i32_0 = arith.constant 0 : i32
    %c0_i32_1 = arith.constant 0 : i32
    return %c0_i32, %c0_i32_0 : i32, i32
  }
  func.func @transform_3(%arg0: i32) -> (i32, i32) {
    %c0_i32 = arith.constant 0 : i32
    %c0_i32_0 = arith.constant 0 : i32
    %c0_i32_1 = arith.constant 0 : i32
    return %c0_i32, %c0_i32_0 : i32, i32
  }
  func.func @transform_4(%arg0: i32) -> (i32, i32) {
    %c0_i32 = arith.constant 0 : i32
    %c0_i32_0 = arith.constant 0 : i32
    %c0_i32_1 = arith.constant 0 : i32
    return %c0_i32, %c0_i32_0 : i32, i32
  }
  func.func @transform_5(%arg0: i32) -> (i32, i32) {
    %c0_i32 = arith.constant 0 : i32
    %c0_i32_0 = arith.constant 0 : i32
    %c0_i32_1 = arith.constant 0 : i32
    return %c0_i32, %c0_i32_0 : i32, i32
  }
  func.func @transform_6(%arg0: i32) -> (i32, i32) {
    %c0_i32 = arith.constant 0 : i32
    %c0_i32_0 = arith.constant 0 : i32
    %c0_i32_1 = arith.constant 0 : i32
    return %c0_i32, %c0_i32_0 : i32, i32
  }
  func.func @transform_7(%arg0: i32) -> (i32, i32) {
    %c0_i32 = arith.constant 0 : i32
    %c0_i32_0 = arith.constant 0 : i32
    %c0_i32_1 = arith.constant 0 : i32
    return %c0_i32, %c0_i32_0 : i32, i32
  }
  func.func @transform_8(%arg0: i32) -> (i32, i32) {
    %c0_i32 = arith.constant 0 : i32
    %c0_i32_0 = arith.constant 0 : i32
    %c0_i32_1 = arith.constant 0 : i32
    return %c0_i32, %c0_i32_0 : i32, i32
  }
  func.func @transform_9(%arg0: i32) -> (i32, i32) {
    %c0_i32 = arith.constant 0 : i32
    %c0_i32_0 = arith.constant 0 : i32
    %c0_i32_1 = arith.constant 0 : i32
    return %c0_i32, %c0_i32_0 : i32, i32
  }
  func.func @transform_10(%arg0: i32) -> (i32, i32) {
    %c0_i32 = arith.constant 0 : i32
    %c0_i32_0 = arith.constant 0 : i32
    %c0_i32_1 = arith.constant 0 : i32
    return %c0_i32, %c0_i32_0 : i32, i32
  }
  func.func @transform_11(%arg0: i32) -> (i32, i32) {
    %c0_i32 = arith.constant 0 : i32
    %c0_i32_0 = arith.constant 0 : i32
    %c0_i32_1 = arith.constant 0 : i32
    return %c0_i32, %c0_i32_0 : i32, i32
  }
  func.func @transform_12(%arg0: i32) -> (i32, i32) {
    %c0_i32 = arith.constant 0 : i32
    %c0_i32_0 = arith.constant 0 : i32
    %c0_i32_1 = arith.constant 0 : i32
    return %c0_i32, %c0_i32_0 : i32, i32
  }
  func.func @transform_13(%arg0: i32) -> (i32, i32) {
    %c0_i32 = arith.constant 0 : i32
    %c0_i32_0 = arith.constant 0 : i32
    %c0_i32_1 = arith.constant 0 : i32
    return %c0_i32, %c0_i32_0 : i32, i32
  }
  func.func @transform_14(%arg0: i32) -> (i32, i32) {
    %c0_i32 = arith.constant 0 : i32
    %c0_i32_0 = arith.constant 0 : i32
    %c0_i32_1 = arith.constant 0 : i32
    return %c0_i32, %c0_i32_0 : i32, i32
  }
  func.func @transform_15(%arg0: i32) -> (i32, i32) {
    %c0_i32 = arith.constant 0 : i32
    %c0_i32_0 = arith.constant 0 : i32
    return %arg0, %c0_i32 : i32, i32
  }
}

</mosaic_0001>

<sc_bundles>
// kernel: kernel.6.cloned.1.call-start
scs
__scs_entry_jumppad:
0x0: {  	(pc) =	sbr.rel $0x88, $3  }
0x1: {  	(tag) =	ssettag $0x0;
	lr =	simm.s32 $0x1  }
0x2: {  	[smem:$0x3F8E] =	sst lr;
	_ =	strace $0xD0000000  }
0x3: {  	_ = 	snop  }
0x4: {  	_ = 	snop  }
0x5: {  	_ = 	snop  }
0x6: {  	_ = 	snop  }
0x7: {  	_ = 	snop  }
__scs_overlays_trampoline_lowered:
0x8: {  	[smem:$0x3F9D] =	sst s0  }
0x9: {  	[smem:$0x3F9E] =	sst s1  }
0xa: {  	[smem:$0x3F9F] =	sst s2  }
0xb: {  	[smem:$0x3FA0] =	sst s3  }
0xc: {  	[smem:$0x3FA1] =	sst s4  }
0xd: {  	[smem:$0x3FA2] =	sst s5  }
0xe: {  	[smem:$0x3FA3] =	sst s6  }
0xf: {  	[smem:$0x3FA4] =	sst s7  }
0x10: {  	[smem:$0x3FA5] =	sst s8  }
0x11: {  	[smem:$0x3FA6] =	sst s9;
	s0 =	simm.s32 @!p0 $0x0  }
0x12: {  	s1 =	sld [smem:$0x3F8C];
	s0 =	simm.s32 @p0 $0x1  }
0x13: {  	[smem:$0x3FA7] =	sst s0;
	s0 =	simm.s32 @!p1 $0x0  }
0x14: {  	s2 =	sld [smem:$0x3F8B];
	s0 =	simm.s32 @p1 $0x1  }
0x15: {  	[smem:$0x3FA8] =	sst s0;
	s0 =	simm.s32 @!p2 $0x0  }
0x16: {  	s3 =	sld [smem:$0x3FDB];
	s0 =	simm.s32 @p2 $0x1  }
0x17: {  	s4 =	simm.s32 $0x1BF5;
	[smem:$0x3FAA] =	sst s0  }
0x18: {  	s0 =	sld [smem:$0x3F8D];
	_ =	swait.ge [sflag:s4], $0x0  }
0x19: {  	s7 =	sld [smem:$0x3F8E]  }
0x1a: {  	s8 =	sadd.s32 $0xFFFFE003, lr  }
0x1b: {  	s9 =	sadd.s32 $0xFFFFFEF7, lr;
	s5 =	simm.s32 $0xFFFFFFFF;
	p2 =	slt.u32 s8, $0xFFFFF086  }
0x1c: {  	p1 =	slt.u32 s9, $0xF7A;
	s5 =	simm.s32 @!p2 $0x0  }
0x1d: {  	s5 =	simm.s32 @p1 $0x1;
	p0 =	seq.s32 s7, s2  }
0x1e: {  	s7 =	smul.u32 @!p0 $0xF7A, s2;
	p2 =	seq.s32 @!p0 s5, $0x0  }
0x1f: {  	s9 =	smul.u32 $0xF7A, s1;
	s8 =	simm.s32 @!p0 $0x1BF5;
	p2 =	por !p2, p0  }
0x20: {  	[sflag:s8] =	ssyncset.s32 @!p0 $0xFFFFF086;
	s6 =	sadd.s32 @!p0 s3, s7;
	s7 =	simm.s32 @!p0 $0x108  }
0x21: {  	s3 =	sadd.s32 s3, s9;
	s6 =	sadd.s32 @!p0 $0x88, s6;
	s7 =	simm.s32 @p2 $0x1082  }
0x22: {  	[simem:s7], [sflag:s8] =	dma.local @!p0 [hbm:s6], $0xF7A  }
0x23: {  	s9 =	sor.u32 $0xD0000000, s2;
	s6 =	simm.s32 $0x108;
	_ =	swait.ge @!p0 [sflag:s8], $0x0  }
0x24: {  	s3 =	sadd.s32 $0x88, s3;
	s6 =	simm.s32 @!p1 $0x1082;
	[sflag:s4] =	ssyncset.s32 $0xFFFFF086  }
0x25: {  	[simem:s6], [sflag:s4] =	dma.local [hbm:s3], $0xF7A  }
0x26: {  	[smem:$0x3F8E] =	sst s1;
	(tag) =	ssettag s2;
	_ =	strace s9  }
0x27: {  	s1 =	sld [smem:$0x3F9E]  }
0x28: {  	s2 =	sld [smem:$0x3F9F]  }
0x29: {  	s4 =	sld [smem:$0x3FA1]  }
0x2a: {  	p0 =	seq.s32 s5, $0x0;
	s5 =	sld [smem:$0x3FA2]  }
0x2b: {  	s6 =	sld [smem:$0x3FA3]  }
0x2c: {  	s7 =	sld [smem:$0x3FA4]  }
0x2d: {  	s3 =	simm.s32 $0x108;
	s8 =	sld [smem:$0x3FA5]  }
0x2e: {  	s3 =	simm.s32 @!p0 $0x1082;
	s9 =	sld [smem:$0x3FA6]  }
0x2f: {  	lr =	sadd.s32 s0, s3;
	s0 =	sld [smem:$0x3F9D]  }
0x30: {  	s3 =	sld [smem:$0x3FA0]  }
0x31: {  	[smem:$0x3FA9] =	sst s10  }
0x32: {  	s10 =	sld [smem:$0x3FA7];
	_ =	sdelay $0x3  }
0x33: {  	p0 =	seq.s32 s10, $0x1;
	s10 =	sld [smem:$0x3FA9];
	_ =	sdelay $0x3  }
0x34: {  	[smem:$0x3FA9] =	sst s10  }
0x35: {  	s10 =	sld [smem:$0x3FA8];
	_ =	sdelay $0x3  }
0x36: {  	p1 =	seq.s32 s10, $0x1;
	s10 =	sld [smem:$0x3FA9];
	_ =	sdelay $0x3  }
0x37: {  	[smem:$0x3FA9] =	sst s10  }
0x38: {  	s10 =	sld [smem:$0x3FAA]  }
0x39: {  	_ = 	snop;
	(pc) =	sbr.ind lr, $3  }
0x3a: {  	_ = 	snop  }
0x3b: {  	_ = 	snop  }
0x3c: {  	p2 =	seq.s32 s10, $0x1;
	s10 =	sld [smem:$0x3FA9]  }
0x3d: {  	_ =	shalt  }
0x3e: {  	_ =	shalt  }
0x3f: {  	_ =	shalt  }
0x40: {  	_ =	shalt  }
0x41: {  	_ =	shalt  }
0x42: {  	_ =	shalt  }
0x43: {  	_ =	shalt  }
0x44: {  	_ =	shalt  }
0x45: {  	_ =	shalt  }
0x46: {  	_ =	shalt  }
0x47: {  	_ =	shalt  }
0x48: {  	_ =	shalt  }
0x49: {  	_ =	shalt  }
0x4a: {  	_ =	shalt  }
0x4b: {  	_ =	shalt  }
0x4c: {  	_ =	shalt  }
0x4d: {  	_ =	shalt  }
0x4e: {  	_ =	shalt  }
0x4f: {  	_ =	shalt  }
0x50: {  	_ =	shalt  }
0x51: {  	_ =	shalt  }
0x52: {  	_ =	shalt  }
0x53: {  	_ =	shalt  }
0x54: {  	_ =	shalt  }
0x55: {  	_ =	shalt  }
0x56: {  	_ =	shalt  }
0x57: {  	_ =	shalt  }
0x58: {  	_ =	shalt  }
0x59: {  	_ =	shalt  }
0x5a: {  	_ =	shalt  }
0x5b: {  	_ =	shalt  }
0x5c: {  	_ =	shalt  }
0x5d: {  	_ =	shalt  }
0x5e: {  	_ =	shalt  }
0x5f: {  	_ =	shalt  }
0x60: {  	_ =	shalt  }
0x61: {  	_ =	shalt  }
0x62: {  	_ =	shalt  }
0x63: {  	_ =	shalt  }
0x64: {  	_ =	shalt  }
0x65: {  	_ =	shalt  }
0x66: {  	_ =	shalt  }
0x67: {  	_ =	shalt  }
0x68: {  	_ =	shalt  }
0x69: {  	_ =	shalt  }
0x6a: {  	_ =	shalt  }
0x6b: {  	_ =	shalt  }
0x6c: {  	_ =	shalt  }
0x6d: {  	_ =	shalt  }
0x6e: {  	_ =	shalt  }
0x6f: {  	_ =	shalt  }
0x70: {  	_ =	shalt  }
0x71: {  	_ =	shalt  }
0x72: {  	_ =	shalt  }
0x73: {  	_ =	shalt  }
0x74: {  	_ =	shalt  }
0x75: {  	_ =	shalt  }
0x76: {  	_ =	shalt  }
0x77: {  	_ =	shalt  }
0x78: {  	_ =	shalt  }
0x79: {  	_ =	shalt  }
0x7a: {  	_ =	shalt  }
0x7b: {  	_ =	shalt  }
0x7c: {  	_ =	shalt  }
0x7d: {  	_ =	shalt  }
0x7e: {  	_ =	shalt  }
0x7f: {  	_ =	shalt  }
0x80: {  	_ =	shalt  }
0x81: {  	_ =	shalt  }
0x82: {  	_ =	shalt  }
0x83: {  	_ =	shalt  }
0x84: {  	_ =	shalt  }
0x85: {  	_ =	shalt  }
0x86: {  	_ =	shalt  }
0x87: {  	_ =	shalt  }
.Lfunc_end0:
.L_simem_size_0:
called_computation_lowered:
.L_overlay_start_0:
0x88: {  	s2 =	sld [smem:$0x3FD9]  }
0x89: {  	s3 =	sld [smem:$0x3FFE];
	_ =	sdelay $0x1  }
0x8a: {  	s1 =	srdreg.scid  }
0x8b: {  	s0 =	sand.u32 $0x1, s1  }
0x8c: {  	s17 =	sshll.u32 s0, $0xA;
	s2 =	sadd.s32 s3, s2  }
0x8d: {  	s2 =	sadd.s32 s2, s17  }
0x8e: {  	[smem:$0x3FB5] =	sst s2  }
0x8f: {  	_ = 	snop  }
0x90: {  	s2 =	sld [smem:$0x3FD0];
	(tm) =	ssettm $0x1  }
0x91: {  	s18 =	sld [smem:$0x3FFB];
	_ =	sdelay $0x3  }
0x92: {  	_ =	strace s18  }
0x93: {  	s3 =	sld [smem:$0x3FFC];
	_ =	sdelay $0x3  }
0x94: {  	_ =	strace s3  }
0x95: {  	s3 =	sld [smem:$0x3FFD];
	_ =	sdelay $0x3  }
0x96: {  	_ =	strace s3  }
0x97: {  	_ =	strace $0x8FFFFFFF  }
0x98: {  	s19 =	sld [smem:$0x3FDB];
	_ =	sdelay $0x1  }
0x99: {  	s4 =	simm.s32 $_scs_section_size  }
0x9a: {  	s5 =	simm.s32 $_size__tile_overlayer_lowered;
	s6 =	simm.s32 $_tile_overlayer_lowered  }
0x9b: {  	s22 =	simm.s32 $0x1BFF;
	s21 =	sshll.u32 s6, $0x1;
	s3 =	sadd.s32 s4, s19  }
0x9c: {  	s7 =	simm.s32 $0x0;
	s20 =	sshll.u32 s5, $0x1;
	s5 =	sadd.s32 s21, s3  }
0x9d: {  	[timem:s7], [sflag:s22] =	dma.local [hbm:s5], s20  }
0x9e: {  	_ =	swait.ge [sflag:s22], s20  }
0x9f: {  	s4 =	ssub.s32 $0x0, s20;
	[sflag:s22] =	ssyncset.done $0x0  }
0xa0: {  	[sflag:s22] =	ssyncadd.s32 s4;
	_ =	sdelay $0x1  }
0xa1: {  	s23 =	simm.s32 $0x1B8B  }
0xa2: {  	_ =	swait.ge [sflag:s23], $0x1  }
0xa3: {  	[sflag:s23] =	ssyncset.done $0x0  }
0xa4: {  	s25 =	simm.s32 $0x1B8E;
	s24 =	sld [smem:$0x3FFE];
	[sflag:s23] =	ssyncadd.s32 $0xFFFFFFFF  }
0xa5: {  	s26 =	simm.s32 $execute0_lowered;
	[smem:$0x3FD2] =	sst s25  }
0xa6: {  	s5 =	sshll.u32 s26, $0x1;
	_ =	strace $0x80000046;
	[dreg:$0x1] =	wrdreg $0xFFFFFFFF  }
0xa7: {  	s28 =	simm.s32 $_size_execute0_lowered;
	s3 =	sadd.s32 s3, s5;
	[dreg:$0x0] =	wrdreg $0x0  }
0xa8: {  	s5 =	sshll.u32 s28, $0x1;
	[dreg:$0x2] =	wrdreg s3  }
0xa9: {  	[dreg:$0x3] =	wrdreg s5  }
0xaa: {  	[dreg:$0x4] =	wrdreg $0xC0  }
0xab: {  	_ =	task [dreg:s7], $0x5FFFF  }
0xac: {  	[dreg:$0x1] =	wrdreg $0xFFFFFFFF  }
0xad: {  	[dreg:$0x0] =	wrdreg $0x60  }
0xae: {  	[dreg:$0x2] =	wrdreg s2  }
0xaf: {  	[dreg:$0x3] =	wrdreg s24  }
0xb0: {  	[dreg:$0x4] =	wrdreg $0xA8100  }
0xb1: {  	[dreg:$0x5] =	wrdreg $0x9  }
0xb2: {  	_ =	task.clear_ibuf [dreg:s7], $0x6FFFF;
	_ =	strace $0x90000046  }
0xb3: {  	s29 =	simm.s32 $0x9;
	_ =	strace $0x80000048  }
0xb4: {  	_ =	swait.ge [sflag:s29], $0x1  }
0xb5: {  	[sflag:s29] =	ssyncadd.s32 $0xFFFFFFFF  }
0xb6: {  	_ =	strace $0x90000048  }
0xb7: {  	_ =	sfence  }
0xb8: {  	s30 =	sld [smem:$0x0];
	_ =	sdelay $0x2  }
0xb9: {  	s31 =	sshll.u32 s1, $0xD;
	s1 =	sshrl.u32 s1, $0x2  }
0xba: {  	s3 =	sand.u32 $0x4000, s31;
	s1 =	sadd.s32 s1, s30  }
0xbb: {  	s0 =	sor.u32 s3, s0;
	s1 =	sshll.u32 s1, $0x11  }
0xbc: {  	s0 =	sor.u32 s1, s0  }
0xbd: {  	s0 =	sadd.s32 $0x8F2B, s0  }
0xbe: {  	[sflag:s0] =	ssyncadd.remote.s32 $0x1  }
0xbf: {  	_ =	sfence.sel $0xFFFF  }
0xc0: {  	[dreg:$0x0] =	wrdreg $0xFFFFFFFF;
	(pc) =	sbr.abs _section_cstart, $3  }
0xc1: {  	[dreg:$0x1] =	wrdreg $0xFFFFFFFF  }
0xc2: {  	_ =	task.clear_ibuf [dreg:s7], $0x2FFFF;
	_ =	strace $0x9FFFFFFF  }
0xc3: {  	(tm) =	ssettm $0x7FFFFFFF  }
tec
execute0_lowered:
.L_overlay_start_1:
0x0: {  	(tag) =	ssettag $0x1  }
0x1: {  	s0 =	rddreg [dreg:$0x1]  }
0x2: {  	s7 =	rddreg [dreg:$0x2];
	s4 =	simm.s32 $0x0;
	s1 =	srdreg.scid  }
0x3: {  	s8 =	stileid.u32;
	s14 =	simm.s32 $0x7B70;
	s16 =	simm.s32 $0x2  }
0x4: {  	s17 =	simm.s32 $0x4;
	[smem:$0x7FF] =	sst s4;
	s1 =	sand.u32 $0x1, s1  }
0x5: {  	s3 =	smul.u32 $0x15400, s8;
	s5 =	sadd.s32 $0x50C00, s0;
	s9 =	sadd.s32 $0x2A00, s0  }
0x6: {  	s19 =	sshll.u32 s8, $0x1;
	s10 =	sadd.s32 $0xA8C00, s0;
	s12 =	sadd.s32 $0x9EE00, s0  }
0x7: {  	s26 =	smul.u32 $0x55000, s8;
	_ =	strace $0x80000047;
	[dreg:$0x4] =	wrdreg s5  }
0x8: {  	s2 =	smul.u32 $0x154000, s1;
	s5 =	sor.u32 s1, s19;
	[dreg:$0x5] =	wrdreg s9  }
0x9: {  	s1 =	ssub.s32 $0x2, s1;
	[dreg:$0x6] =	wrdreg s10;
	s11 =	smul.u32 $0x2710, s5  }
0xa: {  	[dreg:$0x8] =	wrdreg s12;
	s20 =	sshrl.u32 s1, $0x1;
	s6 =	smul.u32 $0x13880, s5  }
0xb: {  	v1 =	vimm.s32 $0x83828180;
	s22 =	smul.u32 $0x1388, s5;
	s30 =	sadd.s32 s3, s7;
	s31 =	sshrl.u32 s26, $0x2  }
0xc: {  	v2 =	vimm.s32 $0x87868584;
	v1 =	vunpack.c.0.s8.s32 v1;
	s26 =	simm.s32 $0x28;
	s2 =	sadd.s32 s3, s2;
	s1 =	ssub.s32 s1, s20  }
0xd: {  	vm0 =	vmmov $0x1;
	vm1 =	vmmov $0x3;
	v2 =	vunpack.c.0.s8.s32 v2;
	s19 =	sadd.s32 s31, s7;
	s20 =	simm.s32 $0xA5F0;
	s3 =	simm.s32 $0x78  }
0xe: {  	vm2 =	vmmov $0x7;
	vm6 =	vcmask $0xF00;
	v1 =	vand.u32 $0xFF, v1;
	s2 =	sshrl.u32 s2, $0x3;
	s21 =	sshrl.u32 s11, $0x3;
	[dreg:$0xb] =	wrdreg s22  }
0xf: {  	vm7 =	vcmask $0x1F10;
	v2 =	vand.u32 $0xFF, v2;
	v1 =	vnsel vm6, $0x10F, v1;
	s23 =	sadd.s32 s9, s11;
	[dreg:$0x7] =	wrdreg s11;
	s24 =	sadd.s32 $0x28, s11  }
0x10: {  	vm3 =	vmmov $0xf;
	vm8 =	vcmask $0x2320;
	s25 =	sshrl.u32 s6, $0x3;
	s1 =	smax.u32 s1, $0x1;
	v1 =	vsel vm7, v2, v1;
	[dreg:$0xc] =	wrdreg s23  }
0x11: {  	vm4 =	vmmov $0x1f;
	vm9 =	vcmask $0x2724;
	s0 =	sadd.s32 s2, s0;
	s13 =	sadd.s32 s10, s21;
	[dreg:$0x11] =	wrdreg s1;
	v1 =	vsel vm8, $0x108, v1  }
0x12: {  	vm5 =	vmmov $0x3f;
	vm10 =	vcmask $0x2B28;
	s2 =	sadd.s32 s12, s21;
	s5 =	sadd.s32 s9, s25;
	[dreg:$0x9] =	wrdreg s13;
	v1 =	vsel vm9, $0x109, v1  }
0x13: {  	vm11 =	vcmask $0x2F2C;
	vm12 =	vcmask $0x3330;
	[dreg:$0xa] =	wrdreg s2;
	s2 =	sshrl.u32 s24, $0x3;
	s29 =	sadd.s32 $0x28, s5;
	v1 =	vsel vm10, $0x10A, v1  }
.Ltmp0:
0x14: {  	vm13 =	vcmask $0x3734;
	vm15 =	vcmask $0x3B38;
	s0 =	sadd.s32 $0xB2A00, s0;
	[dreg:$0xf] =	wrdreg s29;
	v1 =	vsel vm11, $0x10B, v1;
	(pc) =	sbr.rel .LBB2_1-.Ltmp0, $4  }
0x15: {  	vm14 =	vmmov $0x7fff;
	vm6 =	vmmov $0x7f;
	s21 =	simm.s32 $0x9;
	s28 =	sadd.s32 s10, s2;
	[dreg:$0x10] =	wrdreg s0;
	v1 =	vsel vm12, $0x10C, v1  }
0x16: {  	vm7 =	vmmov $0xff;
	vm8 =	vmmov $0x1ff;
	s25 =	simm.s32 $0x90B0;
	s2 =	sadd.s32 s12, s2;
	[dreg:$0xd] =	wrdreg s28;
	v1 =	vsel vm13, $0x10D, v1  }
0x17: {  	s1 =	simm.s32 $0x0;
	vm9 =	vmmov $0x3ff;
	s0 =	sshrl.u32 s30, $0x3;
	vm10 =	vmmov $0x7ff;
	[dreg:$0xe] =	wrdreg s2;
	v10 =	vsel vm15, $0x10E, v1  }
0x18: {  	s24 =	simm.s32 $0x7;
	s10 =	simm.s32 $0x8;
	[dreg:$0x12] =	wrdreg s0;
	vm11 =	vmmov $0xfff;
	vm12 =	vmmov $0x1fff;
	vm13 =	vmmov $0x3fff;
	[tilespmem:$0x1FFF0] =	vst v10  }
.LBB2_14:
0x19: {  	s0 =	simm.s32 $0x5  }
0x1a: {  	_ =	swait.ge [sflag:s0], $0x1540  }
0x1b: {  	[sflag:s0] =	ssyncset.done $0x0  }
0x1c: {  	s28 =	simm.s32 $0x6;
	[sflag:s0] =	ssyncadd.s32 $0xFFFFEAC0  }
0x1d: {  	_ =	swait.ge [sflag:s28], $0x1540  }
0x1e: {  	[sflag:s28] =	ssyncset.done $0x0  }
0x1f: {  	[sflag:s28] =	ssyncadd.s32 $0xFFFFEAC0  }
0x20: {  	s29 =	stileid.u32;
	[bflag:$0x0] =	sbarrier.arrive $0xFFFF  }
0x21: {  	s0 =	sshll.u32 s29, $0x6;
	s1 =	rddreg [dreg:$0x10]  }
0x22: {  	s0 =	sor.u32 $0x1C09, s0;
	s2 =	rddreg [dreg:$0x12]  }
0x23: {  	[hbm:s1], [sflag:s0] =	dma.local [spmem:s2], $0x2A80  }
0x24: {  	_ =	swait.ge [sflag:s21], $0x2A80  }
0x25: {  	s30 =	rddreg [dreg:$0x13]  }
0x26: {  	s31 =	rddreg [dreg:$0x11];
	s1 =	sadd.s32 $0x1, s30  }
0x27: {  	p0 =	sne.s32 s1, s31  }
.Ltmp1:
0x28: {  	_ = 	snop;
	(pc) =	sbr.rel @!p0 .LBB2_15-.Ltmp1, $3  }
0x29: {  	_ =	sdelay $0x1  }
0x2a: {  	[sflag:s21] =	ssyncset.done $0x0  }
0x2b: {  	s3 =	simm.s32 $0x78;
	[sflag:s21] =	ssyncadd.s32 $0xFFFFD580  }
.LBB2_1:
0x2c: {  	v0 =	vimm.f32 $0.0e+00  }
0x2d: {  	[tilespmem:$0xA5F0] =	vst v0  }
0x2e: {  	[tilespmem:$0xA600] =	vst v0  }
0x2f: {  	[tilespmem:$0xA610] =	vst v0  }
0x30: {  	[tilespmem:$0xA620] =	vst v0  }
0x31: {  	[tilespmem:$0xA630] =	vst v0  }
0x32: {  	[tilespmem:$0xA640] =	vst v0  }
0x33: {  	[tilespmem:$0xA650] =	vst v0  }
0x34: {  	[tilespmem:$0xA660] =	vst v0  }
0x35: {  	[tilespmem:$0xA678] =	vst v0  }
0x36: {  	[tilespmem:$0xA688] =	vst v0  }
0x37: {  	[tilespmem:$0xA698] =	vst v0  }
0x38: {  	[tilespmem:$0xA6A8] =	vst v0  }
0x39: {  	[tilespmem:$0xA6B8] =	vst v0  }
0x3a: {  	[tilespmem:$0xA6C8] =	vst v0  }
0x3b: {  	[tilespmem:$0xA6D8] =	vst v0  }
0x3c: {  	[tilespmem:$0xA6E8] =	vst v0  }
0x3d: {  	[tilespmem:$0xA700] =	vst v0  }
0x3e: {  	[tilespmem:$0xA710] =	vst v0  }
0x3f: {  	[tilespmem:$0xA720] =	vst v0  }
0x40: {  	[tilespmem:$0xA730] =	vst v0  }
0x41: {  	[tilespmem:$0xA740] =	vst v0  }
0x42: {  	[tilespmem:$0xA750] =	vst v0  }
0x43: {  	[tilespmem:$0xA760] =	vst v0  }
0x44: {  	[tilespmem:$0xA770] =	vst v0  }
0x45: {  	[tilespmem:$0xA788] =	vst v0  }
0x46: {  	[tilespmem:$0xA798] =	vst v0  }
0x47: {  	[tilespmem:$0xA7A8] =	vst v0  }
0x48: {  	[tilespmem:$0xA7B8] =	vst v0  }
0x49: {  	[tilespmem:$0xA7C8] =	vst v0  }
0x4a: {  	[tilespmem:$0xA7D8] =	vst v0  }
0x4b: {  	[tilespmem:$0xA7E8] =	vst v0  }
0x4c: {  	[tilespmem:$0xA7F8] =	vst v0  }
0x4d: {  	[tilespmem:$0xA668] =	vst v0  }
0x4e: {  	[tilespmem:$0xA6F0] =	vst v0  }
0x4f: {  	[tilespmem:$0xA778] =	vst v0  }
0x50: {  	[dreg:$0x13] =	wrdreg s1;
	s0 =	sadd.s32 $0x0, s19;
	[tilespmem:$0xA800] =	vst v0  }
0x51: {  	[spmem:s0] =	stream.linear.scatter [tilespmem:s20], [sflag:$0x9], $0x220, $0x38;
	[tilespmem:$0x1FC10] =	vst v63  }
0x52: {  	s0 =	simm.s32 $0x880;
	_ =	swait.ge [sflag:s21], $0x220  }
.LBB2_2:
0x53: {  	s1 =	sshra.s32 s0, $0x2;
	[sflag:s21] =	ssyncset.done $0x0;
	p0 =	sne.s32 s0, $0x54780  }
.Ltmp2:
0x54: {  	s1 =	sadd.s32 s1, s19;
	[sflag:s21] =	ssyncadd.s32 $0xFFFFFDE0;
	(pc) =	sbr.rel @p0 .LBB2_2-.Ltmp2, $3  }
0x55: {  	[spmem:s1] =	stream.linear.scatter [tilespmem:s20], [sflag:$0x9], $0x220, $0x38;
	[tilespmem:$0x1FC10] =	vst v63  }
0x56: {  	s0 =	sadd.s32 $0x880, s0;
	_ =	sdelay $0x1  }
0x57: {  	_ =	swait.ge [sflag:s21], $0x220  }
0x58: {  	[sflag:s21] =	ssyncset.done $0x0  }
0x59: {  	[sflag:s21] =	ssyncadd.s32 $0xFFFFFDE0  }
0x5a: {  	[bflag:$0x0] =	sbarrier.arrive $0xFFFF  }
0x5b: {  	s28 =	simm.s32 $0x0;
	s0 =	rddreg [dreg:$0x9]  }
0x5c: {  	[tilespmem:s28], [sflag:$0x7] =	stream.linear.gather [hbm4b:s0+s28], $0x28, $0x38;
	[tilespmem:$0x1FC10] =	vst v63  }
0x5d: {  	s1 =	simm.s32 $0x50;
	s11 =	rddreg [dreg:$0xa]  }
0x5e: {  	[tilespmem:s1], [sflag:$0x7] =	stream.linear.gather [hbm4b:s11+s28], $0x28, $0x38;
	[tilespmem:$0x1FC10] =	vst v63  }
0x5f: {  	s2 =	simm.s32 $0x78F0;
	s12 =	rddreg [dreg:$0xc]  }
0x60: {  	[tilespmem:s2], [sflag:$0x7] =	stream.linear.gather [hbm4b:s12+s28], $0x140, $0x38;
	[tilespmem:$0x1FC10] =	vst v63  }
0x61: {  	_ =	swait.ge [sflag:s24], $0x28  }
0x62: {  	[sflag:s24] =	ssyncset.done $0x0  }
0x63: {  	[sflag:s24] =	ssyncadd.s32 $0xFFFFFFD8  }
0x64: {  	_ =	swait.ge [sflag:s24], $0x28  }
0x65: {  	[sflag:s24] =	ssyncset.done $0x0  }
0x66: {  	[sflag:s24] =	ssyncadd.s32 $0xFFFFFFD8  }
0x67: {  	_ =	swait.ge [sflag:s24], $0x140  }
0x68: {  	[sflag:s24] =	ssyncset.done $0x0  }
0x69: {  	[sflag:s24] =	ssyncadd.s32 $0xFFFFFEC0  }
0x6a: {  	s15 =	simm.s32 $0xF0;
	s13 =	rddreg [dreg:$0x0]  }
0x6b: {  	[tilespmem:s15], [sflag:$0x1] =	stream.indirect.gather [hbm4b:s13+s26], $0x80, s1, s26, $0xb8;
	[tilespmem:$0x1FC10] =	vst v63  }
0x6c: {  	s22 =	simm.s32 $0x28F0;
	s18 =	rddreg [dreg:$0x4]  }
0x6d: {  	[tilespmem:s22], [sflag:$0x3] =	stream.indirect.gather [hbm4b:s18+s26], $0x100, s28, s26, $0xb8;
	[tilespmem:$0x1FC10] =	vst v63  }
0x6e: {  	s23 =	rddreg [dreg:$0xd]  }
0x6f: {  	[tilespmem:s26], [sflag:$0x8] =	stream.linear.gather [hbm4b:s23+s28], $0x28, $0x38;
	[tilespmem:$0x1FC10] =	vst v63  }
0x70: {  	s29 =	rddreg [dreg:$0xe]  }
0x71: {  	[tilespmem:s3], [sflag:$0x8] =	stream.linear.gather [hbm4b:s29+s28], $0x28, $0x38;
	[tilespmem:$0x1FC10] =	vst v63  }
0x72: {  	s31 =	simm.s32 $0x7A30;
	s30 =	rddreg [dreg:$0xf]  }
0x73: {  	[tilespmem:s31], [sflag:$0x8] =	stream.linear.gather [hbm4b:s30+s28], $0x140, $0x38;
	[tilespmem:$0x1FC10] =	vst v63  }
.LBB2_4:
0x74: {  	s0 =	simm.s32 $0x1  }
0x75: {  	_ =	swait.ge [sflag:s0], $0x1400  }
0x76: {  	[sflag:s0] =	ssyncset.done $0x0  }
0x77: {  	s18 =	simm.s32 $0x3;
	[sflag:s0] =	ssyncadd.s32 $0xFFFFEC00  }
0x78: {  	_ =	swait.ge [sflag:s18], $0x2800  }
0x79: {  	[sflag:s18] =	ssyncset.done $0x0  }
0x7a: {  	[sflag:s18] =	ssyncadd.s32 $0xFFFFD800  }
0x7b: {  	_ =	swait.ge [sflag:s10], $0x28  }
0x7c: {  	[sflag:s10] =	ssyncset.done $0x0  }
0x7d: {  	[sflag:s10] =	ssyncadd.s32 $0xFFFFFFD8  }
0x7e: {  	_ =	swait.ge [sflag:s10], $0x28  }
0x7f: {  	[sflag:s10] =	ssyncset.done $0x0  }
0x80: {  	[sflag:s10] =	ssyncadd.s32 $0xFFFFFFD8  }
0x81: {  	_ =	swait.ge [sflag:s10], $0x140  }
0x82: {  	[sflag:s10] =	ssyncset.done $0x0  }
0x83: {  	[sflag:s10] =	ssyncadd.s32 $0xFFFFFEC0  }
0x84: {  	s1 =	simm.s32 $0x14F0;
	p0 =	seq.s32 s28, $0x0;
	s22 =	rddreg [dreg:$0x0]  }
0x85: {  	[tilespmem:s1], [sflag:$0x2] =	stream.indirect.gather [hbm4b:s22+s26], $0x80, s3, s26, $0xb8;
	[tilespmem:$0x1FC10] =	vst v63  }
0x86: {  	s30 =	simm.s32 $0x50F0;
	s0 =	simm.s32 @!p0 $0x5;
	s23 =	rddreg [dreg:$0x4]  }
0x87: {  	[tilespmem:s30], [sflag:$0x4] =	stream.indirect.gather [hbm4b:s23+s26], $0x100, s26, s26, $0xb8;
	[tilespmem:$0x1FC10] =	vst v63  }
0x88: {  	_ =	swait.ge @!p0 [sflag:s0], $0x1540  }
0x89: {  	[sflag:s0] =	ssyncset.done @!p0 $0x0  }
0x8a: {  	s29 =	sshll.u32 s28, $0x1;
	s31 =	simm.s32 $0x0;
	[sflag:s0] =	ssyncadd.s32 @!p0 $0xFFFFEAC0  }
.LBB2_5:
0x8b: {  	s0 =	sshll.u32 s31, $0x8  }
0x8c: {  	s1 =	sshll.u32 s31, $0x9;
	s0 =	sand.u32 $0x3FFFFF00, s0  }
0x8d: {  	s22 =	sand.u32 $0x3FFFFE00, s1;
	v3 =	vld [tilespmem:s0+$0xF0]  }
0x8e: {  	v4 =	vld [tilespmem:s22+$0x28F0]  }
0x8f: {  	v5 =	vld [tilespmem:s0+$0x100]  }
0x90: {  	v7 =	vld [tilespmem:s22+$0x2900]  }
0x91: {  	v8 =	vld [tilespmem:s0+$0x110]  }
0x92: {  	v10 =	vld [tilespmem:s22+$0x2910]  }
0x93: {  	v12 =	vld [tilespmem:s0+$0x120]  }
0x94: {  	v14 =	vld [tilespmem:s22+$0x2920]  }
0x95: {  	v17 =	vld [tilespmem:s0+$0x130]  }
0x96: {  	v18 =	vld [tilespmem:s22+$0x2930]  }
0x97: {  	v20 =	vld [tilespmem:s0+$0x140]  }
0x98: {  	v22 =	vld [tilespmem:s22+$0x2940]  }
0x99: {  	v25 =	vld [tilespmem:s0+$0x150]  }
0x9a: {  	s15 =	sshllo.u32 s31, $0x1;
	v26 =	vld [tilespmem:s22+$0x2950]  }
0x9b: {  	s12 =	sshll.u32 s15, $0x7;
	v27 =	vld [tilespmem:s0+$0x160]  }
0x9c: {  	s13 =	sshll.u32 s15, $0x8;
	v28 =	vld [tilespmem:s22+$0x2960];
	s0 =	sand.u32 $0x3FFFFF80, s12  }
0x9d: {  	s11 =	sand.u32 $0x3FFFFF00, s13;
	v29 =	vld [tilespmem:s0+$0xF0]  }
0x9e: {  	v31 =	vld [tilespmem:s11+$0x28F0]  }
0x9f: {  	v33 =	vld [tilespmem:s0+$0x100]  }
0xa0: {  	v34 =	vld [tilespmem:s11+$0x2900]  }
0xa1: {  	v35 =	vld [tilespmem:s0+$0x110]  }
0xa2: {  	v36 =	vld [tilespmem:s11+$0x2910]  }
0xa3: {  	v38 =	vld [tilespmem:s0+$0x120]  }
0xa4: {  	v40 =	vld [tilespmem:s11+$0x2920]  }
0xa5: {  	v42 =	vld [tilespmem:s0+$0x130]  }
0xa6: {  	v44 =	vld [tilespmem:s11+$0x2930]  }
0xa7: {  	v45 =	vld [tilespmem:s0+$0x140]  }
0xa8: {  	v46 =	vld [tilespmem:s11+$0x2940]  }
0xa9: {  	v47 =	vld [tilespmem:s0+$0x150]  }
0xaa: {  	s6 =	sor.u32 $0x1, s31;
	v48 =	vld [tilespmem:s11+$0x2950]  }
0xab: {  	s23 =	sshll.u32 s6, $0x8;
	v49 =	vld [tilespmem:s0+$0x160]  }
0xac: {  	s3 =	sshll.u32 s6, $0x9;
	s30 =	sand.u32 $0x3FFFFF00, s23;
	v50 =	vld [tilespmem:s11+$0x2960]  }
0xad: {  	s2 =	sand.u32 $0x3FFFFE00, s3;
	v51 =	vld [tilespmem:s30+$0xF0]  }
0xae: {  	v52 =	vld [tilespmem:s2+$0x28F0]  }
0xaf: {  	v53 =	vld [tilespmem:s30+$0x100]  }
0xb0: {  	v54 =	vld [tilespmem:s2+$0x2900]  }
0xb1: {  	v55 =	vld [tilespmem:s30+$0x110]  }
0xb2: {  	v56 =	vld [tilespmem:s2+$0x2910]  }
0xb3: {  	v57 =	vld [tilespmem:s30+$0x120]  }
0xb4: {  	v58 =	vld [tilespmem:s2+$0x2920]  }
0xb5: {  	v59 =	vld [tilespmem:s30+$0x130]  }
0xb6: {  	v60 =	vld [tilespmem:s2+$0x2930]  }
0xb7: {  	v61 =	vld [tilespmem:s30+$0x140]  }
0xb8: {  	s18 =	sshll.u32 s31, $0x4;
	s1 =	sshllo.u32 s6, $0x1;
	v62 =	vld [tilespmem:s2+$0x2940]  }
0xb9: {  	s5 =	sshll.u32 s1, $0x7;
	s0 =	sand.u32 $0x3FFFFFF0, s18;
	v63 =	vld [tilespmem:s30+$0x150]  }
0xba: {  	v0 =	vld [tilespmem:s0+$0x78F0];
	s0 =	sand.u32 $0x3FFFFF80, s5  }
0xbb: {  	v6 =	vld [tilespmem:s0+$0xF0]  }
0xbc: {  	v13 =	vld [tilespmem:s0+$0x100]  }
0xbd: {  	v16 =	vld [tilespmem:s0+$0x110]  }
0xbe: {  	v19 =	vld [tilespmem:s0+$0x160]  }
0xbf: {  	v41 =	vld [tilespmem:s0+$0x120]  }
0xc0: {  	s9 =	sor.u32 $0x2, s31;
	v37 =	vld [tilespmem:s0+$0x130]  }
0xc1: {  	s7 =	sshll.u32 s9, $0x8;
	v30 =	vld [tilespmem:s0+$0x140]  }
0xc2: {  	v21 =	vld [tilespmem:s0+$0x150];
	s0 =	sand.u32 $0x3FFFFF00, s7  }
0xc3: {  	[tilespmem:$0x1FF70] =	vst v19;
	v19 =	vld [tilespmem:s0+$0xF0]  }
0xc4: {  	v9 =	vld [tilespmem:s30+$0x160];
	s5 =	sshll.u32 s1, $0x8  }
0xc5: {  	v1 =	vld [tilespmem:s2+$0x2960];
	s13 =	sand.u32 $0x3FFFFF00, s5  }
0xc6: {  	s8 =	sshll.u32 s9, $0x9;
	v2 =	vld [tilespmem:s13+$0x28F0]  }
0xc7: {  	s30 =	sand.u32 $0x3FFFFE00, s8;
	v11 =	vld [tilespmem:s13+$0x2900]  }
0xc8: {  	[tilespmem:$0x1FF80] =	vst v19;
	v19 =	vld [tilespmem:s30+$0x28F0]  }
0xc9: {  	v15 =	vld [tilespmem:s13+$0x2910]  }
0xca: {  	v43 =	vld [tilespmem:s13+$0x2920]  }
0xcb: {  	v39 =	vld [tilespmem:s13+$0x2930]  }
0xcc: {  	v32 =	vld [tilespmem:s13+$0x2940]  }
0xcd: {  	[tilespmem:$0x1FF90] =	vst v19;
	v19 =	vld [tilespmem:s0+$0x100]  }
0xce: {  	v23 =	vld [tilespmem:s13+$0x2950]  }
0xcf: {  	v24 =	vld [tilespmem:s13+$0x2960]  }
0xd0: {  	v4 =	vmul.f32 v4, v3;
	v3 =	vld [tilespmem:s30+$0x2910]  }
0xd1: {  	v5 =	vmul.f32 v7, v5;
	v7 =	vld [tilespmem:s30+$0x2920]  }
0xd2: {  	(xrf2) =	vadd.scan.msk.f32 $0xffff, v4;
	[tilespmem:$0x1FFA0] =	vst v19;
	v19 =	vld [tilespmem:s30+$0x2900]  }
0xd3: {  	v8 =	vmul.f32 v10, v8;
	v10 =	vld [tilespmem:s30+$0x2940];
	(xrf2) =	vadd.scan.msk.f32 $0xffff, v5  }
0xd4: {  	v14 =	vmul.f32 v14, v12;
	v12 =	vld [tilespmem:s0+$0x150]  }
0xd5: {  	v22 =	vmul.f32 v22, v20;
	v20 =	vld [tilespmem:s30+$0x2960]  }
0xd6: {  	[tilespmem:$0x1FFE0] =	vst v0;
	v0 =	vld [tilespmem:s2+$0x2950]  }
0xd7: {  	[tilespmem:$0x1FFB0] =	vst v19;
	v19 =	vld [tilespmem:s0+$0x110]  }
0xd8: {  	s5 =	sor.u32 $0x3, s31;
	v4 =	vld [tilespmem:s0+$0x130]  }
0xd9: {  	s7 =	sshll.u32 s5, $0x9;
	v29 =	vmul.f32 v31, v29;
	v5 =	vld [tilespmem:s0+$0x140];
	(xrf2) =	vadd.scan.msk.f32 $0xffff, v8  }
0xda: {  	s8 =	sand.u32 $0x3FFFFE00, s7;
	v31 =	vmul.f32 v34, v33;
	v33 =	vmul.f32 v36, v35;
	v8 =	vld [tilespmem:s30+$0x2930]  }
0xdb: {  	v34 =	vmul.f32 v40, v38;
	v37 =	vmul.f32 v39, v37;
	v39 =	vld [tilespmem:s8+$0x28F0]  }
0xdc: {  	s18 =	sshllo.u32 s9, $0x1;
	v57 =	vmul.f32 v58, v57;
	v58 =	vmul.f32 v60, v59;
	v36, _, _ =	vpop (xrf2);
	[tilespmem:$0x1FFC0] =	vst v19;
	v19 =	vld [tilespmem:s0+$0x120]  }
0xdd: {  	s23 =	sshll.u32 s18, $0x8;
	v59 =	vmul.f32 v62, v61;
	v21 =	vmul.f32 v23, v21;
	v23 =	vld [tilespmem:s8+$0x2900];
	v40, _, _ =	vpop (xrf2)  }
0xde: {  	s23 =	sand.u32 $0x3FFFFF00, s23;
	(xrf2) =	vadd.scan.msk.f32 $0xffff, v14;
	v14 =	vld [tilespmem:s0+$0x160];
	v60 =	vbroadcast v36, $0xF;
	v61 =	vbroadcast v40, $0xF  }
0xdf: {  	s12 =	sshll.u32 s18, $0x7;
	v40 =	vld [tilespmem:s23+$0x2950]  }
0xe0: {  	v0 =	vmul.f32 v0, v63;
	v63 =	vsel vm0, v60, v61;
	v60 =	vld [tilespmem:$0x1FF70];
	s0 =	sand.u32 $0x3FFFFF80, s12  }
0xe1: {  	v26 =	vmul.f32 v26, v25;
	v25 =	vld [tilespmem:s0+$0x110];
	[tilespmem:$0x1FFD0] =	vst v19;
	v19 =	vmul.f32 v18, v17  }
0xe2: {  	v28 =	vmul.f32 v28, v27;
	v27 =	vld [tilespmem:s0+$0x120]  }
0xe3: {  	v35 =	vmul.f32 v44, v42;
	v42, _, _ =	vpop (xrf2);
	v36 =	vld [tilespmem:s0+$0x150];
	(xrf2) =	vadd.scan.msk.f32 $0xffff, v19  }
0xe4: {  	v62 =	vbroadcast v42, $0xF;
	v42 =	vld [tilespmem:s0+$0x160];
	(xrf2) =	vadd.scan.msk.f32 $0xffff, v22  }
0xe5: {  	v17 =	vld [tilespmem:s30+$0x2950];
	(xrf2) =	vadd.scan.msk.f32 $0xffff, v26  }
0xe6: {  	v18 =	vld [tilespmem:s0+$0xF0];
	(xrf2) =	vadd.scan.msk.f32 $0xffff, v28  }
0xe7: {  	v22 =	vld [tilespmem:s0+$0x100];
	(xrf2) =	vadd.scan.msk.f32 $0xffff, v29  }
0xe8: {  	v26 =	vld [tilespmem:s23+$0x28F0];
	(xrf2) =	vadd.scan.msk.f32 $0xffff, v31  }
0xe9: {  	v28 =	vld [tilespmem:s0+$0x130];
	(xrf2) =	vadd.scan.msk.f32 $0xffff, v33  }
0xea: {  	s3 =	sshll.u32 s5, $0x8;
	v38 =	vmul.f32 v46, v45;
	v29 =	vld [tilespmem:s0+$0x140];
	(xrf2) =	vadd.scan.msk.f32 $0xffff, v34  }
0xeb: {  	v48 =	vmul.f32 v48, v47;
	v50 =	vmul.f32 v50, v49;
	s0 =	sand.u32 $0x3FFFFF00, s3;
	v31 =	vld [tilespmem:s23+$0x2900];
	(xrf2) =	vadd.scan.msk.f32 $0xffff, v35  }
0xec: {  	v54 =	vmul.f32 v54, v53;
	v53 =	vmul.f32 v43, v41;
	v19, _, _ =	vpop (xrf2);
	v41 =	vld [tilespmem:s0+$0xF0];
	(xrf2) =	vadd.scan.msk.f32 $0xffff, v38  }
0xed: {  	v52 =	vmul.f32 v52, v51;
	v30 =	vmul.f32 v32, v30;
	v32 =	vld [tilespmem:s0+$0x100];
	v45, _, _ =	vpop (xrf2);
	(xrf2) =	vadd.scan.msk.f32 $0xffff, v48  }
0xee: {  	v43 =	vld [tilespmem:s0+$0x110];
	v46, _, _ =	vpop (xrf2);
	(xrf2) =	vadd.scan.msk.f32 $0xffff, v50  }
0xef: {  	v56 =	vmul.f32 v56, v55;
	v5 =	vmul.f32 v10, v5;
	v10 =	vld [tilespmem:s0+$0x140];
	v47, _, _ =	vpop (xrf2);
	(xrf2) =	vadd.scan.msk.f32 $0xffff, v52  }
0xf0: {  	v33 =	vld [tilespmem:s23+$0x2910];
	v48, _, _ =	vpop (xrf2);
	(xrf2) =	vadd.scan.msk.f32 $0xffff, v54  }
0xf1: {  	v34 =	vld [tilespmem:s23+$0x2920];
	v49, _, _ =	vpop (xrf2);
	(xrf2) =	vadd.scan.msk.f32 $0xffff, v56  }
0xf2: {  	v24 =	vmul.f32 v24, v60;
	v60 =	vmul.f32 v26, v18;
	v18 =	vld [tilespmem:s8+$0x2950];
	v51, _, _ =	vpop (xrf2);
	(xrf2) =	vadd.scan.msk.f32 $0xffff, v57  }
0xf3: {  	v1 =	vmul.f32 v1, v9;
	v2 =	vmul.f32 v2, v6;
	v35 =	vld [tilespmem:s23+$0x2930];
	v54, _, _ =	vpop (xrf2);
	(xrf2) =	vadd.scan.msk.f32 $0xffff, v58  }
0xf4: {  	v11 =	vmul.f32 v11, v13;
	v19 =	vbroadcast v19, $0xF;
	v38 =	vld [tilespmem:s23+$0x2940];
	v55, _, _ =	vpop (xrf2);
	(xrf2) =	vadd.scan.msk.f32 $0xffff, v59  }
0xf5: {  	v44 =	vbroadcast v45, $0xF;
	v45 =	vmul.f32 v15, v16;
	v15 =	vld [tilespmem:s23+$0x2960];
	v9, _, _ =	vpop (xrf2);
	(xrf2) =	vadd.scan.msk.f32 $0xffff, v0;
	v0 =	vsel vm1, v63, v62  }
0xf6: {  	v52 =	vbroadcast v46, $0xF;
	v58 =	vbroadcast v49, $0xF;
	v49 =	vld [tilespmem:$0x1FFA0];
	v50, _, _ =	vpop (xrf2);
	(xrf2) =	vadd.scan.msk.f32 $0xffff, v1;
	v0 =	vsel vm2, v0, v19  }
0xf7: {  	v56 =	vbroadcast v47, $0xF;
	v62 =	vld [tilespmem:$0x1FF80];
	v6, _, _ =	vpop (xrf2);
	(xrf2) =	vadd.scan.msk.f32 $0xffff, v2;
	v0 =	vsel vm3, v0, v44  }
0xf8: {  	v57 =	vbroadcast v48, $0xF;
	v63 =	vld [tilespmem:$0x1FF90];
	v1, _, _ =	vpop (xrf2);
	(xrf2) =	vadd.scan.msk.f32 $0xffff, v11;
	v0 =	vsel vm4, v0, v52  }
0xf9: {  	v59 =	vbroadcast v51, $0xF;
	v51 =	vld [tilespmem:$0x1FFB0];
	v2, _, _ =	vpop (xrf2);
	(xrf2) =	vadd.scan.msk.f32 $0xffff, v45;
	v0 =	vsel vm5, v0, v56  }
0xfa: {  	v52 =	vld [tilespmem:$0x1FFC0];
	v11, _, _ =	vpop (xrf2);
	(xrf2) =	vadd.scan.msk.f32 $0xffff, v53;
	v0 =	vsel vm6, v0, v57  }
0xfb: {  	v61 =	vbroadcast v54, $0xF;
	v54 =	vld [tilespmem:$0x1FFD0];
	v13, _, _ =	vpop (xrf2);
	(xrf2) =	vadd.scan.msk.f32 $0xffff, v37;
	v0 =	vsel vm7, v0, v58  }
0xfc: {  	v33 =	vmul.f32 v33, v25;
	v25 =	vld [tilespmem:s8+$0x2960];
	v48 =	vbroadcast v55, $0xF;
	v16, _, _ =	vpop (xrf2);
	(xrf2) =	vadd.scan.msk.f32 $0xffff, v30;
	v0 =	vsel vm8, v0, v59  }
0xfd: {  	v46 =	vld [tilespmem:s0+$0x120];
	v9 =	vbroadcast v9, $0xF;
	v19 =	vmul.f32 v63, v62;
	v37, _, _ =	vpop (xrf2);
	(xrf2) =	vadd.scan.msk.f32 $0xffff, v21;
	v0 =	vsel vm9, v0, v61  }
0xfe: {  	v47 =	vld [tilespmem:s0+$0x130];
	v45 =	vmul.f32 v51, v49;
	v53 =	vbroadcast v50, $0xF;
	v30, _, _ =	vpop (xrf2);
	(xrf2) =	vadd.scan.msk.f32 $0xffff, v24;
	v0 =	vsel vm10, v0, v48  }
0xff: {  	v44 =	vld [tilespmem:s8+$0x2910];
	v55 =	vbroadcast v6, $0xF;
	v3 =	vmul.f32 v3, v52;
	v21, _, _ =	vpop (xrf2);
	(xrf2) =	vadd.scan.msk.f32 $0xffff, v19;
	v0 =	vsel vm11, v0, v9  }
0x100: {  	v7 =	vmul.f32 v7, v54;
	v61 =	vld [tilespmem:$0x1FFE0];
	v24, _, _ =	vpop (xrf2);
	(xrf2) =	vadd.scan.msk.f32 $0xffff, v45;
	v0 =	vsel vm12, v0, v53  }
0x101: {  	v4 =	vmul.f32 v8, v4;
	v6 =	vld [tilespmem:s8+$0x2930];
	v9, _, _ =	vpop (xrf2);
	(xrf2) =	vadd.scan.msk.f32 $0xffff, v3;
	v0 =	vsel vm13, v0, v55  }
0x102: {  	s12 =	sshllo.u32 s5, $0x1;
	v23 =	vmul.f32 v23, v32;
	v56 =	vmul.f32 v17, v12;
	v17 =	vld [tilespmem:s0+$0x150];
	v8, _, _ =	vpop (xrf2);
	(xrf2) =	vadd.scan.msk.f32 $0xffff, v7;
	v0 =	vsel vm14, v0, v1  }
0x103: {  	s7 =	sshll.u32 s12, $0x7;
	v15 =	vmul.f32 v15, v42;
	v58 =	vmul.f32 v20, v14;
	v14 =	vld [tilespmem:s8+$0x2940];
	v3, _, _ =	vpop (xrf2);
	(xrf2) =	vadd.scan.msk.f32 $0xffff, v4  }
0x104: {  	s3 =	sshll.u32 s12, $0x8;
	v49 =	vmul.f32 v34, v27;
	v51 =	vmul.f32 v35, v28;
	v20 =	vld [tilespmem:s0+$0x160];
	s0 =	sand.u32 $0x3FFFFF80, s7;
	v1, _, _ =	vpop (xrf2);
	(xrf2) =	vadd.scan.msk.f32 $0xffff, v5  }
0x105: {  	v54 =	vmul.f32 v38, v29;
	v57 =	vbroadcast v2, $0xF;
	s7 =	sand.u32 $0x3FFFFF00, s3;
	v27 =	vld [tilespmem:s0+$0xF0];
	v2 =	vadd.f32 v0, v61;
	v0, _, _ =	vpop (xrf2);
	(xrf2) =	vadd.scan.msk.f32 $0xffff, v56  }
0x106: {  	v63 =	vmul.f32 v31, v22;
	v59 =	vbroadcast v11, $0xF;
	v35 =	vld [tilespmem:s7+$0x2910];
	v5, _, _ =	vpop (xrf2);
	(xrf2) =	vadd.scan.msk.f32 $0xffff, v58  }
0x107: {  	v62 =	vbroadcast v13, $0xF;
	v42 =	vld [tilespmem:s0+$0x130];
	v31 =	vbroadcast v16, $0xF;
	v45, _, _ =	vpop (xrf2);
	(xrf2) =	vadd.scan.msk.f32 $0xffff, v60  }
0x108: {  	v48 =	vbroadcast v37, $0xF;
	v37 =	vmul.f32 v44, v43;
	v44 =	vld [tilespmem:s7+$0x2930];
	v12, _, _ =	vpop (xrf2);
	(xrf2) =	vadd.scan.msk.f32 $0xffff, v63  }
0x109: {  	v6 =	vmul.f32 v6, v47;
	v19 =	vld [tilespmem:s8+$0x2920];
	v50 =	vbroadcast v30, $0xF;
	v52, _, _ =	vpop (xrf2);
	(xrf2) =	vadd.scan.msk.f32 $0xffff, v33  }
0x10a: {  	v38 =	vld [tilespmem:s0+$0x120];
	v53 =	vbroadcast v21, $0xF;
	v10 =	vmul.f32 v14, v10;
	v4 =	vsel vm0, v57, v59;
	v56, _, _ =	vpop (xrf2);
	(xrf2) =	vadd.scan.msk.f32 $0xffff, v49  }
0x10b: {  	v28 =	vld [tilespmem:s7+$0x2960];
	v9 =	vbroadcast v9, $0xF;
	v4 =	vsel vm1, v4, v62;
	v58 =	vmul.f32 v40, v36;
	v60, _, _ =	vpop (xrf2);
	(xrf2) =	vadd.scan.msk.f32 $0xffff, v51  }
0x10c: {  	v47 =	vld [tilespmem:s0+$0x140];
	v57 =	vbroadcast v24, $0xF;
	v8 =	vbroadcast v8, $0xF;
	v4 =	vsel vm2, v4, v31;
	v62, _, _ =	vpop (xrf2);
	(xrf2) =	vadd.scan.msk.f32 $0xffff, v54  }
0x10d: {  	v55 =	vld [tilespmem:s7+$0x28F0];
	v14 =	vmul.f32 v44, v42;
	v4 =	vsel vm3, v4, v48;
	v63 =	vmul.f32 v39, v41;
	v34, _, _ =	vpop (xrf2);
	(xrf2) =	vadd.scan.msk.f32 $0xffff, v58  }
0x10e: {  	v59 =	vld [tilespmem:s0+$0x100];
	v3 =	vbroadcast v3, $0xF;
	v19 =	vmul.f32 v19, v46;
	v4 =	vsel vm4, v4, v50;
	v36, _, _ =	vpop (xrf2);
	(xrf2) =	vadd.scan.msk.f32 $0xffff, v15  }
0x10f: {  	v61 =	vld [tilespmem:s7+$0x2900];
	v46 =	vmul.f32 v18, v17;
	v1 =	vbroadcast v1, $0xF;
	v4 =	vsel vm5, v4, v53;
	v39, _, _ =	vpop (xrf2);
	(xrf2) =	vadd.scan.msk.f32 $0xffff, v63  }
0x110: {  	v0 =	vbroadcast v0, $0xF;
	v5 =	vbroadcast v5, $0xF;
	v4 =	vsel vm6, v4, v57;
	v33 =	vld [tilespmem:s0+$0x110];
	v41, _, _ =	vpop (xrf2);
	(xrf2) =	vadd.scan.msk.f32 $0xffff, v23  }
0x111: {  	v40 =	vld [tilespmem:s7+$0x2920];
	v50 =	vmul.f32 v25, v20;
	v7 =	vbroadcast v45, $0xF;
	v4 =	vsel vm7, v4, v9;
	v43, _, _ =	vpop (xrf2);
	(xrf2) =	vadd.scan.msk.f32 $0xffff, v37  }
0x112: {  	v25 =	vld [tilespmem:s0+$0x160];
	v11 =	vbroadcast v52, $0xF;
	v4 =	vsel vm8, v4, v8;
	v49 =	vbroadcast v56, $0xF;
	v45, _, _ =	vpop (xrf2);
	(xrf2) =	vadd.scan.msk.f32 $0xffff, v19  }
0x113: {  	v51 =	vld [tilespmem:s7+$0x2940];
	v3 =	vsel vm9, v4, v3;
	v53 =	vbroadcast v60, $0xF;
	v54 =	vmul.f32 v55, v27;
	v48, _, _ =	vpop (xrf2);
	(xrf2) =	vadd.scan.msk.f32 $0xffff, v6  }
0x114: {  	v55 =	vld [tilespmem:s0+$0x150];
	v1 =	vsel vm10, v3, v1;
	v57 =	vbroadcast v62, $0xF;
	v58 =	vmul.f32 v61, v59;
	v52, _, _ =	vpop (xrf2);
	(xrf2) =	vadd.scan.msk.f32 $0xffff, v10  }
0x115: {  	v59 =	vld [tilespmem:s7+$0x2950];
	v0 =	vsel vm11, v1, v0;
	v61 =	vmul.f32 v35, v33;
	v9 =	vbroadcast v34, $0xF;
	v56, _, _ =	vpop (xrf2);
	(xrf2) =	vadd.scan.msk.f32 $0xffff, v46  }
0x116: {  	v0 =	vsel vm12, v0, v5;
	v63 =	vmul.f32 v40, v38;
	v6 =	vsel vm0, v11, v49;
	v60, _, _ =	vpop (xrf2);
	(xrf2) =	vadd.scan.msk.f32 $0xffff, v50  }
0x117: {  	v8 =	vbroadcast v36, $0xF;
	v36 =	vmul.f32 v28, v25;
	v6 =	vsel vm1, v6, v53;
	v62, _, _ =	vpop (xrf2);
	(xrf2) =	vadd.scan.msk.f32 $0xffff, v54  }
0x118: {  	v0 =	vsel vm13, v0, v7;
	v4 =	vbroadcast v39, $0xF;
	v6 =	vsel vm2, v6, v57;
	v24, _, _ =	vpop (xrf2);
	(xrf2) =	vadd.scan.msk.f32 $0xffff, v58  }
0x119: {  	v27 =	vmul.f32 v51, v47;
	v3 =	vbroadcast v41, $0xF;
	v6 =	vsel vm3, v6, v9;
	v26, _, _ =	vpop (xrf2);
	(xrf2) =	vadd.scan.msk.f32 $0xffff, v61  }
0x11a: {  	v30 =	vmul.f32 v59, v55;
	v1 =	vbroadcast v43, $0xF;
	v6 =	vsel vm4, v6, v8;
	v29, _, _ =	vpop (xrf2);
	(xrf2) =	vadd.scan.msk.f32 $0xffff, v63  }
0x11b: {  	v4 =	vsel vm5, v6, v4;
	v8 =	vbroadcast v26, $0xF;
	v31, _, _ =	vpop (xrf2);
	(xrf2) =	vadd.scan.msk.f32 $0xffff, v14;
	v6 =	vbroadcast v29, $0xF  }
0x11c: {  	v0 =	vsel vm14, v0, v12;
	v3 =	vsel vm6, v4, v3;
	v32, _, _ =	vpop (xrf2);
	(xrf2) =	vadd.scan.msk.f32 $0xffff, v27;
	v4 =	vbroadcast v31, $0xF  }
0x11d: {  	v1 =	vsel vm7, v3, v1;
	v6 =	vsel vm0, v8, v6;
	v3 =	vbroadcast v32, $0xF;
	v33, _, _ =	vpop (xrf2);
	(xrf2) =	vadd.scan.msk.f32 $0xffff, v30  }
0x11e: {  	v5 =	vbroadcast v45, $0xF;
	v34, _, _ =	vpop (xrf2);
	v4 =	vsel vm1, v6, v4;
	v35 =	vbroadcast v33, $0xF  }
0x11f: {  	v7 =	vbroadcast v48, $0xF;
	v37, _, _ =	vpop (xrf2);
	v3 =	vsel vm2, v4, v3;
	v38 =	vbroadcast v34, $0xF  }
0x120: {  	v42 =	vbroadcast v52, $0xF;
	(xrf2) =	vadd.scan.msk.f32 $0xffff, v36;
	v3 =	vsel vm3, v3, v35;
	v39 =	vbroadcast v37, $0xF;
	v40, _, _ =	vpop (xrf2)  }
0x121: {  	v11 =	vbroadcast v56, $0xF;
	v41, _, _ =	vpop (xrf2);
	v3 =	vsel vm4, v3, v38;
	v43 =	vbroadcast v40, $0xF  }
0x122: {  	s3 =	sshll.u32 s6, $0x4;
	v10 =	vbroadcast v60, $0xF;
	v44, _, _ =	vpop (xrf2);
	v3 =	vsel vm5, v3, v39;
	v45 =	vbroadcast v41, $0xF  }
0x123: {  	s0 =	sand.u32 $0x3FFFFFF0, s3;
	v55 =	vbroadcast v62, $0xF;
	v46, _, _ =	vpop (xrf2);
	v3 =	vsel vm6, v3, v43;
	v47 =	vbroadcast v44, $0xF  }
0x124: {  	s3 =	sshll.u32 s9, $0x4;
	v51 =	vld [tilespmem:s0+$0x78F0];
	v1 =	vsel vm8, v1, v5;
	v48, _, _ =	vpop (xrf2);
	v3 =	vsel vm7, v3, v45;
	v49 =	vbroadcast v46, $0xF  }
0x125: {  	s0 =	sand.u32 $0x3FFFFFF0, s3;
	s3 =	sshll.u32 s5, $0x4;
	v1 =	vsel vm9, v1, v7;
	v50, _, _ =	vpop (xrf2);
	v3 =	vsel vm8, v3, v47;
	v52 =	vbroadcast v48, $0xF  }
0x126: {  	s3 =	sand.u32 $0x3FFFFFF0, s3;
	v54 =	vld [tilespmem:s0+$0x78F0];
	v1 =	vsel vm10, v1, v42;
	v53, _, _ =	vpop (xrf2);
	v3 =	vsel vm9, v3, v49;
	v56 =	vbroadcast v50, $0xF  }
0x127: {  	v60 =	vld [tilespmem:s3+$0x78F0];
	v1 =	vsel vm11, v1, v11;
	v57, _, _ =	vpop (xrf2);
	v3 =	vsel vm10, v3, v52;
	v59 =	vbroadcast v53, $0xF  }
0x128: {  	v1 =	vsel vm12, v1, v10;
	v3 =	vsel vm11, v3, v56;
	v61 =	vbroadcast v57, $0xF  }
0x129: {  	v0 =	vadd.f32 v0, v51;
	v1 =	vsel vm13, v1, v55;
	v3 =	vsel vm12, v3, v59  }
0x12a: {  	v2 =	vmul.f32 $1.442695020e+00, v2;
	v1 =	vsel vm14, v1, v24;
	v63, _, _ =	vpop (xrf2);
	v3 =	vsel vm13, v3, v61  }
0x12b: {  	s3 =	sshll.u32 s31, $0x1;
	v0 =	vmul.f32 $1.442695020e+00, v0;
	v1 =	vadd.f32 v1, v54;
	v3 =	vsel vm14, v3, v63  }
0x12c: {  	(erf) = vpow2.f32 v2;
	v62 =	vmov s3;
	s3 =	sshll.u32 s6, $0x1;
	v8 =	vadd.f32 v3, v60  }
0x12d: {  	v58 =	vld [tilespmem:$0x1FFF0];
	(erf) = vpow2.f32 v0;
	v11 =	vmov s3;
	s3 =	sshll.u32 s9, $0x1;
	v1 =	vmul.f32 $1.442695020e+00, v1  }
0x12e: {  	v4 =	vmul.u32 $0x88, v62;
	v12 =	vmov s3;
	s3 =	sshll.u32 s5, $0x1;
	v2 =	vmul.f32 $1.442695020e+00, v8  }
0x12f: {  	v0 =	vmul.u32 $0x88, v11;
	v13 =	vmov s3;
	(erf) = vpow2.f32 v1  }
0x130: {  	v9 =	vbroadcast v4, $0x0;
	v1 =	vmul.u32 $0x88, v12;
	(erf) = vpow2.f32 v2  }
0x131: {  	v0 =	vbroadcast v0, $0x0;
	v2 =	vmul.u32 $0x88, v13  }
0x132: {  	v1 =	vbroadcast v1, $0x0;
	v3 =	vadd.s32 v58, v9  }
0x133: {  	v0 =	vadd.s32 v58, v0;
	v2 =	vbroadcast v2, $0x0  }
0x134: {  	v1 =	vadd.s32 v58, v1  }
0x135: {  	v14 =	vadd.s32 v58, v2  }
0x136: {  	v4 =	vpop (erf)  }
0x137: {  	[tilespmem:v3+s14+$0x0] =	vst.idx.msk $0xffff, v4;
	v2 =	vpop (erf)  }
0x138: {  	v15 =	vld [tilespmem:s22+$0x2970];
	v3 =	vpop (erf);
	[tilespmem:v0+s14+$0x0] =	vst.idx.msk $0xffff, v2  }
0x139: {  	v0 =	vld [tilespmem:s2+$0x2970];
	[tilespmem:v1+s14+$0x0] =	vst.idx.msk $0xffff, v3;
	v5 =	vpop (erf)  }
0x13a: {  	v1 =	vld [tilespmem:s30+$0x2970];
	[tilespmem:v14+s14+$0x0] =	vst.idx.msk $0xffff, v5  }
0x13b: {  	v16 =	vbroadcast v4, $0x0;
	v17 =	vld [tilespmem:s8+$0x2970]  }
0x13c: {  	s0 =	smul.u32 $0x440, s31;
	v18 =	vbroadcast v2, $0x0  }
0x13d: {  	s3 =	smul.u32 $0x440, s6;
	v6 =	vmul.f32 v16, v15;
	v19 =	vbroadcast v3, $0x0  }
0x13e: {  	s6 =	sshra.s32 s0, $0x2;
	s0 =	smul.u32 $0x440, s9;
	v20 =	vbroadcast v5, $0x0;
	v0 =	vmul.f32 v18, v0  }
0x13f: {  	s5 =	smul.u32 $0x440, s5;
	s9 =	sshra.s32 s3, $0x2;
	[tilespmem:s6+$0x7B70] =	vst v6;
	v1 =	vmul.f32 v19, v1  }
0x140: {  	s0 =	sshra.s32 s0, $0x2;
	v6 =	vld [tilespmem:s22+$0x2980];
	[tilespmem:s9+$0x7B70] =	vst v0;
	v21 =	vmul.f32 v20, v17  }
0x141: {  	s3 =	sshra.s32 s5, $0x2;
	v22 =	vld [tilespmem:s2+$0x2980];
	[tilespmem:s0+$0x7B70] =	vst v1  }
0x142: {  	v1 =	vld [tilespmem:s30+$0x2980];
	[tilespmem:s3+$0x7B70] =	vst v21  }
0x143: {  	v23 =	vbroadcast v4, $0x1;
	v24 =	vld [tilespmem:s8+$0x2980]  }
0x144: {  	v25 =	vbroadcast v2, $0x1  }
0x145: {  	v26 =	vbroadcast v3, $0x1;
	v0 =	vmul.f32 v23, v6  }
0x146: {  	v27 =	vbroadcast v5, $0x1;
	v7 =	vmul.f32 v25, v22  }
0x147: {  	[tilespmem:s6+$0x7B80] =	vst v0;
	v28 =	vmul.f32 v26, v1  }
0x148: {  	v29 =	vld [tilespmem:s22+$0x2990];
	[tilespmem:s9+$0x7B80] =	vst v7;
	v30 =	vmul.f32 v27, v24  }
0x149: {  	v7 =	vld [tilespmem:s2+$0x2990];
	[tilespmem:s0+$0x7B80] =	vst v28  }
0x14a: {  	v0 =	vld [tilespmem:s30+$0x2990];
	[tilespmem:s3+$0x7B80] =	vst v30  }
0x14b: {  	v31 =	vbroadcast v4, $0x2;
	v32 =	vld [tilespmem:s8+$0x2990]  }
0x14c: {  	v33 =	vbroadcast v2, $0x2  }
0x14d: {  	v34 =	vbroadcast v3, $0x2;
	v1 =	vmul.f32 v31, v29  }
0x14e: {  	v35 =	vbroadcast v5, $0x2;
	v7 =	vmul.f32 v33, v7  }
0x14f: {  	[tilespmem:s6+$0x7B90] =	vst v1;
	v0 =	vmul.f32 v34, v0  }
0x150: {  	v1 =	vld [tilespmem:s22+$0x29A0];
	[tilespmem:s9+$0x7B90] =	vst v7;
	v36 =	vmul.f32 v35, v32  }
0x151: {  	v7 =	vld [tilespmem:s2+$0x29A0];
	[tilespmem:s0+$0x7B90] =	vst v0  }
0x152: {  	v0 =	vld [tilespmem:s30+$0x29A0];
	[tilespmem:s3+$0x7B90] =	vst v36  }
0x153: {  	v37 =	vbroadcast v4, $0x3;
	v38 =	vld [tilespmem:s8+$0x29A0]  }
0x154: {  	v39 =	vbroadcast v2, $0x3  }
0x155: {  	v40 =	vbroadcast v3, $0x3;
	v1 =	vmul.f32 v1, v37  }
0x156: {  	v41 =	vbroadcast v5, $0x3;
	v7 =	vmul.f32 v7, v39  }
0x157: {  	[tilespmem:s6+$0x7BA0] =	vst v1;
	v0 =	vmul.f32 v0, v40  }
0x158: {  	v1 =	vld [tilespmem:s22+$0x29B0];
	[tilespmem:s9+$0x7BA0] =	vst v7;
	v42 =	vmul.f32 v38, v41  }
0x159: {  	v7 =	vld [tilespmem:s2+$0x29B0];
	[tilespmem:s0+$0x7BA0] =	vst v0  }
0x15a: {  	v0 =	vld [tilespmem:s30+$0x29B0];
	[tilespmem:s3+$0x7BA0] =	vst v42  }
0x15b: {  	v43 =	vbroadcast v4, $0x4;
	v44 =	vld [tilespmem:s8+$0x29B0]  }
0x15c: {  	v45 =	vbroadcast v2, $0x4  }
0x15d: {  	v46 =	vbroadcast v3, $0x4;
	v1 =	vmul.f32 v1, v43  }
0x15e: {  	v47 =	vbroadcast v5, $0x4;
	v7 =	vmul.f32 v7, v45  }
0x15f: {  	[tilespmem:s6+$0x7BB0] =	vst v1;
	v0 =	vmul.f32 v0, v46  }
0x160: {  	v1 =	vld [tilespmem:s22+$0x29C0];
	[tilespmem:s9+$0x7BB0] =	vst v7;
	v48 =	vmul.f32 v44, v47  }
0x161: {  	v7 =	vld [tilespmem:s2+$0x29C0];
	[tilespmem:s0+$0x7BB0] =	vst v0  }
0x162: {  	v0 =	vld [tilespmem:s30+$0x29C0];
	[tilespmem:s3+$0x7BB0] =	vst v48  }
0x163: {  	v49 =	vbroadcast v4, $0x5;
	v50 =	vld [tilespmem:s8+$0x29C0]  }
0x164: {  	v51 =	vbroadcast v2, $0x5  }
0x165: {  	v52 =	vbroadcast v3, $0x5;
	v1 =	vmul.f32 v1, v49  }
0x166: {  	v53 =	vbroadcast v5, $0x5;
	v7 =	vmul.f32 v7, v51  }
0x167: {  	[tilespmem:s6+$0x7BC0] =	vst v1;
	v0 =	vmul.f32 v0, v52  }
0x168: {  	v1 =	vld [tilespmem:s22+$0x29D0];
	[tilespmem:s9+$0x7BC0] =	vst v7;
	v54 =	vmul.f32 v50, v53  }
0x169: {  	v7 =	vld [tilespmem:s2+$0x29D0];
	[tilespmem:s0+$0x7BC0] =	vst v0  }
0x16a: {  	v0 =	vld [tilespmem:s30+$0x29D0];
	[tilespmem:s3+$0x7BC0] =	vst v54  }
0x16b: {  	v55 =	vbroadcast v4, $0x6;
	v56 =	vld [tilespmem:s8+$0x29D0]  }
0x16c: {  	v57 =	vbroadcast v2, $0x6  }
0x16d: {  	v58 =	vbroadcast v3, $0x6;
	v1 =	vmul.f32 v1, v55  }
0x16e: {  	v59 =	vbroadcast v5, $0x6;
	v7 =	vmul.f32 v7, v57  }
0x16f: {  	[tilespmem:s6+$0x7BD0] =	vst v1;
	v0 =	vmul.f32 v0, v58  }
0x170: {  	v1 =	vld [tilespmem:s22+$0x29E0];
	[tilespmem:s9+$0x7BD0] =	vst v7;
	v60 =	vmul.f32 v56, v59  }
0x171: {  	v7 =	vld [tilespmem:s2+$0x29E0];
	[tilespmem:s0+$0x7BD0] =	vst v0  }
0x172: {  	v0 =	vld [tilespmem:s30+$0x29E0];
	[tilespmem:s3+$0x7BD0] =	vst v60  }
0x173: {  	v61 =	vbroadcast v4, $0x7;
	v6 =	vld [tilespmem:s8+$0x29E0]  }
0x174: {  	v62 =	vbroadcast v2, $0x7  }
0x175: {  	v63 =	vbroadcast v3, $0x7;
	v1 =	vmul.f32 v1, v61  }
0x176: {  	v12 =	vbroadcast v5, $0x7;
	v7 =	vmul.f32 v7, v62  }
0x177: {  	[tilespmem:s6+$0x7BE0] =	vst v1;
	v0 =	vmul.f32 v0, v63  }
0x178: {  	v1 =	vld [tilespmem:s11+$0x2970];
	[tilespmem:s9+$0x7BE0] =	vst v7;
	v6 =	vmul.f32 v6, v12  }
0x179: {  	[tilespmem:s0+$0x7BE0] =	vst v0;
	v13 =	vld [tilespmem:s13+$0x2970]  }
0x17a: {  	v14 =	vld [tilespmem:s23+$0x2970];
	[tilespmem:s3+$0x7BE0] =	vst v6  }
0x17b: {  	v15 =	vbroadcast v4, $0x8;
	v16 =	vld [tilespmem:s7+$0x2970]  }
0x17c: {  	s5 =	smul.u32 $0x220, s15;
	v17 =	vbroadcast v2, $0x8  }
0x17d: {  	v18 =	vbroadcast v3, $0x8;
	s6 =	smul.u32 $0x220, s1;
	v1 =	vmul.f32 v1, v15  }
0x17e: {  	v19 =	vbroadcast v5, $0x8;
	s8 =	sshra.s32 s5, $0x2;
	s9 =	smul.u32 $0x220, s18;
	v0 =	vmul.f32 v13, v17  }
0x17f: {  	s15 =	smul.u32 $0x220, s12;
	s2 =	sshra.s32 s6, $0x2;
	[tilespmem:s8+$0x7B70] =	vst v1;
	v20 =	vmul.f32 v14, v18  }
0x180: {  	s18 =	sshra.s32 s9, $0x2;
	v21 =	vld [tilespmem:s11+$0x2980];
	[tilespmem:s2+$0x7B70] =	vst v0;
	v22 =	vmul.f32 v16, v19  }
0x181: {  	s22 =	sshra.s32 s15, $0x2;
	v23 =	vld [tilespmem:s13+$0x2980];
	[tilespmem:s18+$0x7B70] =	vst v20  }
0x182: {  	v1 =	vld [tilespmem:s23+$0x2980];
	[tilespmem:s22+$0x7B70] =	vst v22  }
0x183: {  	v24 =	vbroadcast v4, $0x9;
	v25 =	vld [tilespmem:s7+$0x2980]  }
0x184: {  	v26 =	vbroadcast v2, $0x9  }
0x185: {  	v27 =	vbroadcast v3, $0x9;
	v0 =	vmul.f32 v21, v24  }
0x186: {  	v28 =	vbroadcast v5, $0x9;
	v7 =	vmul.f32 v23, v26  }
0x187: {  	[tilespmem:s8+$0x7B80] =	vst v0;
	v29 =	vmul.f32 v1, v27  }
0x188: {  	v30 =	vld [tilespmem:s11+$0x2990];
	[tilespmem:s2+$0x7B80] =	vst v7;
	v31 =	vmul.f32 v25, v28  }
0x189: {  	v7 =	vld [tilespmem:s13+$0x2990];
	[tilespmem:s18+$0x7B80] =	vst v29  }
0x18a: {  	v0 =	vld [tilespmem:s23+$0x2990];
	[tilespmem:s22+$0x7B80] =	vst v31  }
0x18b: {  	v32 =	vbroadcast v4, $0xA;
	v33 =	vld [tilespmem:s7+$0x2990]  }
0x18c: {  	v34 =	vbroadcast v2, $0xA  }
0x18d: {  	v35 =	vbroadcast v3, $0xA;
	v1 =	vmul.f32 v30, v32  }
0x18e: {  	v36 =	vbroadcast v5, $0xA;
	v7 =	vmul.f32 v7, v34  }
0x18f: {  	[tilespmem:s8+$0x7B90] =	vst v1;
	v0 =	vmul.f32 v0, v35  }
0x190: {  	v1 =	vld [tilespmem:s11+$0x29A0];
	[tilespmem:s2+$0x7B90] =	vst v7;
	v37 =	vmul.f32 v33, v36  }
0x191: {  	v7 =	vld [tilespmem:s13+$0x29A0];
	[tilespmem:s18+$0x7B90] =	vst v0  }
0x192: {  	v0 =	vld [tilespmem:s23+$0x29A0];
	[tilespmem:s22+$0x7B90] =	vst v37  }
0x193: {  	v38 =	vbroadcast v4, $0xB;
	v39 =	vld [tilespmem:s7+$0x29A0]  }
0x194: {  	v40 =	vbroadcast v2, $0xB  }
0x195: {  	v41 =	vbroadcast v3, $0xB;
	v1 =	vmul.f32 v1, v38  }
0x196: {  	v42 =	vbroadcast v5, $0xB;
	v7 =	vmul.f32 v7, v40  }
0x197: {  	[tilespmem:s8+$0x7BA0] =	vst v1;
	v0 =	vmul.f32 v0, v41  }
0x198: {  	v1 =	vld [tilespmem:s11+$0x29B0];
	[tilespmem:s2+$0x7BA0] =	vst v7;
	v43 =	vmul.f32 v39, v42  }
0x199: {  	v7 =	vld [tilespmem:s13+$0x29B0];
	[tilespmem:s18+$0x7BA0] =	vst v0  }
0x19a: {  	v0 =	vld [tilespmem:s23+$0x29B0];
	[tilespmem:s22+$0x7BA0] =	vst v43  }
0x19b: {  	v44 =	vbroadcast v4, $0xC;
	v45 =	vld [tilespmem:s7+$0x29B0]  }
0x19c: {  	v46 =	vbroadcast v2, $0xC  }
0x19d: {  	v47 =	vbroadcast v3, $0xC;
	v1 =	vmul.f32 v1, v44  }
0x19e: {  	v48 =	vbroadcast v5, $0xC;
	v7 =	vmul.f32 v7, v46  }
0x19f: {  	[tilespmem:s8+$0x7BB0] =	vst v1;
	v0 =	vmul.f32 v0, v47  }
0x1a0: {  	v1 =	vld [tilespmem:s11+$0x29C0];
	[tilespmem:s2+$0x7BB0] =	vst v7;
	v49 =	vmul.f32 v45, v48  }
0x1a1: {  	v7 =	vld [tilespmem:s13+$0x29C0];
	[tilespmem:s18+$0x7BB0] =	vst v0  }
0x1a2: {  	v0 =	vld [tilespmem:s23+$0x29C0];
	[tilespmem:s22+$0x7BB0] =	vst v49  }
0x1a3: {  	v50 =	vbroadcast v4, $0xD;
	v51 =	vld [tilespmem:s7+$0x29C0]  }
0x1a4: {  	v52 =	vbroadcast v2, $0xD  }
0x1a5: {  	v53 =	vbroadcast v3, $0xD;
	v1 =	vmul.f32 v1, v50  }
0x1a6: {  	v54 =	vbroadcast v5, $0xD;
	v7 =	vmul.f32 v7, v52  }
0x1a7: {  	[tilespmem:s8+$0x7BC0] =	vst v1;
	v0 =	vmul.f32 v0, v53  }
0x1a8: {  	v1 =	vld [tilespmem:s11+$0x29D0];
	[tilespmem:s2+$0x7BC0] =	vst v7;
	v55 =	vmul.f32 v51, v54  }
0x1a9: {  	v7 =	vld [tilespmem:s13+$0x29D0];
	[tilespmem:s18+$0x7BC0] =	vst v0  }
0x1aa: {  	v0 =	vld [tilespmem:s23+$0x29D0];
	[tilespmem:s22+$0x7BC0] =	vst v55  }
0x1ab: {  	v56 =	vbroadcast v4, $0xE;
	v57 =	vld [tilespmem:s7+$0x29D0]  }
0x1ac: {  	v58 =	vbroadcast v2, $0xE  }
0x1ad: {  	v59 =	vbroadcast v3, $0xE;
	v1 =	vmul.f32 v1, v56  }
0x1ae: {  	v60 =	vbroadcast v5, $0xE;
	v7 =	vmul.f32 v7, v58  }
0x1af: {  	[tilespmem:s8+$0x7BD0] =	vst v1;
	v0 =	vmul.f32 v0, v59  }
0x1b0: {  	v1 =	vld [tilespmem:s11+$0x29E0];
	[tilespmem:s2+$0x7BD0] =	vst v7;
	v61 =	vmul.f32 v57, v60  }
0x1b1: {  	v7 =	vld [tilespmem:s13+$0x29E0];
	[tilespmem:s18+$0x7BD0] =	vst v0  }
0x1b2: {  	v0 =	vld [tilespmem:s23+$0x29E0];
	[tilespmem:s22+$0x7BD0] =	vst v61  }
0x1b3: {  	v4 =	vbroadcast v4, $0xF;
	v6 =	vld [tilespmem:s7+$0x29E0]  }
0x1b4: {  	v2 =	vbroadcast v2, $0xF  }
0x1b5: {  	p1 =	slt.u32 s31, $0x10;
	v3 =	vbroadcast v3, $0xF;
	v1 =	vmul.f32 v1, v4  }
.Ltmp3:
0x1b6: {  	v62 =	vbroadcast v5, $0xF;
	v2 =	vmul.f32 v7, v2;
	(pc) =	sbr.rel @p1 .LBB2_5-.Ltmp3, $4  }
0x1b7: {  	[tilespmem:s8+$0x7BE0] =	vst v1;
	v0 =	vmul.f32 v0, v3  }
0x1b8: {  	[tilespmem:s2+$0x7BE0] =	vst v2;
	v63 =	vmul.f32 v6, v62  }
0x1b9: {  	s30 =	sadd.s32 $0x4, s31;
	[tilespmem:s18+$0x7BE0] =	vst v0  }
0x1ba: {  	s31 =	smov.u32 s30;
	[tilespmem:s22+$0x7BE0] =	vst v63  }
0x1bb: {  	v0 =	vld [tilespmem:$0x50]  }
0x1bc: {  	v1 =	vld [tilespmem:$0x60]  }
0x1bd: {  	v2 =	vld [tilespmem:$0x68]  }
0x1be: {  	p1 =	sne.s32 s28, $0x7C  }
.Ltmp4:
0x1bf: {  	_ = 	snop;
	(pc) =	sbr.rel @p1 .LBB2_8-.Ltmp4, $4  }
0x1c0: {  	[tilespmem:$0xA0] =	vst v0  }
0x1c1: {  	[tilespmem:$0xB0] =	vst v1  }
0x1c2: {  	s0 =	rddreg [dreg:$0x2];
	s1 =	simm.s32 $0xA0;
	[tilespmem:$0xB8] =	vst v2  }
0x1c3: {  	[spmem:s0] =	stream.indirect.scatter.add.f32 [tilespmem:s14], [sflag:$0x5], $0x88, s1, s26, $0xb8;
	[tilespmem:$0x1FC10] =	vst v63  }
0x1c4: {  	_ =	swait.ge [sflag:s16], $0x1400  }
.Ltmp5:
0x1c5: {  	[sflag:s16] =	ssyncset.done $0x0;
	(pc) =	sbr.rel .LBB2_9-.Ltmp5, $4  }
0x1c6: {  	[sflag:s16] =	ssyncadd.s32 $0xFFFFEC00  }
0x1c7: {  	_ =	swait.ge [sflag:s17], $0x2800  }
0x1c8: {  	[sflag:s17] =	ssyncset.done $0x0  }
0x1c9: {  	[sflag:s17] =	ssyncadd.s32 $0xFFFFD800  }
.LBB2_8:
0x1ca: {  	s0 =	sadd.s32 $0x2, s29  }
0x1cb: {  	s2 =	rddreg [dreg:$0x7];
	s1 =	smul.u32 $0x28, s0  }
0x1cc: {  	s9 =	rddreg [dreg:$0x6];
	s0 =	smul.u32 $0x14, s0  }
0x1cd: {  	s13 =	rddreg [dreg:$0xb];
	s1 =	sadd.s32 s2, s1  }
0x1ce: {  	s11 =	rddreg [dreg:$0x8];
	s0 =	sadd.s32 s13, s0;
	s1 =	sshrl.u32 s1, $0x3  }
0x1cf: {  	s12 =	simm.s32 $0x50;
	s0 =	sshll.u32 s0, $0x1;
	s2 =	sadd.s32 s9, s1  }
0x1d0: {  	[tilespmem:s4], [sflag:$0x7] =	stream.linear.gather [hbm4b:s2+s4], $0x28, $0x38;
	[tilespmem:$0x1FC10] =	vst v63  }
0x1d1: {  	s15 =	rddreg [dreg:$0x5];
	s1 =	sadd.s32 s11, s1;
	s0 =	sand.u32 $0x1FFFFFF0, s0  }
0x1d2: {  	[tilespmem:s12], [sflag:$0x7] =	stream.linear.gather [hbm4b:s1+s4], $0x28, $0x38;
	[tilespmem:$0x1FC10] =	vst v63  }
0x1d3: {  	s18 =	simm.s32 $0x78F0;
	s0 =	sadd.s32 s15, s0  }
0x1d4: {  	[tilespmem:s18], [sflag:$0x7] =	stream.linear.gather [hbm4b:s0+s4], $0x140, $0x38;
	[tilespmem:$0x1FC10] =	vst v63  }
0x1d5: {  	_ =	swait.ge [sflag:s16], $0x1400  }
0x1d6: {  	[sflag:s16] =	ssyncset.done $0x0  }
0x1d7: {  	[sflag:s16] =	ssyncadd.s32 $0xFFFFEC00  }
0x1d8: {  	_ =	swait.ge [sflag:s17], $0x2800  }
0x1d9: {  	[sflag:s17] =	ssyncset.done $0x0  }
0x1da: {  	[sflag:s17] =	ssyncadd.s32 $0xFFFFD800  }
0x1db: {  	_ =	swait.ge [sflag:s24], $0x28  }
0x1dc: {  	[sflag:s24] =	ssyncset.done $0x0  }
0x1dd: {  	[sflag:s24] =	ssyncadd.s32 $0xFFFFFFD8  }
0x1de: {  	_ =	swait.ge [sflag:s24], $0x28  }
0x1df: {  	[sflag:s24] =	ssyncset.done $0x0  }
0x1e0: {  	[sflag:s24] =	ssyncadd.s32 $0xFFFFFFD8  }
0x1e1: {  	_ =	swait.ge [sflag:s24], $0x140  }
0x1e2: {  	[sflag:s24] =	ssyncset.done $0x0  }
.Ltmp6:
0x1e3: {  	[sflag:s24] =	ssyncadd.s32 $0xFFFFFEC0;
	(pc) =	sbr.rel @p0 .LBB2_10-.Ltmp6, $4  }
0x1e4: {  	s23 =	simm.s32 $0xF0;
	s22 =	rddreg [dreg:$0x0]  }
0x1e5: {  	[tilespmem:s23], [sflag:$0x1] =	stream.indirect.gather [hbm4b:s22+s26], $0x80, s12, s26, $0xb8;
	[tilespmem:$0x1FC10] =	vst v63  }
0x1e6: {  	s31 =	simm.s32 $0x28F0;
	s30 =	rddreg [dreg:$0x4]  }
0x1e7: {  	[tilespmem:s31], [sflag:$0x3] =	stream.indirect.gather [hbm4b:s30+s26], $0x100, s4, s26, $0xb8;
	[tilespmem:$0x1FC10] =	vst v63  }
.LBB2_9:
0x1e8: {  	s0 =	simm.s32 $0x6  }
0x1e9: {  	_ =	swait.ge [sflag:s0], $0x1540  }
0x1ea: {  	[sflag:s0] =	ssyncset.done $0x0  }
0x1eb: {  	[sflag:s0] =	ssyncadd.s32 $0xFFFFEAC0  }
.LBB2_10:
0x1ec: {  	s31 =	simm.s32 $0x0  }
.LBB2_11:
0x1ed: {  	s0 =	sshll.u32 s31, $0x8  }
0x1ee: {  	s1 =	sshll.u32 s31, $0x9;
	s0 =	sand.u32 $0x3FFFFF00, s0  }
0x1ef: {  	s22 =	sand.u32 $0x3FFFFE00, s1;
	v0 =	vld [tilespmem:s0+$0x14F0]  }
0x1f0: {  	v1 =	vld [tilespmem:s22+$0x50F0]  }
0x1f1: {  	v3 =	vld [tilespmem:s0+$0x1500]  }
0x1f2: {  	v4 =	vld [tilespmem:s22+$0x5100]  }
0x1f3: {  	v5 =	vld [tilespmem:s0+$0x1510]  }
0x1f4: {  	v7 =	vld [tilespmem:s22+$0x5110]  }
0x1f5: {  	v8 =	vld [tilespmem:s0+$0x1520]  }
0x1f6: {  	v10 =	vld [tilespmem:s22+$0x5120]  }
0x1f7: {  	v12 =	vld [tilespmem:s0+$0x1530]  }
0x1f8: {  	v14 =	vld [tilespmem:s22+$0x5130]  }
0x1f9: {  	v17 =	vld [tilespmem:s0+$0x1540]  }
0x1fa: {  	v18 =	vld [tilespmem:s22+$0x5140]  }
0x1fb: {  	v20 =	vld [tilespmem:s0+$0x1550]  }
0x1fc: {  	s15 =	sshllo.u32 s31, $0x1;
	v22 =	vld [tilespmem:s22+$0x5150]  }
0x1fd: {  	s6 =	sshll.u32 s15, $0x7;
	v25 =	vld [tilespmem:s0+$0x1560]  }
0x1fe: {  	s7 =	sshll.u32 s15, $0x8;
	v26 =	vld [tilespmem:s22+$0x5160];
	s0 =	sand.u32 $0x3FFFFF80, s6  }
0x1ff: {  	s11 =	sand.u32 $0x3FFFFF00, s7;
	v27 =	vld [tilespmem:s0+$0x14F0]  }
0x200: {  	v28 =	vld [tilespmem:s11+$0x50F0]  }
0x201: {  	v29 =	vld [tilespmem:s0+$0x1500]  }
0x202: {  	v31 =	vld [tilespmem:s11+$0x5100]  }
0x203: {  	v33 =	vld [tilespmem:s0+$0x1510]  }
0x204: {  	v34 =	vld [tilespmem:s11+$0x5110]  }
0x205: {  	v35 =	vld [tilespmem:s0+$0x1520]  }
0x206: {  	v36 =	vld [tilespmem:s11+$0x5120]  }
0x207: {  	v38 =	vld [tilespmem:s0+$0x1530]  }
0x208: {  	v40 =	vld [tilespmem:s11+$0x5130]  }
0x209: {  	v42 =	vld [tilespmem:s0+$0x1540]  }
0x20a: {  	v44 =	vld [tilespmem:s11+$0x5140]  }
0x20b: {  	v45 =	vld [tilespmem:s0+$0x1550]  }
0x20c: {  	v46 =	vld [tilespmem:s11+$0x5150]  }
0x20d: {  	s8 =	sshll.u32 s31, $0x4;
	s6 =	sor.u32 $0x1, s31;
	v47 =	vld [tilespmem:s0+$0x1560]  }
0x20e: {  	v48 =	vld [tilespmem:s11+$0x5160];
	s0 =	sand.u32 $0x3FFFFFF0, s8;
	s9 =	sshll.u32 s6, $0x8  }
0x20f: {  	s13 =	sshll.u32 s6, $0x9;
	v2 =	vld [tilespmem:s0+$0x7A30];
	s12 =	sand.u32 $0x3FFFFF00, s9  }
0x210: {  	s2 =	sand.u32 $0x3FFFFE00, s13;
	v49 =	vld [tilespmem:s12+$0x14F0]  }
0x211: {  	v50 =	vld [tilespmem:s2+$0x50F0]  }
0x212: {  	v51 =	vld [tilespmem:s12+$0x1500]  }
0x213: {  	v52 =	vld [tilespmem:s2+$0x5100]  }
0x214: {  	v53 =	vld [tilespmem:s12+$0x1510]  }
0x215: {  	v54 =	vld [tilespmem:s2+$0x5110]  }
0x216: {  	v55 =	vld [tilespmem:s12+$0x1520]  }
0x217: {  	v56 =	vld [tilespmem:s2+$0x5120]  }
0x218: {  	v57 =	vld [tilespmem:s12+$0x1530]  }
0x219: {  	v58 =	vld [tilespmem:s2+$0x5130]  }
0x21a: {  	v59 =	vld [tilespmem:s12+$0x1540]  }
0x21b: {  	v60 =	vld [tilespmem:s2+$0x5140]  }
0x21c: {  	s1 =	sshllo.u32 s6, $0x1;
	v61 =	vld [tilespmem:s12+$0x1550]  }
0x21d: {  	s18 =	sshll.u32 s1, $0x7;
	v62 =	vld [tilespmem:s2+$0x5150]  }
0x21e: {  	v63 =	vld [tilespmem:s12+$0x1560];
	s0 =	sand.u32 $0x3FFFFF80, s18  }
0x21f: {  	v6 =	vld [tilespmem:s0+$0x14F0]  }
0x220: {  	v13 =	vld [tilespmem:s0+$0x1500]  }
0x221: {  	v16 =	vld [tilespmem:s0+$0x1510]  }
0x222: {  	v19 =	vld [tilespmem:s0+$0x1560]  }
0x223: {  	v41 =	vld [tilespmem:s0+$0x1520]  }
0x224: {  	s9 =	sor.u32 $0x2, s31;
	v37 =	vld [tilespmem:s0+$0x1530]  }
0x225: {  	s23 =	sshll.u32 s9, $0x8;
	v30 =	vld [tilespmem:s0+$0x1540]  }
0x226: {  	s3 =	sshll.u32 s1, $0x8;
	v21 =	vld [tilespmem:s0+$0x1550];
	s0 =	sand.u32 $0x3FFFFF00, s23  }
0x227: {  	s13 =	sand.u32 $0x3FFFFF00, s3;
	[tilespmem:$0x1FF00] =	vst v19;
	v19 =	vld [tilespmem:s0+$0x14F0]  }
0x228: {  	v9 =	vld [tilespmem:s13+$0x50F0]  }
0x229: {  	v11 =	vld [tilespmem:s13+$0x5100]  }
0x22a: {  	s30 =	sshll.u32 s9, $0x9;
	v15 =	vld [tilespmem:s13+$0x5110]  }
0x22b: {  	v43 =	vld [tilespmem:s13+$0x5120];
	s30 =	sand.u32 $0x3FFFFE00, s30  }
0x22c: {  	[tilespmem:$0x1FF10] =	vst v19;
	v19 =	vld [tilespmem:s30+$0x50F0]  }
0x22d: {  	v39 =	vld [tilespmem:s13+$0x5130]  }
0x22e: {  	v32 =	vld [tilespmem:s13+$0x5140]  }
0x22f: {  	v23 =	vld [tilespmem:s13+$0x5150]  }
0x230: {  	v24 =	vld [tilespmem:s13+$0x5160]  }
0x231: {  	[tilespmem:$0x1FF20] =	vst v19;
	v19 =	vld [tilespmem:s0+$0x1500]  }
0x232: {  	v1 =	vmul.f32 v1, v0;
	v0 =	vld [tilespmem:s30+$0x5110]  }
0x233: {  	v4 =	vmul.f32 v4, v3;
	v3 =	vld [tilespmem:s0+$0x1520]  }
0x234: {  	v22 =	vmul.f32 v22, v20;
	v20 =	vld [tilespmem:s30+$0x5160];
	(xrf2) =	vadd.scan.msk.f32 $0xffff, v1  }
0x235: {  	[tilespmem:$0x1FF60] =	vst v2;
	v2 =	vld [tilespmem:s2+$0x5160]  }
0x236: {  	[tilespmem:$0x1FF30] =	vst v19;
	v19 =	vld [tilespmem:s30+$0x5100]  }
0x237: {  	v1 =	vmul.f32 v7, v5;
	v7 =	vld [tilespmem:s30+$0x5120]  }
0x238: {  	v5 =	vld [tilespmem:s0+$0x1540]  }
0x239: {  	(xrf2) =	vadd.scan.msk.f32 $0xffff, v4;
	v4 =	vld [tilespmem:s0+$0x1530]  }
0x23a: {  	s18 =	sshllo.u32 s9, $0x1;
	(xrf2) =	vadd.scan.msk.f32 $0xffff, v1;
	v1 =	vmul.f32 v14, v12;
	v12 =	vld [tilespmem:s0+$0x1550]  }
0x23b: {  	s5 =	sshll.u32 s18, $0x7;
	[tilespmem:$0x1FF40] =	vst v19;
	v19 =	vld [tilespmem:s0+$0x1510]  }
0x23c: {  	v26 =	vmul.f32 v26, v25;
	v14 =	vld [tilespmem:s0+$0x1560];
	s0 =	sand.u32 $0x3FFFFF80, s5  }
0x23d: {  	v28 =	vmul.f32 v28, v27;
	v29 =	vmul.f32 v31, v29;
	v25 =	vld [tilespmem:s0+$0x1510]  }
0x23e: {  	v31 =	vmul.f32 v34, v33;
	v33 =	vmul.f32 v36, v35;
	v36, _, _ =	vpop (xrf2);
	v27 =	vld [tilespmem:s0+$0x1520]  }
0x23f: {  	v58 =	vmul.f32 v58, v57;
	v57 =	vbroadcast v36, $0xF;
	v36 =	vld [tilespmem:s0+$0x1550]  }
0x240: {  	[tilespmem:$0x1FF50] =	vst v19;
	v19 =	vmul.f32 v10, v8;
	v8 =	vld [tilespmem:s30+$0x5130]  }
0x241: {  	v10 =	vld [tilespmem:s30+$0x5140]  }
0x242: {  	s7 =	sshll.u32 s18, $0x8;
	(xrf2) =	vadd.scan.msk.f32 $0xffff, v19;
	v19 =	vmul.f32 v18, v17;
	v17 =	vld [tilespmem:s30+$0x5150]  }
0x243: {  	s23 =	sand.u32 $0x3FFFFF00, s7;
	v34 =	vmul.f32 v40, v38;
	v35 =	vmul.f32 v44, v42;
	v40, _, _ =	vpop (xrf2);
	v18 =	vld [tilespmem:s0+$0x14F0];
	(xrf2) =	vadd.scan.msk.f32 $0xffff, v1  }
0x244: {  	v42, _, _ =	vpop (xrf2);
	(xrf2) =	vadd.scan.msk.f32 $0xffff, v19;
	v19 =	vmul.f32 v60, v59;
	v59 =	vbroadcast v40, $0xF;
	v40 =	vld [tilespmem:s23+$0x5150]  }
0x245: {  	v60 =	vbroadcast v42, $0xF;
	v42 =	vld [tilespmem:s0+$0x1560];
	(xrf2) =	vadd.scan.msk.f32 $0xffff, v22  }
0x246: {  	v22 =	vld [tilespmem:s0+$0x1500];
	(xrf2) =	vadd.scan.msk.f32 $0xffff, v26  }
0x247: {  	v26 =	vld [tilespmem:s23+$0x50F0];
	(xrf2) =	vadd.scan.msk.f32 $0xffff, v28  }
0x248: {  	s5 =	sor.u32 $0x3, s31;
	v28 =	vld [tilespmem:s0+$0x1530];
	(xrf2) =	vadd.scan.msk.f32 $0xffff, v29  }
0x249: {  	s8 =	sshll.u32 s5, $0x8;
	s12 =	sshll.u32 s5, $0x9;
	v29 =	vld [tilespmem:s0+$0x1540];
	(xrf2) =	vadd.scan.msk.f32 $0xffff, v31  }
0x24a: {  	s0 =	sand.u32 $0x3FFFFF00, s8;
	s8 =	sand.u32 $0x3FFFFE00, s12;
	v31 =	vld [tilespmem:s23+$0x5100];
	(xrf2) =	vadd.scan.msk.f32 $0xffff, v33  }
0x24b: {  	v38 =	vmul.f32 v46, v45;
	v37 =	vmul.f32 v39, v37;
	v39 =	vld [tilespmem:s8+$0x50F0];
	(xrf2) =	vadd.scan.msk.f32 $0xffff, v34  }
0x24c: {  	v48 =	vmul.f32 v48, v47;
	v30 =	vmul.f32 v32, v30;
	v32 =	vld [tilespmem:s0+$0x1500];
	v44, _, _ =	vpop (xrf2);
	(xrf2) =	vadd.scan.msk.f32 $0xffff, v35  }
0x24d: {  	v50 =	vmul.f32 v50, v49;
	v21 =	vmul.f32 v23, v21;
	v23 =	vld [tilespmem:s8+$0x5100];
	v45, _, _ =	vpop (xrf2);
	(xrf2) =	vadd.scan.msk.f32 $0xffff, v38  }
0x24e: {  	v52 =	vmul.f32 v52, v51;
	v3 =	vmul.f32 v7, v3;
	v7 =	vld [tilespmem:s0+$0x1530];
	v46, _, _ =	vpop (xrf2);
	(xrf2) =	vadd.scan.msk.f32 $0xffff, v48  }
0x24f: {  	v54 =	vmul.f32 v54, v53;
	v4 =	vmul.f32 v8, v4;
	v8 =	vld [tilespmem:s8+$0x5130];
	v47, _, _ =	vpop (xrf2);
	(xrf2) =	vadd.scan.msk.f32 $0xffff, v50  }
0x250: {  	v56 =	vmul.f32 v56, v55;
	v33 =	vld [tilespmem:s23+$0x5110];
	v48, _, _ =	vpop (xrf2);
	(xrf2) =	vadd.scan.msk.f32 $0xffff, v52  }
0x251: {  	v34 =	vld [tilespmem:s23+$0x5120];
	v49, _, _ =	vpop (xrf2);
	(xrf2) =	vadd.scan.msk.f32 $0xffff, v54  }
0x252: {  	v2 =	vmul.f32 v2, v63;
	v35 =	vld [tilespmem:s23+$0x5130];
	v63 =	vbroadcast v45, $0xF;
	v50, _, _ =	vpop (xrf2);
	(xrf2) =	vadd.scan.msk.f32 $0xffff, v56  }
0x253: {  	v38 =	vld [tilespmem:s23+$0x5140];
	v45 =	vbroadcast v46, $0xF;
	v53, _, _ =	vpop (xrf2);
	(xrf2) =	vadd.scan.msk.f32 $0xffff, v58;
	v58 =	vmul.f32 v62, v61  }
0x254: {  	v46 =	vmul.f32 v43, v41;
	v41 =	vld [tilespmem:s0+$0x14F0];
	v61 =	vsel vm0, v57, v59;
	v62 =	vbroadcast v44, $0xF;
	v55, _, _ =	vpop (xrf2);
	(xrf2) =	vadd.scan.msk.f32 $0xffff, v19  }
0x255: {  	v6 =	vmul.f32 v9, v6;
	v56 =	vbroadcast v48, $0xF;
	v48 =	vld [tilespmem:$0x1FF30];
	v1 =	vsel vm1, v61, v60;
	v51, _, _ =	vpop (xrf2);
	(xrf2) =	vadd.scan.msk.f32 $0xffff, v58  }
0x256: {  	v11 =	vmul.f32 v11, v13;
	v59 =	vld [tilespmem:$0x1FF00];
	v1 =	vsel vm2, v1, v62;
	v52, _, _ =	vpop (xrf2);
	(xrf2) =	vadd.scan.msk.f32 $0xffff, v2  }
0x257: {  	v54 =	vbroadcast v47, $0xF;
	v44 =	vmul.f32 v15, v16;
	v61 =	vld [tilespmem:$0x1FF10];
	v1 =	vsel vm3, v1, v63;
	v9, _, _ =	vpop (xrf2);
	(xrf2) =	vadd.scan.msk.f32 $0xffff, v6  }
0x258: {  	v62 =	vld [tilespmem:$0x1FF20];
	v1 =	vsel vm4, v1, v45;
	v2, _, _ =	vpop (xrf2);
	(xrf2) =	vadd.scan.msk.f32 $0xffff, v11  }
0x259: {  	v57 =	vbroadcast v49, $0xF;
	v49 =	vld [tilespmem:$0x1FF40];
	v1 =	vsel vm5, v1, v54;
	v6, _, _ =	vpop (xrf2);
	(xrf2) =	vadd.scan.msk.f32 $0xffff, v44  }
0x25a: {  	v58 =	vbroadcast v50, $0xF;
	v50 =	vbroadcast v51, $0xF;
	v51 =	vld [tilespmem:$0x1FF50];
	v1 =	vsel vm6, v1, v56;
	v11, _, _ =	vpop (xrf2);
	(xrf2) =	vadd.scan.msk.f32 $0xffff, v46  }
0x25b: {  	v43 =	vld [tilespmem:s0+$0x1510];
	v33 =	vmul.f32 v33, v25;
	v60 =	vbroadcast v53, $0xF;
	v1 =	vsel vm7, v1, v57;
	v13, _, _ =	vpop (xrf2);
	(xrf2) =	vadd.scan.msk.f32 $0xffff, v37  }
0x25c: {  	v25 =	vld [tilespmem:s8+$0x5160];
	v63 =	vbroadcast v55, $0xF;
	v24 =	vmul.f32 v24, v59;
	v1 =	vsel vm8, v1, v58;
	v16, _, _ =	vpop (xrf2);
	(xrf2) =	vadd.scan.msk.f32 $0xffff, v30  }
0x25d: {  	v47 =	vld [tilespmem:s8+$0x5120];
	v55 =	vmul.f32 v10, v5;
	v19 =	vmul.f32 v62, v61;
	v1 =	vsel vm9, v1, v60;
	v37, _, _ =	vpop (xrf2);
	(xrf2) =	vadd.scan.msk.f32 $0xffff, v21  }
0x25e: {  	s12 =	sshllo.u32 s5, $0x1;
	v15 =	vld [tilespmem:s23+$0x5160];
	v53 =	vbroadcast v52, $0xF;
	v45 =	vmul.f32 v49, v48;
	v1 =	vsel vm10, v1, v63;
	v30, _, _ =	vpop (xrf2);
	(xrf2) =	vadd.scan.msk.f32 $0xffff, v24  }
0x25f: {  	s7 =	sshll.u32 s12, $0x8;
	v10 =	vld [tilespmem:s0+$0x1540];
	v54 =	vbroadcast v9, $0xF;
	v0 =	vmul.f32 v0, v51;
	v1 =	vsel vm11, v1, v50;
	v21, _, _ =	vpop (xrf2);
	(xrf2) =	vadd.scan.msk.f32 $0xffff, v19  }
0x260: {  	s7 =	sand.u32 $0x3FFFFF00, s7;
	v61 =	vld [tilespmem:$0x1FF60];
	v1 =	vsel vm12, v1, v53;
	v24, _, _ =	vpop (xrf2);
	(xrf2) =	vadd.scan.msk.f32 $0xffff, v45  }
0x261: {  	v49 =	vmul.f32 v35, v28;
	v28 =	vld [tilespmem:s7+$0x50F0];
	v19, _, _ =	vpop (xrf2);
	(xrf2) =	vadd.scan.msk.f32 $0xffff, v0;
	v0 =	vsel vm13, v1, v54  }
0x262: {  	v23 =	vmul.f32 v23, v32;
	v7 =	vmul.f32 v8, v7;
	v44 =	vld [tilespmem:s8+$0x5110];
	v9, _, _ =	vpop (xrf2);
	(xrf2) =	vadd.scan.msk.f32 $0xffff, v3;
	v0 =	vsel vm14, v0, v2  }
0x263: {  	v56 =	vmul.f32 v17, v12;
	v12 =	vld [tilespmem:s8+$0x5140];
	v57 =	vbroadcast v6, $0xF;
	v1, _, _ =	vpop (xrf2);
	(xrf2) =	vadd.scan.msk.f32 $0xffff, v4  }
0x264: {  	v17 =	vld [tilespmem:s0+$0x1550];
	v58 =	vmul.f32 v20, v14;
	v59 =	vbroadcast v11, $0xF;
	v14, _, _ =	vpop (xrf2);
	(xrf2) =	vadd.scan.msk.f32 $0xffff, v55  }
0x265: {  	v46 =	vld [tilespmem:s0+$0x1520];
	v60 =	vmul.f32 v26, v18;
	v62 =	vbroadcast v13, $0xF;
	v2 =	vadd.f32 v0, v61;
	v0, _, _ =	vpop (xrf2);
	(xrf2) =	vadd.scan.msk.f32 $0xffff, v56  }
0x266: {  	s3 =	sshll.u32 s12, $0x7;
	v20 =	vld [tilespmem:s0+$0x1560];
	v63 =	vmul.f32 v31, v22;
	v31 =	vbroadcast v16, $0xF;
	v3 =	vsel vm0, v57, v59;
	v4, _, _ =	vpop (xrf2);
	(xrf2) =	vadd.scan.msk.f32 $0xffff, v58  }
0x267: {  	v52 =	vmul.f32 v38, v29;
	s0 =	sand.u32 $0x3FFFFF80, s3;
	v18 =	vld [tilespmem:s8+$0x5150];
	v37 =	vbroadcast v37, $0xF;
	v3 =	vsel vm1, v3, v62;
	v5, _, _ =	vpop (xrf2);
	(xrf2) =	vadd.scan.msk.f32 $0xffff, v60  }
0x268: {  	v29 =	vld [tilespmem:s0+$0x1500];
	v48 =	vbroadcast v30, $0xF;
	v45 =	vmul.f32 v34, v27;
	v3 =	vsel vm2, v3, v31;
	v6, _, _ =	vpop (xrf2);
	(xrf2) =	vadd.scan.msk.f32 $0xffff, v63  }
0x269: {  	v27 =	vld [tilespmem:s0+$0x14F0];
	v51 =	vbroadcast v21, $0xF;
	v54 =	vbroadcast v24, $0xF;
	v3 =	vsel vm3, v3, v37;
	v50, _, _ =	vpop (xrf2);
	(xrf2) =	vadd.scan.msk.f32 $0xffff, v33  }
0x26a: {  	v19 =	vbroadcast v19, $0xF;
	v57 =	vld [tilespmem:s7+$0x5100];
	v9 =	vbroadcast v9, $0xF;
	v3 =	vsel vm4, v3, v48;
	v53, _, _ =	vpop (xrf2);
	(xrf2) =	vadd.scan.msk.f32 $0xffff, v45  }
0x26b: {  	v59 =	vmul.f32 v39, v41;
	v39 =	vld [tilespmem:s7+$0x5120];
	v55 =	vmul.f32 v40, v36;
	v3 =	vsel vm5, v3, v51;
	v56, _, _ =	vpop (xrf2);
	(xrf2) =	vadd.scan.msk.f32 $0xffff, v49  }
0x26c: {  	v15 =	vmul.f32 v15, v42;
	v10 =	vmul.f32 v12, v10;
	v41 =	vld [tilespmem:s0+$0x1530];
	v3 =	vsel vm6, v3, v54;
	v58, _, _ =	vpop (xrf2);
	(xrf2) =	vadd.scan.msk.f32 $0xffff, v52  }
0x26d: {  	v38 =	vmul.f32 v47, v46;
	v62 =	vld [tilespmem:s7+$0x5110];
	v1 =	vbroadcast v1, $0xF;
	v3 =	vsel vm7, v3, v19;
	v61, _, _ =	vpop (xrf2);
	(xrf2) =	vadd.scan.msk.f32 $0xffff, v55  }
0x26e: {  	v36 =	vld [tilespmem:s0+$0x1520];
	v14 =	vbroadcast v14, $0xF;
	v0 =	vbroadcast v0, $0xF;
	v3 =	vsel vm8, v3, v9;
	v9, _, _ =	vpop (xrf2);
	(xrf2) =	vadd.scan.msk.f32 $0xffff, v15  }
0x26f: {  	v60 =	vld [tilespmem:s0+$0x1510];
	v4 =	vbroadcast v4, $0xF;
	v63 =	vmul.f32 v44, v43;
	v37, _, _ =	vpop (xrf2);
	(xrf2) =	vadd.scan.msk.f32 $0xffff, v59  }
0x270: {  	v57 =	vmul.f32 v57, v29;
	v5 =	vbroadcast v5, $0xF;
	v43 =	vld [tilespmem:s7+$0x5130];
	v40, _, _ =	vpop (xrf2);
	(xrf2) =	vadd.scan.msk.f32 $0xffff, v23  }
0x271: {  	v11 =	vbroadcast v50, $0xF;
	v45 =	vmul.f32 v18, v17;
	v42, _, _ =	vpop (xrf2);
	(xrf2) =	vadd.scan.msk.f32 $0xffff, v63  }
0x272: {  	v46 =	vld [tilespmem:s0+$0x1540];
	v48 =	vbroadcast v53, $0xF;
	v49 =	vmul.f32 v25, v20;
	v44, _, _ =	vpop (xrf2);
	(xrf2) =	vadd.scan.msk.f32 $0xffff, v38  }
0x273: {  	v50 =	vld [tilespmem:s7+$0x5140];
	v1 =	vsel vm9, v3, v1;
	v53 =	vmul.f32 v28, v27;
	v52 =	vbroadcast v56, $0xF;
	v47, _, _ =	vpop (xrf2);
	(xrf2) =	vadd.scan.msk.f32 $0xffff, v7  }
0x274: {  	v54 =	vld [tilespmem:s0+$0x1550];
	v1 =	vsel vm10, v1, v14;
	v60 =	vmul.f32 v62, v60;
	v62 =	vmul.f32 v39, v36;
	v51, _, _ =	vpop (xrf2);
	(xrf2) =	vadd.scan.msk.f32 $0xffff, v10  }
0x275: {  	v0 =	vsel vm11, v1, v0;
	v56 =	vbroadcast v58, $0xF;
	v58 =	vld [tilespmem:s7+$0x5150];
	v8 =	vmul.f32 v43, v41;
	v55, _, _ =	vpop (xrf2);
	(xrf2) =	vadd.scan.msk.f32 $0xffff, v45  }
0x276: {  	v0 =	vsel vm12, v0, v4;
	v19 =	vbroadcast v61, $0xF;
	v7 =	vsel vm0, v11, v48;
	v59, _, _ =	vpop (xrf2);
	(xrf2) =	vadd.scan.msk.f32 $0xffff, v49  }
0x277: {  	v0 =	vsel vm13, v0, v5;
	v9 =	vbroadcast v9, $0xF;
	v7 =	vsel vm1, v7, v52;
	v61, _, _ =	vpop (xrf2);
	(xrf2) =	vadd.scan.msk.f32 $0xffff, v53  }
0x278: {  	v27 =	vld [tilespmem:s7+$0x5160];
	v26 =	vmul.f32 v50, v46;
	v0 =	vsel vm14, v0, v6;
	v7 =	vsel vm2, v7, v56;
	v63, _, _ =	vpop (xrf2);
	(xrf2) =	vadd.scan.msk.f32 $0xffff, v57  }
0x279: {  	v3 =	vbroadcast v37, $0xF;
	v23 =	vld [tilespmem:s0+$0x1560];
	v25 =	vbroadcast v40, $0xF;
	v7 =	vsel vm3, v7, v19;
	v24, _, _ =	vpop (xrf2);
	(xrf2) =	vadd.scan.msk.f32 $0xffff, v60  }
0x27a: {  	v29 =	vmul.f32 v58, v54;
	v1 =	vbroadcast v42, $0xF;
	v7 =	vsel vm4, v7, v9;
	v28, _, _ =	vpop (xrf2);
	(xrf2) =	vadd.scan.msk.f32 $0xffff, v62  }
0x27b: {  	v3 =	vsel vm5, v7, v3;
	v31 =	vbroadcast v24, $0xF;
	v30, _, _ =	vpop (xrf2);
	(xrf2) =	vadd.scan.msk.f32 $0xffff, v8;
	v7 =	vbroadcast v28, $0xF  }
0x27c: {  	v4 =	vbroadcast v44, $0xF;
	v3 =	vsel vm6, v3, v25;
	v32, _, _ =	vpop (xrf2);
	(xrf2) =	vadd.scan.msk.f32 $0xffff, v26;
	v33 =	vbroadcast v30, $0xF  }
0x27d: {  	v1 =	vsel vm7, v3, v1;
	v7 =	vsel vm0, v31, v7;
	v3 =	vbroadcast v32, $0xF;
	v34, _, _ =	vpop (xrf2);
	(xrf2) =	vadd.scan.msk.f32 $0xffff, v29  }
0x27e: {  	v36 =	vmul.f32 v27, v23;
	v35, _, _ =	vpop (xrf2);
	v7 =	vsel vm1, v7, v33;
	v8 =	vbroadcast v34, $0xF  }
0x27f: {  	v5 =	vbroadcast v47, $0xF;
	v37, _, _ =	vpop (xrf2);
	v3 =	vsel vm2, v7, v3;
	v38 =	vbroadcast v35, $0xF  }
0x280: {  	v6 =	vbroadcast v51, $0xF;
	(xrf2) =	vadd.scan.msk.f32 $0xffff, v36;
	v3 =	vsel vm3, v3, v8;
	v39 =	vbroadcast v37, $0xF;
	v40, _, _ =	vpop (xrf2)  }
0x281: {  	v44 =	vbroadcast v55, $0xF;
	v41, _, _ =	vpop (xrf2);
	v3 =	vsel vm4, v3, v38;
	v42 =	vbroadcast v40, $0xF  }
0x282: {  	v52 =	vbroadcast v59, $0xF;
	v43, _, _ =	vpop (xrf2);
	v3 =	vsel vm5, v3, v39;
	v45 =	vbroadcast v41, $0xF  }
0x283: {  	s3 =	sshll.u32 s6, $0x4;
	v56 =	vbroadcast v61, $0xF;
	v46, _, _ =	vpop (xrf2);
	v3 =	vsel vm6, v3, v42;
	v47 =	vbroadcast v43, $0xF  }
0x284: {  	s0 =	sand.u32 $0x3FFFFFF0, s3;
	s3 =	sshll.u32 s9, $0x4;
	v1 =	vsel vm8, v1, v4;
	v48, _, _ =	vpop (xrf2);
	v3 =	vsel vm7, v3, v45;
	v49 =	vbroadcast v46, $0xF  }
0x285: {  	v51 =	vld [tilespmem:s0+$0x7A30];
	s0 =	sand.u32 $0x3FFFFFF0, s3;
	s3 =	sshll.u32 s5, $0x4;
	v1 =	vsel vm9, v1, v5;
	v50, _, _ =	vpop (xrf2);
	v3 =	vsel vm8, v3, v47;
	v53 =	vbroadcast v48, $0xF  }
0x286: {  	v55 =	vld [tilespmem:s0+$0x7A30];
	s3 =	sand.u32 $0x3FFFFFF0, s3;
	v1 =	vsel vm10, v1, v6;
	v54, _, _ =	vpop (xrf2);
	v3 =	vsel vm9, v3, v49;
	v57 =	vbroadcast v50, $0xF  }
0x287: {  	v60 =	vld [tilespmem:s3+$0x7A30];
	v1 =	vsel vm11, v1, v44;
	v58, _, _ =	vpop (xrf2);
	v3 =	vsel vm10, v3, v53;
	v59 =	vbroadcast v54, $0xF  }
0x288: {  	v1 =	vsel vm12, v1, v52;
	v3 =	vsel vm11, v3, v57;
	v61 =	vbroadcast v58, $0xF  }
0x289: {  	v2 =	vmul.f32 $1.442695020e+00, v2;
	v1 =	vsel vm13, v1, v56;
	v3 =	vsel vm12, v3, v59  }
0x28a: {  	v0 =	vadd.f32 v0, v51;
	v1 =	vsel vm14, v1, v63;
	v63, _, _ =	vpop (xrf2);
	v3 =	vsel vm13, v3, v61  }
0x28b: {  	(erf) = vpow2.f32 v2;
	s3 =	sshll.u32 s31, $0x1;
	v1 =	vadd.f32 v1, v55;
	v3 =	vsel vm14, v3, v63  }
0x28c: {  	v62 =	vmov s3;
	s3 =	sshll.u32 s6, $0x1;
	v0 =	vmul.f32 $1.442695020e+00, v0;
	v8 =	vadd.f32 v3, v60  }
0x28d: {  	v4 =	vmul.u32 $0x88, v62;
	v11 =	vmov s3;
	s3 =	sshll.u32 s9, $0x1;
	v7 =	vld [tilespmem:$0x1FFF0];
	v1 =	vmul.f32 $1.442695020e+00, v1  }
0x28e: {  	v12 =	vmov s3;
	(erf) = vpow2.f32 v0;
	v2 =	vmul.f32 $1.442695020e+00, v8  }
0x28f: {  	s3 =	sshll.u32 s5, $0x1;
	v9 =	vbroadcast v4, $0x0;
	v0 =	vmul.u32 $0x88, v11;
	(erf) = vpow2.f32 v1  }
0x290: {  	v13 =	vmov s3;
	v1 =	vmul.u32 $0x88, v12;
	(erf) = vpow2.f32 v2  }
0x291: {  	v0 =	vbroadcast v0, $0x0;
	v2 =	vmul.u32 $0x88, v13  }
0x292: {  	v1 =	vbroadcast v1, $0x0;
	v3 =	vadd.s32 v7, v9  }
0x293: {  	v0 =	vadd.s32 v7, v0;
	v2 =	vbroadcast v2, $0x0  }
0x294: {  	v1 =	vadd.s32 v7, v1  }
0x295: {  	v14 =	vadd.s32 v7, v2  }
0x296: {  	v4 =	vpop (erf)  }
0x297: {  	[tilespmem:v3+s25+$0x0] =	vst.idx.msk $0xffff, v4;
	v2 =	vpop (erf)  }
0x298: {  	v15 =	vld [tilespmem:s22+$0x5170];
	v3 =	vpop (erf);
	[tilespmem:v0+s25+$0x0] =	vst.idx.msk $0xffff, v2  }
0x299: {  	v0 =	vld [tilespmem:s2+$0x5170];
	[tilespmem:v1+s25+$0x0] =	vst.idx.msk $0xffff, v3;
	v5 =	vpop (erf)  }
0x29a: {  	v1 =	vld [tilespmem:s30+$0x5170];
	[tilespmem:v14+s25+$0x0] =	vst.idx.msk $0xffff, v5  }
0x29b: {  	v16 =	vbroadcast v4, $0x0;
	v17 =	vld [tilespmem:s8+$0x5170]  }
0x29c: {  	s0 =	smul.u32 $0x440, s31;
	v18 =	vbroadcast v2, $0x0  }
0x29d: {  	s3 =	smul.u32 $0x440, s6;
	v6 =	vmul.f32 v16, v15;
	v19 =	vbroadcast v3, $0x0  }
0x29e: {  	s6 =	sshra.s32 s0, $0x2;
	s0 =	smul.u32 $0x440, s9;
	v20 =	vbroadcast v5, $0x0;
	v0 =	vmul.f32 v18, v0  }
0x29f: {  	s5 =	smul.u32 $0x440, s5;
	s9 =	sshra.s32 s3, $0x2;
	[tilespmem:s6+$0x90B0] =	vst v6;
	v1 =	vmul.f32 v19, v1  }
0x2a0: {  	s0 =	sshra.s32 s0, $0x2;
	v6 =	vld [tilespmem:s22+$0x5180];
	[tilespmem:s9+$0x90B0] =	vst v0;
	v21 =	vmul.f32 v20, v17  }
0x2a1: {  	s3 =	sshra.s32 s5, $0x2;
	v22 =	vld [tilespmem:s2+$0x5180];
	[tilespmem:s0+$0x90B0] =	vst v1  }
0x2a2: {  	v1 =	vld [tilespmem:s30+$0x5180];
	[tilespmem:s3+$0x90B0] =	vst v21  }
0x2a3: {  	v23 =	vbroadcast v4, $0x1;
	v24 =	vld [tilespmem:s8+$0x5180]  }
0x2a4: {  	v25 =	vbroadcast v2, $0x1  }
0x2a5: {  	v26 =	vbroadcast v3, $0x1;
	v0 =	vmul.f32 v23, v6  }
0x2a6: {  	v27 =	vbroadcast v5, $0x1;
	v7 =	vmul.f32 v25, v22  }
0x2a7: {  	[tilespmem:s6+$0x90C0] =	vst v0;
	v28 =	vmul.f32 v26, v1  }
0x2a8: {  	v29 =	vld [tilespmem:s22+$0x5190];
	[tilespmem:s9+$0x90C0] =	vst v7;
	v30 =	vmul.f32 v27, v24  }
0x2a9: {  	v7 =	vld [tilespmem:s2+$0x5190];
	[tilespmem:s0+$0x90C0] =	vst v28  }
0x2aa: {  	v0 =	vld [tilespmem:s30+$0x5190];
	[tilespmem:s3+$0x90C0] =	vst v30  }
0x2ab: {  	v31 =	vbroadcast v4, $0x2;
	v32 =	vld [tilespmem:s8+$0x5190]  }
0x2ac: {  	v33 =	vbroadcast v2, $0x2  }
0x2ad: {  	v34 =	vbroadcast v3, $0x2;
	v1 =	vmul.f32 v31, v29  }
0x2ae: {  	v35 =	vbroadcast v5, $0x2;
	v7 =	vmul.f32 v33, v7  }
0x2af: {  	[tilespmem:s6+$0x90D0] =	vst v1;
	v0 =	vmul.f32 v34, v0  }
0x2b0: {  	v1 =	vld [tilespmem:s22+$0x51A0];
	[tilespmem:s9+$0x90D0] =	vst v7;
	v36 =	vmul.f32 v35, v32  }
0x2b1: {  	v7 =	vld [tilespmem:s2+$0x51A0];
	[tilespmem:s0+$0x90D0] =	vst v0  }
0x2b2: {  	v0 =	vld [tilespmem:s30+$0x51A0];
	[tilespmem:s3+$0x90D0] =	vst v36  }
0x2b3: {  	v37 =	vbroadcast v4, $0x3;
	v38 =	vld [tilespmem:s8+$0x51A0]  }
0x2b4: {  	v39 =	vbroadcast v2, $0x3  }
0x2b5: {  	v40 =	vbroadcast v3, $0x3;
	v1 =	vmul.f32 v1, v37  }
0x2b6: {  	v41 =	vbroadcast v5, $0x3;
	v7 =	vmul.f32 v7, v39  }
0x2b7: {  	[tilespmem:s6+$0x90E0] =	vst v1;
	v0 =	vmul.f32 v0, v40  }
0x2b8: {  	v1 =	vld [tilespmem:s22+$0x51B0];
	[tilespmem:s9+$0x90E0] =	vst v7;
	v42 =	vmul.f32 v38, v41  }
0x2b9: {  	v7 =	vld [tilespmem:s2+$0x51B0];
	[tilespmem:s0+$0x90E0] =	vst v0  }
0x2ba: {  	v0 =	vld [tilespmem:s30+$0x51B0];
	[tilespmem:s3+$0x90E0] =	vst v42  }
0x2bb: {  	v43 =	vbroadcast v4, $0x4;
	v44 =	vld [tilespmem:s8+$0x51B0]  }
0x2bc: {  	v45 =	vbroadcast v2, $0x4  }
0x2bd: {  	v46 =	vbroadcast v3, $0x4;
	v1 =	vmul.f32 v1, v43  }
0x2be: {  	v47 =	vbroadcast v5, $0x4;
	v7 =	vmul.f32 v7, v45  }
0x2bf: {  	[tilespmem:s6+$0x90F0] =	vst v1;
	v0 =	vmul.f32 v0, v46  }
0x2c0: {  	v1 =	vld [tilespmem:s22+$0x51C0];
	[tilespmem:s9+$0x90F0] =	vst v7;
	v48 =	vmul.f32 v44, v47  }
0x2c1: {  	v7 =	vld [tilespmem:s2+$0x51C0];
	[tilespmem:s0+$0x90F0] =	vst v0  }
0x2c2: {  	v0 =	vld [tilespmem:s30+$0x51C0];
	[tilespmem:s3+$0x90F0] =	vst v48  }
0x2c3: {  	v49 =	vbroadcast v4, $0x5;
	v50 =	vld [tilespmem:s8+$0x51C0]  }
0x2c4: {  	v51 =	vbroadcast v2, $0x5  }
0x2c5: {  	v52 =	vbroadcast v3, $0x5;
	v1 =	vmul.f32 v1, v49  }
0x2c6: {  	v53 =	vbroadcast v5, $0x5;
	v7 =	vmul.f32 v7, v51  }
0x2c7: {  	[tilespmem:s6+$0x9100] =	vst v1;
	v0 =	vmul.f32 v0, v52  }
0x2c8: {  	v1 =	vld [tilespmem:s22+$0x51D0];
	[tilespmem:s9+$0x9100] =	vst v7;
	v54 =	vmul.f32 v50, v53  }
0x2c9: {  	v7 =	vld [tilespmem:s2+$0x51D0];
	[tilespmem:s0+$0x9100] =	vst v0  }
0x2ca: {  	v0 =	vld [tilespmem:s30+$0x51D0];
	[tilespmem:s3+$0x9100] =	vst v54  }
0x2cb: {  	v55 =	vbroadcast v4, $0x6;
	v56 =	vld [tilespmem:s8+$0x51D0]  }
0x2cc: {  	v57 =	vbroadcast v2, $0x6  }
0x2cd: {  	v58 =	vbroadcast v3, $0x6;
	v1 =	vmul.f32 v1, v55  }
0x2ce: {  	v59 =	vbroadcast v5, $0x6;
	v7 =	vmul.f32 v7, v57  }
0x2cf: {  	[tilespmem:s6+$0x9110] =	vst v1;
	v0 =	vmul.f32 v0, v58  }
0x2d0: {  	v1 =	vld [tilespmem:s22+$0x51E0];
	[tilespmem:s9+$0x9110] =	vst v7;
	v60 =	vmul.f32 v56, v59  }
0x2d1: {  	v7 =	vld [tilespmem:s2+$0x51E0];
	[tilespmem:s0+$0x9110] =	vst v0  }
0x2d2: {  	v0 =	vld [tilespmem:s30+$0x51E0];
	[tilespmem:s3+$0x9110] =	vst v60  }
0x2d3: {  	v61 =	vbroadcast v4, $0x7;
	v6 =	vld [tilespmem:s8+$0x51E0]  }
0x2d4: {  	v62 =	vbroadcast v2, $0x7  }
0x2d5: {  	v63 =	vbroadcast v3, $0x7;
	v1 =	vmul.f32 v1, v61  }
0x2d6: {  	v12 =	vbroadcast v5, $0x7;
	v7 =	vmul.f32 v7, v62  }
0x2d7: {  	[tilespmem:s6+$0x9120] =	vst v1;
	v0 =	vmul.f32 v0, v63  }
0x2d8: {  	v1 =	vld [tilespmem:s11+$0x5170];
	[tilespmem:s9+$0x9120] =	vst v7;
	v6 =	vmul.f32 v6, v12  }
0x2d9: {  	[tilespmem:s0+$0x9120] =	vst v0;
	v13 =	vld [tilespmem:s13+$0x5170]  }
0x2da: {  	v14 =	vld [tilespmem:s23+$0x5170];
	[tilespmem:s3+$0x9120] =	vst v6  }
0x2db: {  	v15 =	vbroadcast v4, $0x8;
	v16 =	vld [tilespmem:s7+$0x5170]  }
0x2dc: {  	s5 =	smul.u32 $0x220, s15;
	v17 =	vbroadcast v2, $0x8  }
0x2dd: {  	v18 =	vbroadcast v3, $0x8;
	s6 =	smul.u32 $0x220, s1;
	v1 =	vmul.f32 v1, v15  }
0x2de: {  	v19 =	vbroadcast v5, $0x8;
	s8 =	sshra.s32 s5, $0x2;
	s9 =	smul.u32 $0x220, s18;
	v0 =	vmul.f32 v13, v17  }
0x2df: {  	s15 =	smul.u32 $0x220, s12;
	s2 =	sshra.s32 s6, $0x2;
	[tilespmem:s8+$0x90B0] =	vst v1;
	v20 =	vmul.f32 v14, v18  }
0x2e0: {  	s18 =	sshra.s32 s9, $0x2;
	v21 =	vld [tilespmem:s11+$0x5180];
	[tilespmem:s2+$0x90B0] =	vst v0;
	v22 =	vmul.f32 v16, v19  }
0x2e1: {  	s22 =	sshra.s32 s15, $0x2;
	v23 =	vld [tilespmem:s13+$0x5180];
	[tilespmem:s18+$0x90B0] =	vst v20  }
0x2e2: {  	v1 =	vld [tilespmem:s23+$0x5180];
	[tilespmem:s22+$0x90B0] =	vst v22  }
0x2e3: {  	v24 =	vbroadcast v4, $0x9;
	v25 =	vld [tilespmem:s7+$0x5180]  }
0x2e4: {  	v26 =	vbroadcast v2, $0x9  }
0x2e5: {  	v27 =	vbroadcast v3, $0x9;
	v0 =	vmul.f32 v21, v24  }
0x2e6: {  	v28 =	vbroadcast v5, $0x9;
	v7 =	vmul.f32 v23, v26  }
0x2e7: {  	[tilespmem:s8+$0x90C0] =	vst v0;
	v29 =	vmul.f32 v1, v27  }
0x2e8: {  	v30 =	vld [tilespmem:s11+$0x5190];
	[tilespmem:s2+$0x90C0] =	vst v7;
	v31 =	vmul.f32 v25, v28  }
0x2e9: {  	v7 =	vld [tilespmem:s13+$0x5190];
	[tilespmem:s18+$0x90C0] =	vst v29  }
0x2ea: {  	v0 =	vld [tilespmem:s23+$0x5190];
	[tilespmem:s22+$0x90C0] =	vst v31  }
0x2eb: {  	v32 =	vbroadcast v4, $0xA;
	v33 =	vld [tilespmem:s7+$0x5190]  }
0x2ec: {  	v34 =	vbroadcast v2, $0xA  }
0x2ed: {  	v35 =	vbroadcast v3, $0xA;
	v1 =	vmul.f32 v30, v32  }
0x2ee: {  	v36 =	vbroadcast v5, $0xA;
	v7 =	vmul.f32 v7, v34  }
0x2ef: {  	[tilespmem:s8+$0x90D0] =	vst v1;
	v0 =	vmul.f32 v0, v35  }
0x2f0: {  	v1 =	vld [tilespmem:s11+$0x51A0];
	[tilespmem:s2+$0x90D0] =	vst v7;
	v37 =	vmul.f32 v33, v36  }
0x2f1: {  	v7 =	vld [tilespmem:s13+$0x51A0];
	[tilespmem:s18+$0x90D0] =	vst v0  }
0x2f2: {  	v0 =	vld [tilespmem:s23+$0x51A0];
	[tilespmem:s22+$0x90D0] =	vst v37  }
0x2f3: {  	v38 =	vbroadcast v4, $0xB;
	v39 =	vld [tilespmem:s7+$0x51A0]  }
0x2f4: {  	v40 =	vbroadcast v2, $0xB  }
0x2f5: {  	v41 =	vbroadcast v3, $0xB;
	v1 =	vmul.f32 v1, v38  }
0x2f6: {  	v42 =	vbroadcast v5, $0xB;
	v7 =	vmul.f32 v7, v40  }
0x2f7: {  	[tilespmem:s8+$0x90E0] =	vst v1;
	v0 =	vmul.f32 v0, v41  }
0x2f8: {  	v1 =	vld [tilespmem:s11+$0x51B0];
	[tilespmem:s2+$0x90E0] =	vst v7;
	v43 =	vmul.f32 v39, v42  }
0x2f9: {  	v7 =	vld [tilespmem:s13+$0x51B0];
	[tilespmem:s18+$0x90E0] =	vst v0  }
0x2fa: {  	v0 =	vld [tilespmem:s23+$0x51B0];
	[tilespmem:s22+$0x90E0] =	vst v43  }
0x2fb: {  	v44 =	vbroadcast v4, $0xC;
	v45 =	vld [tilespmem:s7+$0x51B0]  }
0x2fc: {  	v46 =	vbroadcast v2, $0xC  }
0x2fd: {  	v47 =	vbroadcast v3, $0xC;
	v1 =	vmul.f32 v1, v44  }
0x2fe: {  	v48 =	vbroadcast v5, $0xC;
	v7 =	vmul.f32 v7, v46  }
0x2ff: {  	[tilespmem:s8+$0x90F0] =	vst v1;
	v0 =	vmul.f32 v0, v47  }
0x300: {  	v1 =	vld [tilespmem:s11+$0x51C0];
	[tilespmem:s2+$0x90F0] =	vst v7;
	v49 =	vmul.f32 v45, v48  }
0x301: {  	v7 =	vld [tilespmem:s13+$0x51C0];
	[tilespmem:s18+$0x90F0] =	vst v0  }
0x302: {  	v0 =	vld [tilespmem:s23+$0x51C0];
	[tilespmem:s22+$0x90F0] =	vst v49  }
0x303: {  	v50 =	vbroadcast v4, $0xD;
	v51 =	vld [tilespmem:s7+$0x51C0]  }
0x304: {  	v52 =	vbroadcast v2, $0xD  }
0x305: {  	v53 =	vbroadcast v3, $0xD;
	v1 =	vmul.f32 v1, v50  }
0x306: {  	v54 =	vbroadcast v5, $0xD;
	v7 =	vmul.f32 v7, v52  }
0x307: {  	[tilespmem:s8+$0x9100] =	vst v1;
	v0 =	vmul.f32 v0, v53  }
0x308: {  	v1 =	vld [tilespmem:s11+$0x51D0];
	[tilespmem:s2+$0x9100] =	vst v7;
	v55 =	vmul.f32 v51, v54  }
0x309: {  	v7 =	vld [tilespmem:s13+$0x51D0];
	[tilespmem:s18+$0x9100] =	vst v0  }
0x30a: {  	v0 =	vld [tilespmem:s23+$0x51D0];
	[tilespmem:s22+$0x9100] =	vst v55  }
0x30b: {  	v56 =	vbroadcast v4, $0xE;
	v57 =	vld [tilespmem:s7+$0x51D0]  }
0x30c: {  	v58 =	vbroadcast v2, $0xE  }
0x30d: {  	v59 =	vbroadcast v3, $0xE;
	v1 =	vmul.f32 v1, v56  }
0x30e: {  	v60 =	vbroadcast v5, $0xE;
	v7 =	vmul.f32 v7, v58  }
0x30f: {  	[tilespmem:s8+$0x9110] =	vst v1;
	v0 =	vmul.f32 v0, v59  }
0x310: {  	v1 =	vld [tilespmem:s11+$0x51E0];
	[tilespmem:s2+$0x9110] =	vst v7;
	v61 =	vmul.f32 v57, v60  }
0x311: {  	v7 =	vld [tilespmem:s13+$0x51E0];
	[tilespmem:s18+$0x9110] =	vst v0  }
0x312: {  	v0 =	vld [tilespmem:s23+$0x51E0];
	[tilespmem:s22+$0x9110] =	vst v61  }
0x313: {  	v4 =	vbroadcast v4, $0xF;
	v6 =	vld [tilespmem:s7+$0x51E0]  }
0x314: {  	v2 =	vbroadcast v2, $0xF  }
0x315: {  	p0 =	slt.u32 s31, $0x10;
	v3 =	vbroadcast v3, $0xF;
	v1 =	vmul.f32 v1, v4  }
.Ltmp7:
0x316: {  	v62 =	vbroadcast v5, $0xF;
	v2 =	vmul.f32 v7, v2;
	(pc) =	sbr.rel @p0 .LBB2_11-.Ltmp7, $4  }
0x317: {  	[tilespmem:s8+$0x9120] =	vst v1;
	v0 =	vmul.f32 v0, v3  }
0x318: {  	[tilespmem:s2+$0x9120] =	vst v2;
	v63 =	vmul.f32 v6, v62  }
0x319: {  	s30 =	sadd.s32 $0x4, s31;
	[tilespmem:s18+$0x9120] =	vst v0  }
0x31a: {  	s31 =	smov.u32 s30;
	[tilespmem:s22+$0x9120] =	vst v63  }
0x31b: {  	v0 =	vld [tilespmem:$0x78]  }
0x31c: {  	v1 =	vld [tilespmem:$0x88]  }
0x31d: {  	v2 =	vld [tilespmem:$0x90]  }
0x31e: {  	p0 =	seq.s32 s28, $0x7C  }
.Ltmp8:
0x31f: {  	_ = 	snop;
	(pc) =	sbr.rel @p0 .LBB2_14-.Ltmp8, $4  }
0x320: {  	[tilespmem:$0xC8] =	vst v0  }
0x321: {  	[tilespmem:$0xD8] =	vst v1  }
0x322: {  	s0 =	rddreg [dreg:$0x2];
	s1 =	simm.s32 $0xC8;
	[tilespmem:$0xE0] =	vst v2  }
0x323: {  	[spmem:s0] =	stream.indirect.scatter.add.f32 [tilespmem:s25], [sflag:$0x6], $0x88, s1, s26, $0xb8;
	[tilespmem:$0x1FC10] =	vst v63  }
0x324: {  	s0 =	sadd.s32 $0x3, s29  }
0x325: {  	s1 =	smul.u32 $0x28, s0  }
0x326: {  	s2 =	rddreg [dreg:$0x7]  }
0x327: {  	s22 =	rddreg [dreg:$0x6];
	s0 =	smul.u32 $0x14, s0;
	s1 =	sadd.s32 s2, s1  }
0x328: {  	s29 =	rddreg [dreg:$0xb];
	s1 =	sshrl.u32 s1, $0x3  }
0x329: {  	s23 =	rddreg [dreg:$0x8];
	s0 =	sadd.s32 s29, s0;
	s2 =	sadd.s32 s22, s1  }
0x32a: {  	[tilespmem:s26], [sflag:$0x8] =	stream.linear.gather [hbm4b:s2+s4], $0x28, $0x38;
	[tilespmem:$0x1FC10] =	vst v63  }
.Ltmp9:
0x32b: {  	s3 =	simm.s32 $0x78;
	s0 =	sshll.u32 s0, $0x1;
	(pc) =	sbr.rel .LBB2_4-.Ltmp9, $4  }
0x32c: {  	s30 =	rddreg [dreg:$0x5];
	s1 =	sadd.s32 s23, s1;
	s0 =	sand.u32 $0x1FFFFFF8, s0  }
0x32d: {  	[tilespmem:s3], [sflag:$0x8] =	stream.linear.gather [hbm4b:s1+s4], $0x28, $0x38;
	[tilespmem:$0x1FC10] =	vst v63  }
0x32e: {  	s31 =	simm.s32 $0x7A30;
	s28 =	sadd.s32 $0x1, s28;
	s0 =	sadd.s32 s30, s0  }
0x32f: {  	[tilespmem:s31], [sflag:$0x8] =	stream.linear.gather [hbm4b:s0+s4], $0x140, $0x38;
	[tilespmem:$0x1FC10] =	vst v63  }
.LBB2_15:
0x330: {  	_ =	sfence.sel $0x180000  }
0x331: {  	[bflag:$0x0] =	sbarrier.arrive $0xFFFF  }
0x332: {  	_ =	strace $0x90000047  }
0x333: {  	s0 =	stileid.u32;
	[bflag:$0x2] =	sbarrier.arrive $0xFFFF  }
0x334: {  	p0 =	sne.s32 s0, $0x0;
	s0 =	rddreg [dreg:$0x3]  }
0x335: {  	s0 =	sadd.s32 @!p0 $0x100000, s0  }
0x336: {  	[sflag:s0] =	ssyncadd.tile.s32 @!p0 $0x1;
	_ =	shalt  }
.Lfunc_end2:
_tile_overlayer_lowered:
.L_overlay_start_2:
0x337: {  	(tag) =	ssettag $0x2  }
0x338: {  	s0 =	rddreg [dreg:$0x0];
	s2 =	stileid.u32  }
0x339: {  	s1 =	rddreg [dreg:$0x1];
	p0 =	sne.s32 s2, $0x0  }
0x33a: {  	s3 =	rddreg [dreg:$0x2];
	[bflag:$0x3] =	sbarrier.arrive $0xFFFF;
	s2 =	simm.s32 @!p0 $0x1C09  }
0x33b: {  	[timem:s3], [sflag:s2] =	dma.local @!p0 [hbm:s0], s1  }
0x33c: {  	s0 =	simm.s32 @!p0 $0x9  }
0x33d: {  	_ =	swait.ge @!p0 [sflag:s0], s1  }
0x33e: {  	s1 =	ssub.s32 @!p0 $0x0, s1;
	[sflag:s0] =	ssyncset.done @!p0 $0x0  }
0x33f: {  	[sflag:s0] =	ssyncadd.s32 @!p0 s1  }
0x340: {  	[bflag:$0x3] =	sbarrier.arrive $0xFFFF  }
0x341: {  	_ =	shalt  }

</sc_bundles>
